<compile_context>
chip_gen: v7x
topology: tpu7x:2x2x1
jax: 0.10.2.dev20260603
libtpu: 0.0.44.dev20260713+nightly
codegen_flags: <defaults>
</compile_context>

<pallas_src>
import functools
import jax
import jax.numpy as jnp
from jax import lax
from jax.experimental import pallas as pl
from jax.experimental.pallas import tpu as pltpu
from jax.experimental.pallas import tpu_sc as plsc

_N = 10000
_M = 10000
_K = 320000
_D = 128
_H = 256

_NC = 2
_NS = 16
_CHUNK = 128
_CPT = 80
_KPT = _CHUNK * _CPT
_KPAD = _NC * _NS * _KPT
_ACC_ROWS = 11776
_RPT = _ACC_ROWS // _NS
_OPT = 632
_NBUF = 2
_LAG = 1
_IDXW = 16
_NGRP = _CPT // _IDXW


def _sc_gather_scatter_body(table_hbm, gidx_hbm, sidx_hbm, zeros_hbm, out_hbm,
                            gidx_v, sidx_v, rows_v, acc_sh, semG, semS):
  cid = lax.axis_index("c")
  sid = lax.axis_index("s")
  wid = cid * _NS + sid

  zoff = pl.multiple_of(sid * _RPT, 8)
  pltpu.sync_copy(zeros_hbm.at[pl.ds(zoff, _RPT)],
                  acc_sh.at[pl.ds(zoff, _RPT)])
  plsc.subcore_barrier()

  for g in range(_NGRP):
    pltpu.sync_copy(gidx_hbm.at[wid, g], gidx_v)
    pltpu.sync_copy(sidx_hbm.at[wid, g], sidx_v)

    def body(j, carry):
      b = j % _NBUF

      @pl.when(j < _IDXW)
      def _gather():
        @pl.when(j >= _NBUF)
        def _drain():
          pltpu.make_async_copy(rows_v.at[b], acc_sh.at[sidx_v.at[j - _NBUF]],
                                semS.at[b]).wait()
        pltpu.async_copy(table_hbm.at[gidx_v.at[j]], rows_v.at[b], semG.at[b])

      @pl.when(j >= _LAG)
      def _scatter():
        c = j - _LAG
        b2 = c % _NBUF
        pltpu.make_async_copy(table_hbm.at[gidx_v.at[c]], rows_v.at[b2],
                              semG.at[b2]).wait()
        pltpu.async_copy(rows_v.at[b2], acc_sh.at[sidx_v.at[c]], semS.at[b2],
                         add=True)
      return carry

    lax.fori_loop(0, _IDXW + _LAG, body, 0)
    for c in range(_IDXW - _NBUF, _IDXW):
      b = c % _NBUF
      pltpu.make_async_copy(rows_v.at[b], acc_sh.at[sidx_v.at[c]],
                            semS.at[b]).wait()
  plsc.subcore_barrier()

  ooff = pl.multiple_of(jnp.minimum(sid * _OPT, _M - _OPT), 8)
  pltpu.sync_copy(acc_sh.at[pl.ds(ooff, _OPT)],
                  out_hbm.at[cid, pl.ds(ooff, _OPT)])


def _make_sc_pass():
  mesh = plsc.VectorSubcoreMesh(core_axis_name="c", subcore_axis_name="s")
  return pl.kernel(
      _sc_gather_scatter_body,
      out_type=jax.ShapeDtypeStruct((_NC, _M, _D), jnp.float32),
      mesh=mesh,
      scratch_types=[
          pltpu.VMEM((_IDXW, _CHUNK), jnp.int32),
          pltpu.VMEM((_IDXW, _CHUNK), jnp.int32),
          pltpu.VMEM((_NBUF, _CHUNK, _D), jnp.float32),
          pltpu.VMEM_SHARED((_ACC_ROWS, _D), jnp.float32),
          pltpu.SemaphoreType.DMA((_NBUF,)),
          pltpu.SemaphoreType.DMA((_NBUF,)),
      ],
  )


_sc_pass = _make_sc_pass()


def _bn_relu(x, g, b):
  mu = jnp.mean(x, axis=0)
  var = jnp.mean(jnp.square(x - mu), axis=0)
  return jnp.maximum(g * (x - mu) / jnp.sqrt(var + 1e-5) + b, 0.0)


def _tc1_body(p_ref, edge_ref, lvl1_w_ref, lvl1_g_ref, lvl1_b_ref,
              lw1_ref, lg1_ref, lb1_ref, lw2_ref, lg2_ref, lb2_ref,
              eps2_ref, lvl_edge_ref, edge_out_ref):
  lift_aggr = p_ref[0] + p_ref[1]
  edge = edge_ref[...]
  w = lvl1_w_ref[...]
  h = jnp.dot(lift_aggr, w[:_D], preferred_element_type=jnp.float32)
  h = h + jnp.dot(edge, w[_D:], preferred_element_type=jnp.float32)
  lvl_edge_ref[...] = _bn_relu(h, lvl1_g_ref[...], lvl1_b_ref[...])

  y = (1.0 + eps2_ref[0]) * edge + lift_aggr
  y1 = _bn_relu(jnp.dot(y, lw1_ref[...], preferred_element_type=jnp.float32),
                lg1_ref[...], lb1_ref[...])
  edge_out_ref[...] = _bn_relu(
      jnp.dot(y1, lw2_ref[...], preferred_element_type=jnp.float32),
      lg2_ref[...], lb2_ref[...])


def _tc2_body(q_ref, node_ref, w1_ref, g1_ref, b1_ref, w2_ref, g2_ref, b2_ref,
              eps1_ref, node_out_ref):
  x = (1.0 + eps1_ref[0]) * node_ref[...] + (q_ref[0] + q_ref[1])
  x1 = _bn_relu(jnp.dot(x, w1_ref[...], preferred_element_type=jnp.float32),
                g1_ref[...], b1_ref[...])
  node_out_ref[...] = _bn_relu(
      jnp.dot(x1, w2_ref[...], preferred_element_type=jnp.float32),
      g2_ref[...], b2_ref[...])


def kernel(node_rep, edge_rep, node2edge_index,
           lift_w1, lift_g1, lift_b1, lift_w2, lift_g2, lift_b2,
           lvl1_w, lvl1_g, lvl1_b,
           lvl2_w1, lvl2_g1, lvl2_b1, lvl2_w2, lvl2_g2, lvl2_b2,
           eps1, eps2):
  nw = _NC * _NS
  src = node2edge_index[0].reshape(nw, _K // nw)
  dst = node2edge_index[1].reshape(nw, _K // nw)
  ppw = _KPT - _K // nw
  zpad = jnp.zeros((nw, ppw), jnp.int32)
  drange = (_ACC_ROWS - _M) // _NS
  tile_base = _M + (jnp.arange(nw, dtype=jnp.int32) % _NS) * drange
  dump = tile_base[:, None] + (jnp.arange(ppw, dtype=jnp.int32) % drange)[None, :]
  shp = (nw, _NGRP, _IDXW, _CHUNK)
  src_g = jnp.concatenate([src, zpad], 1).reshape(shp)
  dst_s = jnp.concatenate([dst, dump], 1).reshape(shp)
  dst_g = jnp.concatenate([dst, zpad], 1).reshape(shp)
  src_s = jnp.concatenate([src, dump], 1).reshape(shp)
  zeros_init = jnp.zeros((_ACC_ROWS, _D), jnp.float32)

  p = _sc_pass(node_rep, src_g, dst_s, zeros_init)

  eps1r = jnp.reshape(eps1, (1,))
  eps2r = jnp.reshape(eps2, (1,))

  lvl_edge, edge_out = pl.pallas_call(
      _tc1_body,
      out_shape=(jax.ShapeDtypeStruct((_M, _D), jnp.float32),
                 jax.ShapeDtypeStruct((_M, _D), jnp.float32)),
  )(p, edge_rep, lvl1_w, lvl1_g, lvl1_b,
    lift_w1, lift_g1, lift_b1, lift_w2, lift_g2, lift_b2, eps2r)

  q = _sc_pass(lvl_edge, dst_g, src_s, zeros_init)

  node_out = pl.pallas_call(
      _tc2_body,
      out_shape=jax.ShapeDtypeStruct((_N, _D), jnp.float32),
  )(q, node_rep, lvl2_w1, lvl2_g1, lvl2_b1, lvl2_w2, lvl2_g2, lvl2_b2, eps1r)

  return (node_out, edge_out)

# --- scband reference (transcript-rebuilt; emitter-appended) ---
"""Pipeline reference for scband-split-layer-30382598652491 (READ-ONLY COPY).

The authoritative reference and input builder live on the scoring server;
editing this copy changes nothing except your own understanding.
"""

import jax, jax.numpy as jnp
import numpy as np

N = 10000   # nodes
M = 10000   # edges (rows of edge_rep)
K = 320000  # node->edge incidences
D = 128     # hidden_channels
H = D * 2   # _inner_mlp_mult * hidden_channels


def _bn(x, gamma, beta, eps=1e-5):
    # BatchNorm1d in training mode: biased batch statistics over dim 0
    mu = jnp.mean(x, axis=0)
    var = jnp.var(x, axis=0)
    return gamma * (x - mu) / jnp.sqrt(var + eps) + beta


def setup_inputs(seed: int = 0) -> dict:
    key = jax.random.key(seed)
    ks = jax.random.split(key, 10)
    inp = {}
    inp['node_rep'] = jax.random.normal(ks[0], (N, D), dtype=jnp.float32)
    inp['edge_rep'] = jax.random.normal(ks[1], (M, D), dtype=jnp.float32)
    inp['node2edge_index'] = jax.random.randint(ks[2], (2, K), 0, N, dtype=jnp.int32)
    # lift_mlp: Linear(D->H, no bias), BN(H), ReLU, Linear(H->D, no bias), BN(D), ReLU
    inp['lift_w1'] = jax.random.normal(ks[3], (D, H), dtype=jnp.float32) * 0.05
    inp['lift_g1'] = jnp.ones((H,), jnp.float32)
    inp['lift_b1'] = jnp.zeros((H,), jnp.float32)
    inp['lift_w2'] = jax.random.normal(ks[4], (H, D), dtype=jnp.float32) * 0.05
    inp['lift_g2'] = jnp.ones((D,), jnp.float32)
    inp['lift_b2'] = jnp.zeros((D,), jnp.float32)
    # lvl_mlp_1: Linear(2D->D, no bias), BN(D), ReLU
    inp['lvl1_w'] = jax.random.normal(ks[5], (2 * D, D), dtype=jnp.float32) * 0.05
    inp['lvl1_g'] = jnp.ones((D,), jnp.float32)
    inp['lvl1_b'] = jnp.zeros((D,), jnp.float32)
    # lvl_mlp_2: Linear(D->H, no bias), BN(H), ReLU, Linear(H->D, no bias), BN(D), ReLU
    inp['lvl2_w1'] = jax.random.normal(ks[6], (D, H), dtype=jnp.float32) * 0.05
    inp['lvl2_g1'] = jnp.ones((H,), jnp.float32)
    inp['lvl2_b1'] = jnp.zeros((H,), jnp.float32)
    inp['lvl2_w2'] = jax.random.normal(ks[7], (H, D), dtype=jnp.float32) * 0.05
    inp['lvl2_g2'] = jnp.ones((D,), jnp.float32)
    inp['lvl2_b2'] = jnp.zeros((D,), jnp.float32)
    inp['eps1'] = jnp.zeros((), jnp.float32)
    inp['eps2'] = jnp.zeros((), jnp.float32)
    return inp


def reference(node_rep, edge_rep, node2edge_index,
              lift_w1, lift_g1, lift_b1, lift_w2, lift_g2, lift_b2,
              lvl1_w, lvl1_g, lvl1_b,
              lvl2_w1, lvl2_g1, lvl2_b1, lvl2_w2, lvl2_g2, lvl2_b2,
              eps1, eps2):
    src = node2edge_index[0]
    dst = node2edge_index[1]
    # node2edge_val = node_rep[node2edge_index[0]]
    node2edge_val = jnp.take(node_rep, src, axis=0)
    # lift_aggr = scatter_sum(node2edge_val, node2edge_index[1], dim_size=len(edge_rep))
    lift_aggr = jax.ops.segment_sum(node2edge_val, dst, num_segments=M)
    # lvl_mlp_1 on concat
    h = jnp.concatenate([lift_aggr, edge_rep], axis=-1)
    lvl_aggr_edge = jax.nn.relu(_bn(h @ lvl1_w, lvl1_g, lvl1_b))
    lvl_aggr_edge = jnp.take(lvl_aggr_edge, dst, axis=0)
    lvl_aggr = jax.ops.segment_sum(lvl_aggr_edge, src, num_segments=N)
    # node_out = lvl_mlp_2((1 + eps1) * node_rep + lvl_aggr)
    x = (1.0 + eps1) * node_rep + lvl_aggr
    x = jax.nn.relu(_bn(x @ lvl2_w1, lvl2_g1, lvl2_b1))
    node_out = jax.nn.relu(_bn(x @ lvl2_w2, lvl2_g2, lvl2_b2))
    # edge_out = lift_mlp((1 + eps2) * edge_rep + lift_aggr)
    y = (1.0 + eps2) * edge_rep + lift_aggr
    y = jax.nn.relu(_bn(y @ lift_w1, lift_g1, lift_b1))
    edge_out = jax.nn.relu(_bn(y @ lift_w2, lift_g2, lift_b2))
    return (node_out, edge_out)

if __name__ == "__main__":
    import jax
    _d = setup_inputs()
    print(jax.jit(kernel)(*tuple(_d.values())))

</pallas_src>

<mosaic_0001>
#map = affine_map<(d0, d1) -> (0, 0)>
#map1 = affine_map<(d0, d1) -> (0, 0, 0, 0)>
#map2 = affine_map<(d0, d1) -> (0, 0, 0)>
module attributes {stable_mosaic.version = 14 : i64} {
  func.func @_sc_gather_scatter_body(%arg0: i32, %arg1: i32, %arg2: memref<10000x128xf32, #tpu.memory_space<hbm>>, %arg3: memref<32x5x16x128xi32, #tpu.memory_space<hbm>>, %arg4: memref<32x5x16x128xi32, #tpu.memory_space<hbm>>, %arg5: memref<11776x128xf32, #tpu.memory_space<hbm>>, %arg6: memref<2x10000x128xf32, #tpu.memory_space<hbm>>, %arg7: memref<16x128xi32, #tpu.memory_space<vmem>>, %arg8: memref<16x128xi32, #tpu.memory_space<vmem>>, %arg9: memref<2x128x128xf32, #tpu.memory_space<vmem>>, %arg10: memref<11776x128xf32, #tpu.memory_space<vmem_shared>>, %arg11: memref<2x!tpu.dma_semaphore, #tpu.memory_space<semaphore_mem>>, %arg12: memref<2x!tpu.dma_semaphore, #tpu.memory_space<semaphore_mem>>) attributes {dimension_semantics = [#tpu.dimension_semantics<core_parallel>, #tpu.dimension_semantics<subcore_parallel>], iteration_bounds = array<i64: 2, 16>, scalar_prefetch = 0 : i64, scratch_operands = 6 : i64, tpu.core_type = #tpu.core_type<sc_vector_subcore>, window_params = [{transform_indices = #map}, {transform_indices = #map1}, {transform_indices = #map1}, {transform_indices = #map}, {transform_indices = #map2}]} {
    %mul3A = arith.constant 16 : i32
    %mul3A_0 = arith.muli %arg0, %mul3A : i32
    %add3A = arith.addi %mul3A_0, %arg1 : i32
    %mul3A_1 = arith.constant 736 : i32
    %mul3A_2 = arith.muli %arg1, %mul3A_1 : i32
    %multiple_of3A = tpu.assume_multiple %mul3A_2, 8 : i32
    "tpu.region"() ({
      %run_scoped3A_195 = tpu.sem_alloc : memref<!tpu.dma_semaphore, #tpu.memory_space<semaphore_mem>>
      %dma_start3A = arith.constant 0 : i32
      %dma_start3A_196 = tpu.memref_slice %arg10[%multiple_of3A, %dma_start3A] : memref<11776x128xf32, #tpu.memory_space<vmem_shared>> -> memref<736x128xf32, #tpu.memory_space<vmem_shared>>
      %dma_start3A_197 = arith.constant 0 : i32
      %dma_start3A_198 = tpu.memref_slice %arg5[%multiple_of3A, %dma_start3A_197] : memref<11776x128xf32, #tpu.memory_space<hbm>> -> memref<736x128xf32, #tpu.memory_space<hbm>>
      tpu.enqueue_dma source(%dma_start3A_198 : memref<736x128xf32, #tpu.memory_space<hbm>>) target(%dma_start3A_196 : memref<736x128xf32, #tpu.memory_space<vmem_shared>>) target_semaphore(%run_scoped3A_195 : memref<!tpu.dma_semaphore, #tpu.memory_space<semaphore_mem>>)
      %dma_wait3A_199 = arith.constant 0 : i32
      %dma_wait3A_200 = tpu.memref_slice %arg10[%multiple_of3A, %dma_wait3A_199] : memref<11776x128xf32, #tpu.memory_space<vmem_shared>> -> memref<736x128xf32, #tpu.memory_space<vmem_shared>>
      %dma_wait3A_201 = arith.constant 0 : i32
      %dma_wait3A_202 = tpu.memref_slice %arg5[%multiple_of3A, %dma_wait3A_201] : memref<11776x128xf32, #tpu.memory_space<hbm>> -> memref<736x128xf32, #tpu.memory_space<hbm>>
      tpu.wait_dma2 semaphore(%run_scoped3A_195 : memref<!tpu.dma_semaphore, #tpu.memory_space<semaphore_mem>>) src(%dma_wait3A_202 : memref<736x128xf32, #tpu.memory_space<hbm>>) dst(%dma_wait3A_200 : memref<736x128xf32, #tpu.memory_space<vmem_shared>>)
      tpu.yield
    }) : () -> ()
    %barrier3A = arith.constant 0 : index
    tpu.barrier barrier_id(%barrier3A)
    %run_scoped3A = arith.constant 0 : i32
    "tpu.region"() ({
      %run_scoped3A_195 = tpu.sem_alloc : memref<!tpu.dma_semaphore, #tpu.memory_space<semaphore_mem>>
      %dma_start3A = arith.constant 0 : i32
      %dma_start3A_196 = arith.constant 0 : i32
      %dma_start3A_197 = tpu.memref_slice %arg3[%add3A, %run_scoped3A, %dma_start3A, %dma_start3A_196] : memref<32x5x16x128xi32, #tpu.memory_space<hbm>> -> memref<1x1x16x128xi32, #tpu.memory_space<hbm>>
      %dma_start3A_198 = tpu.memref_squeeze %dma_start3A_197 : memref<1x1x16x128xi32, #tpu.memory_space<hbm>> -> memref<16x128xi32, #tpu.memory_space<hbm>>
      %dma_start3A_199 = arith.constant 0 : i32
      %dma_start3A_200 = arith.constant 0 : i32
      %dma_start3A_201 = tpu.memref_slice %arg3[%add3A, %run_scoped3A, %dma_start3A_199, %dma_start3A_200] : memref<32x5x16x128xi32, #tpu.memory_space<hbm>> -> memref<1x1x16x128xi32, #tpu.memory_space<hbm>>
      %dma_start3A_202 = tpu.memref_squeeze %dma_start3A_201 : memref<1x1x16x128xi32, #tpu.memory_space<hbm>> -> memref<16x128xi32, #tpu.memory_space<hbm>>
      tpu.enqueue_dma source(%dma_start3A_202 : memref<16x128xi32, #tpu.memory_space<hbm>>) target(%arg7 : memref<16x128xi32, #tpu.memory_space<vmem>>) target_semaphore(%run_scoped3A_195 : memref<!tpu.dma_semaphore, #tpu.memory_space<semaphore_mem>>)
      %dma_wait3A_203 = arith.constant 0 : i32
      %dma_wait3A_204 = arith.constant 0 : i32
      %dma_wait3A_205 = tpu.memref_slice %arg3[%add3A, %run_scoped3A, %dma_wait3A_203, %dma_wait3A_204] : memref<32x5x16x128xi32, #tpu.memory_space<hbm>> -> memref<1x1x16x128xi32, #tpu.memory_space<hbm>>
      %dma_wait3A_206 = tpu.memref_squeeze %dma_wait3A_205 : memref<1x1x16x128xi32, #tpu.memory_space<hbm>> -> memref<16x128xi32, #tpu.memory_space<hbm>>
      %dma_wait3A_207 = arith.constant 0 : i32
      %dma_wait3A_208 = arith.constant 0 : i32
      %dma_wait3A_209 = tpu.memref_slice %arg3[%add3A, %run_scoped3A, %dma_wait3A_207, %dma_wait3A_208] : memref<32x5x16x128xi32, #tpu.memory_space<hbm>> -> memref<1x1x16x128xi32, #tpu.memory_space<hbm>>
      %dma_wait3A_210 = tpu.memref_squeeze %dma_wait3A_209 : memref<1x1x16x128xi32, #tpu.memory_space<hbm>> -> memref<16x128xi32, #tpu.memory_space<hbm>>
      tpu.wait_dma2 semaphore(%run_scoped3A_195 : memref<!tpu.dma_semaphore, #tpu.memory_space<semaphore_mem>>) src(%dma_wait3A_210 : memref<16x128xi32, #tpu.memory_space<hbm>>) dst(%arg7 : memref<16x128xi32, #tpu.memory_space<vmem>>)
      tpu.yield
    }) : () -> ()
    %run_scoped3A_3 = arith.constant 0 : i32
    "tpu.region"() ({
      %run_scoped3A_195 = tpu.sem_alloc : memref<!tpu.dma_semaphore, #tpu.memory_space<semaphore_mem>>
      %dma_start3A = arith.constant 0 : i32
      %dma_start3A_196 = arith.constant 0 : i32
      %dma_start3A_197 = tpu.memref_slice %arg4[%add3A, %run_scoped3A_3, %dma_start3A, %dma_start3A_196] : memref<32x5x16x128xi32, #tpu.memory_space<hbm>> -> memref<1x1x16x128xi32, #tpu.memory_space<hbm>>
      %dma_start3A_198 = tpu.memref_squeeze %dma_start3A_197 : memref<1x1x16x128xi32, #tpu.memory_space<hbm>> -> memref<16x128xi32, #tpu.memory_space<hbm>>
      %dma_start3A_199 = arith.constant 0 : i32
      %dma_start3A_200 = arith.constant 0 : i32
      %dma_start3A_201 = tpu.memref_slice %arg4[%add3A, %run_scoped3A_3, %dma_start3A_199, %dma_start3A_200] : memref<32x5x16x128xi32, #tpu.memory_space<hbm>> -> memref<1x1x16x128xi32, #tpu.memory_space<hbm>>
      %dma_start3A_202 = tpu.memref_squeeze %dma_start3A_201 : memref<1x1x16x128xi32, #tpu.memory_space<hbm>> -> memref<16x128xi32, #tpu.memory_space<hbm>>
      tpu.enqueue_dma source(%dma_start3A_202 : memref<16x128xi32, #tpu.memory_space<hbm>>) target(%arg8 : memref<16x128xi32, #tpu.memory_space<vmem>>) target_semaphore(%run_scoped3A_195 : memref<!tpu.dma_semaphore, #tpu.memory_space<semaphore_mem>>)
      %dma_wait3A_203 = arith.constant 0 : i32
      %dma_wait3A_204 = arith.constant 0 : i32
      %dma_wait3A_205 = tpu.memref_slice %arg4[%add3A, %run_scoped3A_3, %dma_wait3A_203, %dma_wait3A_204] : memref<32x5x16x128xi32, #tpu.memory_space<hbm>> -> memref<1x1x16x128xi32, #tpu.memory_space<hbm>>
      %dma_wait3A_206 = tpu.memref_squeeze %dma_wait3A_205 : memref<1x1x16x128xi32, #tpu.memory_space<hbm>> -> memref<16x128xi32, #tpu.memory_space<hbm>>
      %dma_wait3A_207 = arith.constant 0 : i32
      %dma_wait3A_208 = arith.constant 0 : i32
      %dma_wait3A_209 = tpu.memref_slice %arg4[%add3A, %run_scoped3A_3, %dma_wait3A_207, %dma_wait3A_208] : memref<32x5x16x128xi32, #tpu.memory_space<hbm>> -> memref<1x1x16x128xi32, #tpu.memory_space<hbm>>
      %dma_wait3A_210 = tpu.memref_squeeze %dma_wait3A_209 : memref<1x1x16x128xi32, #tpu.memory_space<hbm>> -> memref<16x128xi32, #tpu.memory_space<hbm>>
      tpu.wait_dma2 semaphore(%run_scoped3A_195 : memref<!tpu.dma_semaphore, #tpu.memory_space<semaphore_mem>>) src(%dma_wait3A_210 : memref<16x128xi32, #tpu.memory_space<hbm>>) dst(%arg8 : memref<16x128xi32, #tpu.memory_space<vmem>>)
      tpu.yield
    }) : () -> ()
    %scan3A = arith.constant 0 : i32
    %scan3A_4 = arith.constant 0 : i32
    %scan3A_5 = arith.constant 17 : i32
    %scan3A_6 = arith.addi %scan3A_4, %scan3A_5 : i32
    %scan3A_7 = arith.constant 1 : i32
    scf.for %scan3A_195 = %scan3A_4 to %scan3A_6 step %scan3A_7  : i32 {
      %jit3A = arith.constant 2 : i32
      %eq3A = arith.constant 0 : i32
      %eq3A_196 = arith.cmpi eq, %jit3A, %eq3A : i32
      %jit3A_197 = arith.constant 1 : i32
      %select_n3A = arith.select %eq3A_196, %jit3A_197, %jit3A : i32
      %rem3A = arith.remsi %scan3A_195, %select_n3A : i32
      %ne3A = arith.constant 0 : i32
      %ne3A_198 = arith.cmpi ne, %rem3A, %ne3A : i32
      %lt3A = arith.constant 0 : i32
      %lt3A_199 = arith.cmpi slt, %rem3A, %lt3A : i32
      %lt3A_200 = arith.constant 0 : i32
      %lt3A_201 = arith.cmpi slt, %select_n3A, %lt3A_200 : i32
      %ne3A_202 = arith.xori %lt3A_199, %lt3A_201 : i1
      %and3A = arith.andi %ne3A_202, %ne3A_198 : i1
      %add3A_203 = arith.addi %rem3A, %select_n3A : i32
      %select_n3A_204 = arith.select %and3A, %add3A_203, %rem3A : i32
      %lt3A_205 = arith.constant 16 : i32
      %lt3A_206 = arith.cmpi slt, %scan3A_195, %lt3A_205 : i32
      %convert_element_type3A = arith.extui %lt3A_206 : i1 to i32
      %cond3A = arith.constant 0 : i32
      %cond3A_207 = arith.cmpi ne, %convert_element_type3A, %cond3A : i32
      scf.if %cond3A_207 {
        %ge3A_212 = arith.constant 2 : i32
        %ge3A_213 = arith.cmpi sge, %scan3A_195, %ge3A_212 : i32
        %convert_element_type3A_214 = arith.extui %ge3A_213 : i1 to i32
        %cond3A_215 = arith.constant 0 : i32
        %cond3A_216 = arith.cmpi ne, %convert_element_type3A_214, %cond3A_215 : i32
        scf.if %cond3A_216 {
          %sub3A = arith.constant 2 : i32
          %sub3A_228 = arith.subi %scan3A_195, %sub3A : i32
          %dma_wait3A_229 = arith.constant 0 : i32
          %dma_wait3A_230 = arith.constant 0 : i32
          %dma_wait3A_231 = tpu.memref_slice %arg9[%select_n3A_204, %dma_wait3A_229, %dma_wait3A_230] : memref<2x128x128xf32, #tpu.memory_space<vmem>> -> memref<1x128x128xf32, #tpu.memory_space<vmem>>
          %dma_wait3A_232 = tpu.memref_squeeze %dma_wait3A_231 : memref<1x128x128xf32, #tpu.memory_space<vmem>> -> memref<128x128xf32, #tpu.memory_space<vmem>>
          %dma_wait3A_233 = arith.constant 0 : i32
          %dma_wait3A_234 = tpu.memref_slice %arg8[%sub3A_228, %dma_wait3A_233] : memref<16x128xi32, #tpu.memory_space<vmem>> -> memref<1x128xi32, #tpu.memory_space<vmem>>
          %dma_wait3A_235 = tpu.memref_squeeze %dma_wait3A_234 : memref<1x128xi32, #tpu.memory_space<vmem>> -> memref<128xi32, #tpu.memory_space<vmem>>
          %dma_wait3A_236 = arith.constant 0 : i32
          %dma_wait3A_237 = arith.constant 0 : i32
          %dma_wait3A_238 = tpu.memref_slice %arg10[%dma_wait3A_236, %dma_wait3A_237] : memref<11776x128xf32, #tpu.memory_space<vmem_shared>> -> memref<11776x128xf32, #tpu.memory_space<vmem_shared>>
          %dma_wait3A_239 = tpu.memref_slice %arg12[%select_n3A_204] : memref<2x!tpu.dma_semaphore, #tpu.memory_space<semaphore_mem>> -> memref<1x!tpu.dma_semaphore, #tpu.memory_space<semaphore_mem>>
          %dma_wait3A_240 = tpu.memref_squeeze %dma_wait3A_239 : memref<1x!tpu.dma_semaphore, #tpu.memory_space<semaphore_mem>> -> memref<!tpu.dma_semaphore, #tpu.memory_space<semaphore_mem>>
          tpu.wait_indirect_dma semaphore(%dma_wait3A_240 : memref<!tpu.dma_semaphore, #tpu.memory_space<semaphore_mem>>) src(%dma_wait3A_232 : memref<128x128xf32, #tpu.memory_space<vmem>>) dst(%dma_wait3A_238 : memref<11776x128xf32, #tpu.memory_space<vmem_shared>>)
        } else {
        }
        %dma_start3A = arith.constant 0 : i32
        %dma_start3A_217 = arith.constant 0 : i32
        %dma_start3A_218 = tpu.memref_slice %arg9[%select_n3A_204, %dma_start3A, %dma_start3A_217] : memref<2x128x128xf32, #tpu.memory_space<vmem>> -> memref<1x128x128xf32, #tpu.memory_space<vmem>>
        %dma_start3A_219 = tpu.memref_squeeze %dma_start3A_218 : memref<1x128x128xf32, #tpu.memory_space<vmem>> -> memref<128x128xf32, #tpu.memory_space<vmem>>
        %dma_start3A_220 = arith.constant 0 : i32
        %dma_start3A_221 = tpu.memref_slice %arg7[%scan3A_195, %dma_start3A_220] : memref<16x128xi32, #tpu.memory_space<vmem>> -> memref<1x128xi32, #tpu.memory_space<vmem>>
        %dma_start3A_222 = tpu.memref_squeeze %dma_start3A_221 : memref<1x128xi32, #tpu.memory_space<vmem>> -> memref<128xi32, #tpu.memory_space<vmem>>
        %dma_start3A_223 = arith.constant 0 : i32
        %dma_start3A_224 = arith.constant 0 : i32
        %dma_start3A_225 = tpu.memref_slice %arg2[%dma_start3A_223, %dma_start3A_224] : memref<10000x128xf32, #tpu.memory_space<hbm>> -> memref<10000x128xf32, #tpu.memory_space<hbm>>
        %dma_start3A_226 = tpu.memref_slice %arg11[%select_n3A_204] : memref<2x!tpu.dma_semaphore, #tpu.memory_space<semaphore_mem>> -> memref<1x!tpu.dma_semaphore, #tpu.memory_space<semaphore_mem>>
        %dma_start3A_227 = tpu.memref_squeeze %dma_start3A_226 : memref<1x!tpu.dma_semaphore, #tpu.memory_space<semaphore_mem>> -> memref<!tpu.dma_semaphore, #tpu.memory_space<semaphore_mem>>
        tpu.enqueue_indirect_dma source(%dma_start3A_225 : memref<10000x128xf32, #tpu.memory_space<hbm>>) target(%dma_start3A_219 : memref<128x128xf32, #tpu.memory_space<vmem>>) offsets(%dma_start3A_222 : memref<128xi32, #tpu.memory_space<vmem>>) semaphore(%dma_start3A_227 : memref<!tpu.dma_semaphore, #tpu.memory_space<semaphore_mem>>)
      } else {
      }
      %ge3A = arith.constant 1 : i32
      %ge3A_208 = arith.cmpi sge, %scan3A_195, %ge3A : i32
      %convert_element_type3A_209 = arith.extui %ge3A_208 : i1 to i32
      %cond3A_210 = arith.constant 0 : i32
      %cond3A_211 = arith.cmpi ne, %convert_element_type3A_209, %cond3A_210 : i32
      scf.if %cond3A_211 {
        %sub3A = arith.constant 1 : i32
        %sub3A_212 = arith.subi %scan3A_195, %sub3A : i32
        %jit3A_213 = arith.constant 2 : i32
        %eq3A_214 = arith.constant 0 : i32
        %eq3A_215 = arith.cmpi eq, %jit3A_213, %eq3A_214 : i32
        %jit3A_216 = arith.constant 1 : i32
        %select_n3A_217 = arith.select %eq3A_215, %jit3A_216, %jit3A_213 : i32
        %rem3A_218 = arith.remsi %sub3A_212, %select_n3A_217 : i32
        %ne3A_219 = arith.constant 0 : i32
        %ne3A_220 = arith.cmpi ne, %rem3A_218, %ne3A_219 : i32
        %lt3A_221 = arith.constant 0 : i32
        %lt3A_222 = arith.cmpi slt, %rem3A_218, %lt3A_221 : i32
        %lt3A_223 = arith.constant 0 : i32
        %lt3A_224 = arith.cmpi slt, %select_n3A_217, %lt3A_223 : i32
        %ne3A_225 = arith.xori %lt3A_222, %lt3A_224 : i1
        %and3A_226 = arith.andi %ne3A_225, %ne3A_220 : i1
        %add3A_227 = arith.addi %rem3A_218, %select_n3A_217 : i32
        %select_n3A_228 = arith.select %and3A_226, %add3A_227, %rem3A_218 : i32
        %dma_wait3A_229 = arith.constant 0 : i32
        %dma_wait3A_230 = arith.constant 0 : i32
        %dma_wait3A_231 = tpu.memref_slice %arg9[%select_n3A_228, %dma_wait3A_229, %dma_wait3A_230] : memref<2x128x128xf32, #tpu.memory_space<vmem>> -> memref<1x128x128xf32, #tpu.memory_space<vmem>>
        %dma_wait3A_232 = tpu.memref_squeeze %dma_wait3A_231 : memref<1x128x128xf32, #tpu.memory_space<vmem>> -> memref<128x128xf32, #tpu.memory_space<vmem>>
        %dma_wait3A_233 = arith.constant 0 : i32
        %dma_wait3A_234 = tpu.memref_slice %arg7[%sub3A_212, %dma_wait3A_233] : memref<16x128xi32, #tpu.memory_space<vmem>> -> memref<1x128xi32, #tpu.memory_space<vmem>>
        %dma_wait3A_235 = tpu.memref_squeeze %dma_wait3A_234 : memref<1x128xi32, #tpu.memory_space<vmem>> -> memref<128xi32, #tpu.memory_space<vmem>>
        %dma_wait3A_236 = arith.constant 0 : i32
        %dma_wait3A_237 = arith.constant 0 : i32
        %dma_wait3A_238 = tpu.memref_slice %arg2[%dma_wait3A_236, %dma_wait3A_237] : memref<10000x128xf32, #tpu.memory_space<hbm>> -> memref<10000x128xf32, #tpu.memory_space<hbm>>
        %dma_wait3A_239 = tpu.memref_slice %arg11[%select_n3A_228] : memref<2x!tpu.dma_semaphore, #tpu.memory_space<semaphore_mem>> -> memref<1x!tpu.dma_semaphore, #tpu.memory_space<semaphore_mem>>
        %dma_wait3A_240 = tpu.memref_squeeze %dma_wait3A_239 : memref<1x!tpu.dma_semaphore, #tpu.memory_space<semaphore_mem>> -> memref<!tpu.dma_semaphore, #tpu.memory_space<semaphore_mem>>
        tpu.wait_indirect_dma semaphore(%dma_wait3A_240 : memref<!tpu.dma_semaphore, #tpu.memory_space<semaphore_mem>>) src(%dma_wait3A_238 : memref<10000x128xf32, #tpu.memory_space<hbm>>) dst(%dma_wait3A_232 : memref<128x128xf32, #tpu.memory_space<vmem>>)
        %dma_start3A = arith.constant 0 : i32
        %dma_start3A_241 = arith.constant 0 : i32
        %dma_start3A_242 = tpu.memref_slice %arg9[%select_n3A_228, %dma_start3A, %dma_start3A_241] : memref<2x128x128xf32, #tpu.memory_space<vmem>> -> memref<1x128x128xf32, #tpu.memory_space<vmem>>
        %dma_start3A_243 = tpu.memref_squeeze %dma_start3A_242 : memref<1x128x128xf32, #tpu.memory_space<vmem>> -> memref<128x128xf32, #tpu.memory_space<vmem>>
        %dma_start3A_244 = arith.constant 0 : i32
        %dma_start3A_245 = tpu.memref_slice %arg8[%sub3A_212, %dma_start3A_244] : memref<16x128xi32, #tpu.memory_space<vmem>> -> memref<1x128xi32, #tpu.memory_space<vmem>>
        %dma_start3A_246 = tpu.memref_squeeze %dma_start3A_245 : memref<1x128xi32, #tpu.memory_space<vmem>> -> memref<128xi32, #tpu.memory_space<vmem>>
        %dma_start3A_247 = arith.constant 0 : i32
        %dma_start3A_248 = arith.constant 0 : i32
        %dma_start3A_249 = tpu.memref_slice %arg10[%dma_start3A_247, %dma_start3A_248] : memref<11776x128xf32, #tpu.memory_space<vmem_shared>> -> memref<11776x128xf32, #tpu.memory_space<vmem_shared>>
        %dma_start3A_250 = tpu.memref_slice %arg12[%select_n3A_228] : memref<2x!tpu.dma_semaphore, #tpu.memory_space<semaphore_mem>> -> memref<1x!tpu.dma_semaphore, #tpu.memory_space<semaphore_mem>>
        %dma_start3A_251 = tpu.memref_squeeze %dma_start3A_250 : memref<1x!tpu.dma_semaphore, #tpu.memory_space<semaphore_mem>> -> memref<!tpu.dma_semaphore, #tpu.memory_space<semaphore_mem>>
        tpu.enqueue_indirect_dma source(%dma_start3A_243 : memref<128x128xf32, #tpu.memory_space<vmem>>) target(%dma_start3A_249 : memref<11776x128xf32, #tpu.memory_space<vmem_shared>>) offsets(%dma_start3A_246 : memref<128xi32, #tpu.memory_space<vmem>>) semaphore(%dma_start3A_251 : memref<!tpu.dma_semaphore, #tpu.memory_space<semaphore_mem>>) {add = true}
      } else {
      }
    }
    %scan3A_8 = arith.constant 17 : i32
    %dma_wait3A = arith.constant 0 : i32
    %dma_wait3A_9 = arith.constant 14 : i32
    %dma_wait3A_10 = arith.constant 0 : i32
    %dma_wait3A_11 = arith.constant 0 : i32
    %dma_wait3A_12 = arith.constant 0 : i32
    %dma_wait3A_13 = tpu.memref_slice %arg9[%dma_wait3A, %dma_wait3A_11, %dma_wait3A_12] : memref<2x128x128xf32, #tpu.memory_space<vmem>> -> memref<1x128x128xf32, #tpu.memory_space<vmem>>
    %dma_wait3A_14 = tpu.memref_squeeze %dma_wait3A_13 : memref<1x128x128xf32, #tpu.memory_space<vmem>> -> memref<128x128xf32, #tpu.memory_space<vmem>>
    %dma_wait3A_15 = arith.constant 0 : i32
    %dma_wait3A_16 = tpu.memref_slice %arg8[%dma_wait3A_9, %dma_wait3A_15] : memref<16x128xi32, #tpu.memory_space<vmem>> -> memref<1x128xi32, #tpu.memory_space<vmem>>
    %dma_wait3A_17 = tpu.memref_squeeze %dma_wait3A_16 : memref<1x128xi32, #tpu.memory_space<vmem>> -> memref<128xi32, #tpu.memory_space<vmem>>
    %dma_wait3A_18 = arith.constant 0 : i32
    %dma_wait3A_19 = arith.constant 0 : i32
    %dma_wait3A_20 = tpu.memref_slice %arg10[%dma_wait3A_18, %dma_wait3A_19] : memref<11776x128xf32, #tpu.memory_space<vmem_shared>> -> memref<11776x128xf32, #tpu.memory_space<vmem_shared>>
    %dma_wait3A_21 = tpu.memref_slice %arg12[%dma_wait3A_10] : memref<2x!tpu.dma_semaphore, #tpu.memory_space<semaphore_mem>> -> memref<1x!tpu.dma_semaphore, #tpu.memory_space<semaphore_mem>>
    %dma_wait3A_22 = tpu.memref_squeeze %dma_wait3A_21 : memref<1x!tpu.dma_semaphore, #tpu.memory_space<semaphore_mem>> -> memref<!tpu.dma_semaphore, #tpu.memory_space<semaphore_mem>>
    tpu.wait_indirect_dma semaphore(%dma_wait3A_22 : memref<!tpu.dma_semaphore, #tpu.memory_space<semaphore_mem>>) src(%dma_wait3A_14 : memref<128x128xf32, #tpu.memory_space<vmem>>) dst(%dma_wait3A_20 : memref<11776x128xf32, #tpu.memory_space<vmem_shared>>)
    %dma_wait3A_23 = arith.constant 1 : i32
    %dma_wait3A_24 = arith.constant 15 : i32
    %dma_wait3A_25 = arith.constant 1 : i32
    %dma_wait3A_26 = arith.constant 0 : i32
    %dma_wait3A_27 = arith.constant 0 : i32
    %dma_wait3A_28 = tpu.memref_slice %arg9[%dma_wait3A_23, %dma_wait3A_26, %dma_wait3A_27] : memref<2x128x128xf32, #tpu.memory_space<vmem>> -> memref<1x128x128xf32, #tpu.memory_space<vmem>>
    %dma_wait3A_29 = tpu.memref_squeeze %dma_wait3A_28 : memref<1x128x128xf32, #tpu.memory_space<vmem>> -> memref<128x128xf32, #tpu.memory_space<vmem>>
    %dma_wait3A_30 = arith.constant 0 : i32
    %dma_wait3A_31 = tpu.memref_slice %arg8[%dma_wait3A_24, %dma_wait3A_30] : memref<16x128xi32, #tpu.memory_space<vmem>> -> memref<1x128xi32, #tpu.memory_space<vmem>>
    %dma_wait3A_32 = tpu.memref_squeeze %dma_wait3A_31 : memref<1x128xi32, #tpu.memory_space<vmem>> -> memref<128xi32, #tpu.memory_space<vmem>>
    %dma_wait3A_33 = arith.constant 0 : i32
    %dma_wait3A_34 = arith.constant 0 : i32
    %dma_wait3A_35 = tpu.memref_slice %arg10[%dma_wait3A_33, %dma_wait3A_34] : memref<11776x128xf32, #tpu.memory_space<vmem_shared>> -> memref<11776x128xf32, #tpu.memory_space<vmem_shared>>
    %dma_wait3A_36 = tpu.memref_slice %arg12[%dma_wait3A_25] : memref<2x!tpu.dma_semaphore, #tpu.memory_space<semaphore_mem>> -> memref<1x!tpu.dma_semaphore, #tpu.memory_space<semaphore_mem>>
    %dma_wait3A_37 = tpu.memref_squeeze %dma_wait3A_36 : memref<1x!tpu.dma_semaphore, #tpu.memory_space<semaphore_mem>> -> memref<!tpu.dma_semaphore, #tpu.memory_space<semaphore_mem>>
    tpu.wait_indirect_dma semaphore(%dma_wait3A_37 : memref<!tpu.dma_semaphore, #tpu.memory_space<semaphore_mem>>) src(%dma_wait3A_29 : memref<128x128xf32, #tpu.memory_space<vmem>>) dst(%dma_wait3A_35 : memref<11776x128xf32, #tpu.memory_space<vmem_shared>>)
    %run_scoped3A_38 = arith.constant 1 : i32
    "tpu.region"() ({
      %run_scoped3A_195 = tpu.sem_alloc : memref<!tpu.dma_semaphore, #tpu.memory_space<semaphore_mem>>
      %dma_start3A = arith.constant 0 : i32
      %dma_start3A_196 = arith.constant 0 : i32
      %dma_start3A_197 = tpu.memref_slice %arg3[%add3A, %run_scoped3A_38, %dma_start3A, %dma_start3A_196] : memref<32x5x16x128xi32, #tpu.memory_space<hbm>> -> memref<1x1x16x128xi32, #tpu.memory_space<hbm>>
      %dma_start3A_198 = tpu.memref_squeeze %dma_start3A_197 : memref<1x1x16x128xi32, #tpu.memory_space<hbm>> -> memref<16x128xi32, #tpu.memory_space<hbm>>
      %dma_start3A_199 = arith.constant 0 : i32
      %dma_start3A_200 = arith.constant 0 : i32
      %dma_start3A_201 = tpu.memref_slice %arg3[%add3A, %run_scoped3A_38, %dma_start3A_199, %dma_start3A_200] : memref<32x5x16x128xi32, #tpu.memory_space<hbm>> -> memref<1x1x16x128xi32, #tpu.memory_space<hbm>>
      %dma_start3A_202 = tpu.memref_squeeze %dma_start3A_201 : memref<1x1x16x128xi32, #tpu.memory_space<hbm>> -> memref<16x128xi32, #tpu.memory_space<hbm>>
      tpu.enqueue_dma source(%dma_start3A_202 : memref<16x128xi32, #tpu.memory_space<hbm>>) target(%arg7 : memref<16x128xi32, #tpu.memory_space<vmem>>) target_semaphore(%run_scoped3A_195 : memref<!tpu.dma_semaphore, #tpu.memory_space<semaphore_mem>>)
      %dma_wait3A_203 = arith.constant 0 : i32
      %dma_wait3A_204 = arith.constant 0 : i32
      %dma_wait3A_205 = tpu.memref_slice %arg3[%add3A, %run_scoped3A_38, %dma_wait3A_203, %dma_wait3A_204] : memref<32x5x16x128xi32, #tpu.memory_space<hbm>> -> memref<1x1x16x128xi32, #tpu.memory_space<hbm>>
      %dma_wait3A_206 = tpu.memref_squeeze %dma_wait3A_205 : memref<1x1x16x128xi32, #tpu.memory_space<hbm>> -> memref<16x128xi32, #tpu.memory_space<hbm>>
      %dma_wait3A_207 = arith.constant 0 : i32
      %dma_wait3A_208 = arith.constant 0 : i32
      %dma_wait3A_209 = tpu.memref_slice %arg3[%add3A, %run_scoped3A_38, %dma_wait3A_207, %dma_wait3A_208] : memref<32x5x16x128xi32, #tpu.memory_space<hbm>> -> memref<1x1x16x128xi32, #tpu.memory_space<hbm>>
      %dma_wait3A_210 = tpu.memref_squeeze %dma_wait3A_209 : memref<1x1x16x128xi32, #tpu.memory_space<hbm>> -> memref<16x128xi32, #tpu.memory_space<hbm>>
      tpu.wait_dma2 semaphore(%run_scoped3A_195 : memref<!tpu.dma_semaphore, #tpu.memory_space<semaphore_mem>>) src(%dma_wait3A_210 : memref<16x128xi32, #tpu.memory_space<hbm>>) dst(%arg7 : memref<16x128xi32, #tpu.memory_space<vmem>>)
      tpu.yield
    }) : () -> ()
    %run_scoped3A_39 = arith.constant 1 : i32
    "tpu.region"() ({
      %run_scoped3A_195 = tpu.sem_alloc : memref<!tpu.dma_semaphore, #tpu.memory_space<semaphore_mem>>
      %dma_start3A = arith.constant 0 : i32
      %dma_start3A_196 = arith.constant 0 : i32
      %dma_start3A_197 = tpu.memref_slice %arg4[%add3A, %run_scoped3A_39, %dma_start3A, %dma_start3A_196] : memref<32x5x16x128xi32, #tpu.memory_space<hbm>> -> memref<1x1x16x128xi32, #tpu.memory_space<hbm>>
      %dma_start3A_198 = tpu.memref_squeeze %dma_start3A_197 : memref<1x1x16x128xi32, #tpu.memory_space<hbm>> -> memref<16x128xi32, #tpu.memory_space<hbm>>
      %dma_start3A_199 = arith.constant 0 : i32
      %dma_start3A_200 = arith.constant 0 : i32
      %dma_start3A_201 = tpu.memref_slice %arg4[%add3A, %run_scoped3A_39, %dma_start3A_199, %dma_start3A_200] : memref<32x5x16x128xi32, #tpu.memory_space<hbm>> -> memref<1x1x16x128xi32, #tpu.memory_space<hbm>>
      %dma_start3A_202 = tpu.memref_squeeze %dma_start3A_201 : memref<1x1x16x128xi32, #tpu.memory_space<hbm>> -> memref<16x128xi32, #tpu.memory_space<hbm>>
      tpu.enqueue_dma source(%dma_start3A_202 : memref<16x128xi32, #tpu.memory_space<hbm>>) target(%arg8 : memref<16x128xi32, #tpu.memory_space<vmem>>) target_semaphore(%run_scoped3A_195 : memref<!tpu.dma_semaphore, #tpu.memory_space<semaphore_mem>>)
      %dma_wait3A_203 = arith.constant 0 : i32
      %dma_wait3A_204 = arith.constant 0 : i32
      %dma_wait3A_205 = tpu.memref_slice %arg4[%add3A, %run_scoped3A_39, %dma_wait3A_203, %dma_wait3A_204] : memref<32x5x16x128xi32, #tpu.memory_space<hbm>> -> memref<1x1x16x128xi32, #tpu.memory_space<hbm>>
      %dma_wait3A_206 = tpu.memref_squeeze %dma_wait3A_205 : memref<1x1x16x128xi32, #tpu.memory_space<hbm>> -> memref<16x128xi32, #tpu.memory_space<hbm>>
      %dma_wait3A_207 = arith.constant 0 : i32
      %dma_wait3A_208 = arith.constant 0 : i32
      %dma_wait3A_209 = tpu.memref_slice %arg4[%add3A, %run_scoped3A_39, %dma_wait3A_207, %dma_wait3A_208] : memref<32x5x16x128xi32, #tpu.memory_space<hbm>> -> memref<1x1x16x128xi32, #tpu.memory_space<hbm>>
      %dma_wait3A_210 = tpu.memref_squeeze %dma_wait3A_209 : memref<1x1x16x128xi32, #tpu.memory_space<hbm>> -> memref<16x128xi32, #tpu.memory_space<hbm>>
      tpu.wait_dma2 semaphore(%run_scoped3A_195 : memref<!tpu.dma_semaphore, #tpu.memory_space<semaphore_mem>>) src(%dma_wait3A_210 : memref<16x128xi32, #tpu.memory_space<hbm>>) dst(%arg8 : memref<16x128xi32, #tpu.memory_space<vmem>>)
      tpu.yield
    }) : () -> ()
    %scan3A_40 = arith.constant 0 : i32
    %scan3A_41 = arith.constant 0 : i32
    %scan3A_42 = arith.constant 17 : i32
    %scan3A_43 = arith.addi %scan3A_41, %scan3A_42 : i32
    %scan3A_44 = arith.constant 1 : i32
    scf.for %scan3A_195 = %scan3A_41 to %scan3A_43 step %scan3A_44  : i32 {
      %jit3A = arith.constant 2 : i32
      %eq3A = arith.constant 0 : i32
      %eq3A_196 = arith.cmpi eq, %jit3A, %eq3A : i32
      %jit3A_197 = arith.constant 1 : i32
      %select_n3A = arith.select %eq3A_196, %jit3A_197, %jit3A : i32
      %rem3A = arith.remsi %scan3A_195, %select_n3A : i32
      %ne3A = arith.constant 0 : i32
      %ne3A_198 = arith.cmpi ne, %rem3A, %ne3A : i32
      %lt3A = arith.constant 0 : i32
      %lt3A_199 = arith.cmpi slt, %rem3A, %lt3A : i32
      %lt3A_200 = arith.constant 0 : i32
      %lt3A_201 = arith.cmpi slt, %select_n3A, %lt3A_200 : i32
      %ne3A_202 = arith.xori %lt3A_199, %lt3A_201 : i1
      %and3A = arith.andi %ne3A_202, %ne3A_198 : i1
      %add3A_203 = arith.addi %rem3A, %select_n3A : i32
      %select_n3A_204 = arith.select %and3A, %add3A_203, %rem3A : i32
      %lt3A_205 = arith.constant 16 : i32
      %lt3A_206 = arith.cmpi slt, %scan3A_195, %lt3A_205 : i32
      %convert_element_type3A = arith.extui %lt3A_206 : i1 to i32
      %cond3A = arith.constant 0 : i32
      %cond3A_207 = arith.cmpi ne, %convert_element_type3A, %cond3A : i32
      scf.if %cond3A_207 {
        %ge3A_212 = arith.constant 2 : i32
        %ge3A_213 = arith.cmpi sge, %scan3A_195, %ge3A_212 : i32
        %convert_element_type3A_214 = arith.extui %ge3A_213 : i1 to i32
        %cond3A_215 = arith.constant 0 : i32
        %cond3A_216 = arith.cmpi ne, %convert_element_type3A_214, %cond3A_215 : i32
        scf.if %cond3A_216 {
          %sub3A = arith.constant 2 : i32
          %sub3A_228 = arith.subi %scan3A_195, %sub3A : i32
          %dma_wait3A_229 = arith.constant 0 : i32
          %dma_wait3A_230 = arith.constant 0 : i32
          %dma_wait3A_231 = tpu.memref_slice %arg9[%select_n3A_204, %dma_wait3A_229, %dma_wait3A_230] : memref<2x128x128xf32, #tpu.memory_space<vmem>> -> memref<1x128x128xf32, #tpu.memory_space<vmem>>
          %dma_wait3A_232 = tpu.memref_squeeze %dma_wait3A_231 : memref<1x128x128xf32, #tpu.memory_space<vmem>> -> memref<128x128xf32, #tpu.memory_space<vmem>>
          %dma_wait3A_233 = arith.constant 0 : i32
          %dma_wait3A_234 = tpu.memref_slice %arg8[%sub3A_228, %dma_wait3A_233] : memref<16x128xi32, #tpu.memory_space<vmem>> -> memref<1x128xi32, #tpu.memory_space<vmem>>
          %dma_wait3A_235 = tpu.memref_squeeze %dma_wait3A_234 : memref<1x128xi32, #tpu.memory_space<vmem>> -> memref<128xi32, #tpu.memory_space<vmem>>
          %dma_wait3A_236 = arith.constant 0 : i32
          %dma_wait3A_237 = arith.constant 0 : i32
          %dma_wait3A_238 = tpu.memref_slice %arg10[%dma_wait3A_236, %dma_wait3A_237] : memref<11776x128xf32, #tpu.memory_space<vmem_shared>> -> memref<11776x128xf32, #tpu.memory_space<vmem_shared>>
          %dma_wait3A_239 = tpu.memref_slice %arg12[%select_n3A_204] : memref<2x!tpu.dma_semaphore, #tpu.memory_space<semaphore_mem>> -> memref<1x!tpu.dma_semaphore, #tpu.memory_space<semaphore_mem>>
          %dma_wait3A_240 = tpu.memref_squeeze %dma_wait3A_239 : memref<1x!tpu.dma_semaphore, #tpu.memory_space<semaphore_mem>> -> memref<!tpu.dma_semaphore, #tpu.memory_space<semaphore_mem>>
          tpu.wait_indirect_dma semaphore(%dma_wait3A_240 : memref<!tpu.dma_semaphore, #tpu.memory_space<semaphore_mem>>) src(%dma_wait3A_232 : memref<128x128xf32, #tpu.memory_space<vmem>>) dst(%dma_wait3A_238 : memref<11776x128xf32, #tpu.memory_space<vmem_shared>>)
        } else {
        }
        %dma_start3A = arith.constant 0 : i32
        %dma_start3A_217 = arith.constant 0 : i32
        %dma_start3A_218 = tpu.memref_slice %arg9[%select_n3A_204, %dma_start3A, %dma_start3A_217] : memref<2x128x128xf32, #tpu.memory_space<vmem>> -> memref<1x128x128xf32, #tpu.memory_space<vmem>>
        %dma_start3A_219 = tpu.memref_squeeze %dma_start3A_218 : memref<1x128x128xf32, #tpu.memory_space<vmem>> -> memref<128x128xf32, #tpu.memory_space<vmem>>
        %dma_start3A_220 = arith.constant 0 : i32
        %dma_start3A_221 = tpu.memref_slice %arg7[%scan3A_195, %dma_start3A_220] : memref<16x128xi32, #tpu.memory_space<vmem>> -> memref<1x128xi32, #tpu.memory_space<vmem>>
        %dma_start3A_222 = tpu.memref_squeeze %dma_start3A_221 : memref<1x128xi32, #tpu.memory_space<vmem>> -> memref<128xi32, #tpu.memory_space<vmem>>
        %dma_start3A_223 = arith.constant 0 : i32
        %dma_start3A_224 = arith.constant 0 : i32
        %dma_start3A_225 = tpu.memref_slice %arg2[%dma_start3A_223, %dma_start3A_224] : memref<10000x128xf32, #tpu.memory_space<hbm>> -> memref<10000x128xf32, #tpu.memory_space<hbm>>
        %dma_start3A_226 = tpu.memref_slice %arg11[%select_n3A_204] : memref<2x!tpu.dma_semaphore, #tpu.memory_space<semaphore_mem>> -> memref<1x!tpu.dma_semaphore, #tpu.memory_space<semaphore_mem>>
        %dma_start3A_227 = tpu.memref_squeeze %dma_start3A_226 : memref<1x!tpu.dma_semaphore, #tpu.memory_space<semaphore_mem>> -> memref<!tpu.dma_semaphore, #tpu.memory_space<semaphore_mem>>
        tpu.enqueue_indirect_dma source(%dma_start3A_225 : memref<10000x128xf32, #tpu.memory_space<hbm>>) target(%dma_start3A_219 : memref<128x128xf32, #tpu.memory_space<vmem>>) offsets(%dma_start3A_222 : memref<128xi32, #tpu.memory_space<vmem>>) semaphore(%dma_start3A_227 : memref<!tpu.dma_semaphore, #tpu.memory_space<semaphore_mem>>)
      } else {
      }
      %ge3A = arith.constant 1 : i32
      %ge3A_208 = arith.cmpi sge, %scan3A_195, %ge3A : i32
      %convert_element_type3A_209 = arith.extui %ge3A_208 : i1 to i32
      %cond3A_210 = arith.constant 0 : i32
      %cond3A_211 = arith.cmpi ne, %convert_element_type3A_209, %cond3A_210 : i32
      scf.if %cond3A_211 {
        %sub3A = arith.constant 1 : i32
        %sub3A_212 = arith.subi %scan3A_195, %sub3A : i32
        %jit3A_213 = arith.constant 2 : i32
        %eq3A_214 = arith.constant 0 : i32
        %eq3A_215 = arith.cmpi eq, %jit3A_213, %eq3A_214 : i32
        %jit3A_216 = arith.constant 1 : i32
        %select_n3A_217 = arith.select %eq3A_215, %jit3A_216, %jit3A_213 : i32
        %rem3A_218 = arith.remsi %sub3A_212, %select_n3A_217 : i32
        %ne3A_219 = arith.constant 0 : i32
        %ne3A_220 = arith.cmpi ne, %rem3A_218, %ne3A_219 : i32
        %lt3A_221 = arith.constant 0 : i32
        %lt3A_222 = arith.cmpi slt, %rem3A_218, %lt3A_221 : i32
        %lt3A_223 = arith.constant 0 : i32
        %lt3A_224 = arith.cmpi slt, %select_n3A_217, %lt3A_223 : i32
        %ne3A_225 = arith.xori %lt3A_222, %lt3A_224 : i1
        %and3A_226 = arith.andi %ne3A_225, %ne3A_220 : i1
        %add3A_227 = arith.addi %rem3A_218, %select_n3A_217 : i32
        %select_n3A_228 = arith.select %and3A_226, %add3A_227, %rem3A_218 : i32
        %dma_wait3A_229 = arith.constant 0 : i32
        %dma_wait3A_230 = arith.constant 0 : i32
        %dma_wait3A_231 = tpu.memref_slice %arg9[%select_n3A_228, %dma_wait3A_229, %dma_wait3A_230] : memref<2x128x128xf32, #tpu.memory_space<vmem>> -> memref<1x128x128xf32, #tpu.memory_space<vmem>>
        %dma_wait3A_232 = tpu.memref_squeeze %dma_wait3A_231 : memref<1x128x128xf32, #tpu.memory_space<vmem>> -> memref<128x128xf32, #tpu.memory_space<vmem>>
        %dma_wait3A_233 = arith.constant 0 : i32
        %dma_wait3A_234 = tpu.memref_slice %arg7[%sub3A_212, %dma_wait3A_233] : memref<16x128xi32, #tpu.memory_space<vmem>> -> memref<1x128xi32, #tpu.memory_space<vmem>>
        %dma_wait3A_235 = tpu.memref_squeeze %dma_wait3A_234 : memref<1x128xi32, #tpu.memory_space<vmem>> -> memref<128xi32, #tpu.memory_space<vmem>>
        %dma_wait3A_236 = arith.constant 0 : i32
        %dma_wait3A_237 = arith.constant 0 : i32
        %dma_wait3A_238 = tpu.memref_slice %arg2[%dma_wait3A_236, %dma_wait3A_237] : memref<10000x128xf32, #tpu.memory_space<hbm>> -> memref<10000x128xf32, #tpu.memory_space<hbm>>
        %dma_wait3A_239 = tpu.memref_slice %arg11[%select_n3A_228] : memref<2x!tpu.dma_semaphore, #tpu.memory_space<semaphore_mem>> -> memref<1x!tpu.dma_semaphore, #tpu.memory_space<semaphore_mem>>
        %dma_wait3A_240 = tpu.memref_squeeze %dma_wait3A_239 : memref<1x!tpu.dma_semaphore, #tpu.memory_space<semaphore_mem>> -> memref<!tpu.dma_semaphore, #tpu.memory_space<semaphore_mem>>
        tpu.wait_indirect_dma semaphore(%dma_wait3A_240 : memref<!tpu.dma_semaphore, #tpu.memory_space<semaphore_mem>>) src(%dma_wait3A_238 : memref<10000x128xf32, #tpu.memory_space<hbm>>) dst(%dma_wait3A_232 : memref<128x128xf32, #tpu.memory_space<vmem>>)
        %dma_start3A = arith.constant 0 : i32
        %dma_start3A_241 = arith.constant 0 : i32
        %dma_start3A_242 = tpu.memref_slice %arg9[%select_n3A_228, %dma_start3A, %dma_start3A_241] : memref<2x128x128xf32, #tpu.memory_space<vmem>> -> memref<1x128x128xf32, #tpu.memory_space<vmem>>
        %dma_start3A_243 = tpu.memref_squeeze %dma_start3A_242 : memref<1x128x128xf32, #tpu.memory_space<vmem>> -> memref<128x128xf32, #tpu.memory_space<vmem>>
        %dma_start3A_244 = arith.constant 0 : i32
        %dma_start3A_245 = tpu.memref_slice %arg8[%sub3A_212, %dma_start3A_244] : memref<16x128xi32, #tpu.memory_space<vmem>> -> memref<1x128xi32, #tpu.memory_space<vmem>>
        %dma_start3A_246 = tpu.memref_squeeze %dma_start3A_245 : memref<1x128xi32, #tpu.memory_space<vmem>> -> memref<128xi32, #tpu.memory_space<vmem>>
        %dma_start3A_247 = arith.constant 0 : i32
        %dma_start3A_248 = arith.constant 0 : i32
        %dma_start3A_249 = tpu.memref_slice %arg10[%dma_start3A_247, %dma_start3A_248] : memref<11776x128xf32, #tpu.memory_space<vmem_shared>> -> memref<11776x128xf32, #tpu.memory_space<vmem_shared>>
        %dma_start3A_250 = tpu.memref_slice %arg12[%select_n3A_228] : memref<2x!tpu.dma_semaphore, #tpu.memory_space<semaphore_mem>> -> memref<1x!tpu.dma_semaphore, #tpu.memory_space<semaphore_mem>>
        %dma_start3A_251 = tpu.memref_squeeze %dma_start3A_250 : memref<1x!tpu.dma_semaphore, #tpu.memory_space<semaphore_mem>> -> memref<!tpu.dma_semaphore, #tpu.memory_space<semaphore_mem>>
        tpu.enqueue_indirect_dma source(%dma_start3A_243 : memref<128x128xf32, #tpu.memory_space<vmem>>) target(%dma_start3A_249 : memref<11776x128xf32, #tpu.memory_space<vmem_shared>>) offsets(%dma_start3A_246 : memref<128xi32, #tpu.memory_space<vmem>>) semaphore(%dma_start3A_251 : memref<!tpu.dma_semaphore, #tpu.memory_space<semaphore_mem>>) {add = true}
      } else {
      }
    }
    %scan3A_45 = arith.constant 17 : i32
    %dma_wait3A_46 = arith.constant 0 : i32
    %dma_wait3A_47 = arith.constant 14 : i32
    %dma_wait3A_48 = arith.constant 0 : i32
    %dma_wait3A_49 = arith.constant 0 : i32
    %dma_wait3A_50 = arith.constant 0 : i32
    %dma_wait3A_51 = tpu.memref_slice %arg9[%dma_wait3A_46, %dma_wait3A_49, %dma_wait3A_50] : memref<2x128x128xf32, #tpu.memory_space<vmem>> -> memref<1x128x128xf32, #tpu.memory_space<vmem>>
    %dma_wait3A_52 = tpu.memref_squeeze %dma_wait3A_51 : memref<1x128x128xf32, #tpu.memory_space<vmem>> -> memref<128x128xf32, #tpu.memory_space<vmem>>
    %dma_wait3A_53 = arith.constant 0 : i32
    %dma_wait3A_54 = tpu.memref_slice %arg8[%dma_wait3A_47, %dma_wait3A_53] : memref<16x128xi32, #tpu.memory_space<vmem>> -> memref<1x128xi32, #tpu.memory_space<vmem>>
    %dma_wait3A_55 = tpu.memref_squeeze %dma_wait3A_54 : memref<1x128xi32, #tpu.memory_space<vmem>> -> memref<128xi32, #tpu.memory_space<vmem>>
    %dma_wait3A_56 = arith.constant 0 : i32
    %dma_wait3A_57 = arith.constant 0 : i32
    %dma_wait3A_58 = tpu.memref_slice %arg10[%dma_wait3A_56, %dma_wait3A_57] : memref<11776x128xf32, #tpu.memory_space<vmem_shared>> -> memref<11776x128xf32, #tpu.memory_space<vmem_shared>>
    %dma_wait3A_59 = tpu.memref_slice %arg12[%dma_wait3A_48] : memref<2x!tpu.dma_semaphore, #tpu.memory_space<semaphore_mem>> -> memref<1x!tpu.dma_semaphore, #tpu.memory_space<semaphore_mem>>
    %dma_wait3A_60 = tpu.memref_squeeze %dma_wait3A_59 : memref<1x!tpu.dma_semaphore, #tpu.memory_space<semaphore_mem>> -> memref<!tpu.dma_semaphore, #tpu.memory_space<semaphore_mem>>
    tpu.wait_indirect_dma semaphore(%dma_wait3A_60 : memref<!tpu.dma_semaphore, #tpu.memory_space<semaphore_mem>>) src(%dma_wait3A_52 : memref<128x128xf32, #tpu.memory_space<vmem>>) dst(%dma_wait3A_58 : memref<11776x128xf32, #tpu.memory_space<vmem_shared>>)
    %dma_wait3A_61 = arith.constant 1 : i32
    %dma_wait3A_62 = arith.constant 15 : i32
    %dma_wait3A_63 = arith.constant 1 : i32
    %dma_wait3A_64 = arith.constant 0 : i32
    %dma_wait3A_65 = arith.constant 0 : i32
    %dma_wait3A_66 = tpu.memref_slice %arg9[%dma_wait3A_61, %dma_wait3A_64, %dma_wait3A_65] : memref<2x128x128xf32, #tpu.memory_space<vmem>> -> memref<1x128x128xf32, #tpu.memory_space<vmem>>
    %dma_wait3A_67 = tpu.memref_squeeze %dma_wait3A_66 : memref<1x128x128xf32, #tpu.memory_space<vmem>> -> memref<128x128xf32, #tpu.memory_space<vmem>>
    %dma_wait3A_68 = arith.constant 0 : i32
    %dma_wait3A_69 = tpu.memref_slice %arg8[%dma_wait3A_62, %dma_wait3A_68] : memref<16x128xi32, #tpu.memory_space<vmem>> -> memref<1x128xi32, #tpu.memory_space<vmem>>
    %dma_wait3A_70 = tpu.memref_squeeze %dma_wait3A_69 : memref<1x128xi32, #tpu.memory_space<vmem>> -> memref<128xi32, #tpu.memory_space<vmem>>
    %dma_wait3A_71 = arith.constant 0 : i32
    %dma_wait3A_72 = arith.constant 0 : i32
    %dma_wait3A_73 = tpu.memref_slice %arg10[%dma_wait3A_71, %dma_wait3A_72] : memref<11776x128xf32, #tpu.memory_space<vmem_shared>> -> memref<11776x128xf32, #tpu.memory_space<vmem_shared>>
    %dma_wait3A_74 = tpu.memref_slice %arg12[%dma_wait3A_63] : memref<2x!tpu.dma_semaphore, #tpu.memory_space<semaphore_mem>> -> memref<1x!tpu.dma_semaphore, #tpu.memory_space<semaphore_mem>>
    %dma_wait3A_75 = tpu.memref_squeeze %dma_wait3A_74 : memref<1x!tpu.dma_semaphore, #tpu.memory_space<semaphore_mem>> -> memref<!tpu.dma_semaphore, #tpu.memory_space<semaphore_mem>>
    tpu.wait_indirect_dma semaphore(%dma_wait3A_75 : memref<!tpu.dma_semaphore, #tpu.memory_space<semaphore_mem>>) src(%dma_wait3A_67 : memref<128x128xf32, #tpu.memory_space<vmem>>) dst(%dma_wait3A_73 : memref<11776x128xf32, #tpu.memory_space<vmem_shared>>)
    %run_scoped3A_76 = arith.constant 2 : i32
    "tpu.region"() ({
      %run_scoped3A_195 = tpu.sem_alloc : memref<!tpu.dma_semaphore, #tpu.memory_space<semaphore_mem>>
      %dma_start3A = arith.constant 0 : i32
      %dma_start3A_196 = arith.constant 0 : i32
      %dma_start3A_197 = tpu.memref_slice %arg3[%add3A, %run_scoped3A_76, %dma_start3A, %dma_start3A_196] : memref<32x5x16x128xi32, #tpu.memory_space<hbm>> -> memref<1x1x16x128xi32, #tpu.memory_space<hbm>>
      %dma_start3A_198 = tpu.memref_squeeze %dma_start3A_197 : memref<1x1x16x128xi32, #tpu.memory_space<hbm>> -> memref<16x128xi32, #tpu.memory_space<hbm>>
      %dma_start3A_199 = arith.constant 0 : i32
      %dma_start3A_200 = arith.constant 0 : i32
      %dma_start3A_201 = tpu.memref_slice %arg3[%add3A, %run_scoped3A_76, %dma_start3A_199, %dma_start3A_200] : memref<32x5x16x128xi32, #tpu.memory_space<hbm>> -> memref<1x1x16x128xi32, #tpu.memory_space<hbm>>
      %dma_start3A_202 = tpu.memref_squeeze %dma_start3A_201 : memref<1x1x16x128xi32, #tpu.memory_space<hbm>> -> memref<16x128xi32, #tpu.memory_space<hbm>>
      tpu.enqueue_dma source(%dma_start3A_202 : memref<16x128xi32, #tpu.memory_space<hbm>>) target(%arg7 : memref<16x128xi32, #tpu.memory_space<vmem>>) target_semaphore(%run_scoped3A_195 : memref<!tpu.dma_semaphore, #tpu.memory_space<semaphore_mem>>)
      %dma_wait3A_203 = arith.constant 0 : i32
      %dma_wait3A_204 = arith.constant 0 : i32
      %dma_wait3A_205 = tpu.memref_slice %arg3[%add3A, %run_scoped3A_76, %dma_wait3A_203, %dma_wait3A_204] : memref<32x5x16x128xi32, #tpu.memory_space<hbm>> -> memref<1x1x16x128xi32, #tpu.memory_space<hbm>>
      %dma_wait3A_206 = tpu.memref_squeeze %dma_wait3A_205 : memref<1x1x16x128xi32, #tpu.memory_space<hbm>> -> memref<16x128xi32, #tpu.memory_space<hbm>>
      %dma_wait3A_207 = arith.constant 0 : i32
      %dma_wait3A_208 = arith.constant 0 : i32
      %dma_wait3A_209 = tpu.memref_slice %arg3[%add3A, %run_scoped3A_76, %dma_wait3A_207, %dma_wait3A_208] : memref<32x5x16x128xi32, #tpu.memory_space<hbm>> -> memref<1x1x16x128xi32, #tpu.memory_space<hbm>>
      %dma_wait3A_210 = tpu.memref_squeeze %dma_wait3A_209 : memref<1x1x16x128xi32, #tpu.memory_space<hbm>> -> memref<16x128xi32, #tpu.memory_space<hbm>>
      tpu.wait_dma2 semaphore(%run_scoped3A_195 : memref<!tpu.dma_semaphore, #tpu.memory_space<semaphore_mem>>) src(%dma_wait3A_210 : memref<16x128xi32, #tpu.memory_space<hbm>>) dst(%arg7 : memref<16x128xi32, #tpu.memory_space<vmem>>)
      tpu.yield
    }) : () -> ()
    %run_scoped3A_77 = arith.constant 2 : i32
    "tpu.region"() ({
      %run_scoped3A_195 = tpu.sem_alloc : memref<!tpu.dma_semaphore, #tpu.memory_space<semaphore_mem>>
      %dma_start3A = arith.constant 0 : i32
      %dma_start3A_196 = arith.constant 0 : i32
      %dma_start3A_197 = tpu.memref_slice %arg4[%add3A, %run_scoped3A_77, %dma_start3A, %dma_start3A_196] : memref<32x5x16x128xi32, #tpu.memory_space<hbm>> -> memref<1x1x16x128xi32, #tpu.memory_space<hbm>>
      %dma_start3A_198 = tpu.memref_squeeze %dma_start3A_197 : memref<1x1x16x128xi32, #tpu.memory_space<hbm>> -> memref<16x128xi32, #tpu.memory_space<hbm>>
      %dma_start3A_199 = arith.constant 0 : i32
      %dma_start3A_200 = arith.constant 0 : i32
      %dma_start3A_201 = tpu.memref_slice %arg4[%add3A, %run_scoped3A_77, %dma_start3A_199, %dma_start3A_200] : memref<32x5x16x128xi32, #tpu.memory_space<hbm>> -> memref<1x1x16x128xi32, #tpu.memory_space<hbm>>
      %dma_start3A_202 = tpu.memref_squeeze %dma_start3A_201 : memref<1x1x16x128xi32, #tpu.memory_space<hbm>> -> memref<16x128xi32, #tpu.memory_space<hbm>>
      tpu.enqueue_dma source(%dma_start3A_202 : memref<16x128xi32, #tpu.memory_space<hbm>>) target(%arg8 : memref<16x128xi32, #tpu.memory_space<vmem>>) target_semaphore(%run_scoped3A_195 : memref<!tpu.dma_semaphore, #tpu.memory_space<semaphore_mem>>)
      %dma_wait3A_203 = arith.constant 0 : i32
      %dma_wait3A_204 = arith.constant 0 : i32
      %dma_wait3A_205 = tpu.memref_slice %arg4[%add3A, %run_scoped3A_77, %dma_wait3A_203, %dma_wait3A_204] : memref<32x5x16x128xi32, #tpu.memory_space<hbm>> -> memref<1x1x16x128xi32, #tpu.memory_space<hbm>>
      %dma_wait3A_206 = tpu.memref_squeeze %dma_wait3A_205 : memref<1x1x16x128xi32, #tpu.memory_space<hbm>> -> memref<16x128xi32, #tpu.memory_space<hbm>>
      %dma_wait3A_207 = arith.constant 0 : i32
      %dma_wait3A_208 = arith.constant 0 : i32
      %dma_wait3A_209 = tpu.memref_slice %arg4[%add3A, %run_scoped3A_77, %dma_wait3A_207, %dma_wait3A_208] : memref<32x5x16x128xi32, #tpu.memory_space<hbm>> -> memref<1x1x16x128xi32, #tpu.memory_space<hbm>>
      %dma_wait3A_210 = tpu.memref_squeeze %dma_wait3A_209 : memref<1x1x16x128xi32, #tpu.memory_space<hbm>> -> memref<16x128xi32, #tpu.memory_space<hbm>>
      tpu.wait_dma2 semaphore(%run_scoped3A_195 : memref<!tpu.dma_semaphore, #tpu.memory_space<semaphore_mem>>) src(%dma_wait3A_210 : memref<16x128xi32, #tpu.memory_space<hbm>>) dst(%arg8 : memref<16x128xi32, #tpu.memory_space<vmem>>)
      tpu.yield
    }) : () -> ()
    %scan3A_78 = arith.constant 0 : i32
    %scan3A_79 = arith.constant 0 : i32
    %scan3A_80 = arith.constant 17 : i32
    %scan3A_81 = arith.addi %scan3A_79, %scan3A_80 : i32
    %scan3A_82 = arith.constant 1 : i32
    scf.for %scan3A_195 = %scan3A_79 to %scan3A_81 step %scan3A_82  : i32 {
      %jit3A = arith.constant 2 : i32
      %eq3A = arith.constant 0 : i32
      %eq3A_196 = arith.cmpi eq, %jit3A, %eq3A : i32
      %jit3A_197 = arith.constant 1 : i32
      %select_n3A = arith.select %eq3A_196, %jit3A_197, %jit3A : i32
      %rem3A = arith.remsi %scan3A_195, %select_n3A : i32
      %ne3A = arith.constant 0 : i32
      %ne3A_198 = arith.cmpi ne, %rem3A, %ne3A : i32
      %lt3A = arith.constant 0 : i32
      %lt3A_199 = arith.cmpi slt, %rem3A, %lt3A : i32
      %lt3A_200 = arith.constant 0 : i32
      %lt3A_201 = arith.cmpi slt, %select_n3A, %lt3A_200 : i32
      %ne3A_202 = arith.xori %lt3A_199, %lt3A_201 : i1
      %and3A = arith.andi %ne3A_202, %ne3A_198 : i1
      %add3A_203 = arith.addi %rem3A, %select_n3A : i32
      %select_n3A_204 = arith.select %and3A, %add3A_203, %rem3A : i32
      %lt3A_205 = arith.constant 16 : i32
      %lt3A_206 = arith.cmpi slt, %scan3A_195, %lt3A_205 : i32
      %convert_element_type3A = arith.extui %lt3A_206 : i1 to i32
      %cond3A = arith.constant 0 : i32
      %cond3A_207 = arith.cmpi ne, %convert_element_type3A, %cond3A : i32
      scf.if %cond3A_207 {
        %ge3A_212 = arith.constant 2 : i32
        %ge3A_213 = arith.cmpi sge, %scan3A_195, %ge3A_212 : i32
        %convert_element_type3A_214 = arith.extui %ge3A_213 : i1 to i32
        %cond3A_215 = arith.constant 0 : i32
        %cond3A_216 = arith.cmpi ne, %convert_element_type3A_214, %cond3A_215 : i32
        scf.if %cond3A_216 {
          %sub3A = arith.constant 2 : i32
          %sub3A_228 = arith.subi %scan3A_195, %sub3A : i32
          %dma_wait3A_229 = arith.constant 0 : i32
          %dma_wait3A_230 = arith.constant 0 : i32
          %dma_wait3A_231 = tpu.memref_slice %arg9[%select_n3A_204, %dma_wait3A_229, %dma_wait3A_230] : memref<2x128x128xf32, #tpu.memory_space<vmem>> -> memref<1x128x128xf32, #tpu.memory_space<vmem>>
          %dma_wait3A_232 = tpu.memref_squeeze %dma_wait3A_231 : memref<1x128x128xf32, #tpu.memory_space<vmem>> -> memref<128x128xf32, #tpu.memory_space<vmem>>
          %dma_wait3A_233 = arith.constant 0 : i32
          %dma_wait3A_234 = tpu.memref_slice %arg8[%sub3A_228, %dma_wait3A_233] : memref<16x128xi32, #tpu.memory_space<vmem>> -> memref<1x128xi32, #tpu.memory_space<vmem>>
          %dma_wait3A_235 = tpu.memref_squeeze %dma_wait3A_234 : memref<1x128xi32, #tpu.memory_space<vmem>> -> memref<128xi32, #tpu.memory_space<vmem>>
          %dma_wait3A_236 = arith.constant 0 : i32
          %dma_wait3A_237 = arith.constant 0 : i32
          %dma_wait3A_238 = tpu.memref_slice %arg10[%dma_wait3A_236, %dma_wait3A_237] : memref<11776x128xf32, #tpu.memory_space<vmem_shared>> -> memref<11776x128xf32, #tpu.memory_space<vmem_shared>>
          %dma_wait3A_239 = tpu.memref_slice %arg12[%select_n3A_204] : memref<2x!tpu.dma_semaphore, #tpu.memory_space<semaphore_mem>> -> memref<1x!tpu.dma_semaphore, #tpu.memory_space<semaphore_mem>>
          %dma_wait3A_240 = tpu.memref_squeeze %dma_wait3A_239 : memref<1x!tpu.dma_semaphore, #tpu.memory_space<semaphore_mem>> -> memref<!tpu.dma_semaphore, #tpu.memory_space<semaphore_mem>>
          tpu.wait_indirect_dma semaphore(%dma_wait3A_240 : memref<!tpu.dma_semaphore, #tpu.memory_space<semaphore_mem>>) src(%dma_wait3A_232 : memref<128x128xf32, #tpu.memory_space<vmem>>) dst(%dma_wait3A_238 : memref<11776x128xf32, #tpu.memory_space<vmem_shared>>)
        } else {
        }
        %dma_start3A = arith.constant 0 : i32
        %dma_start3A_217 = arith.constant 0 : i32
        %dma_start3A_218 = tpu.memref_slice %arg9[%select_n3A_204, %dma_start3A, %dma_start3A_217] : memref<2x128x128xf32, #tpu.memory_space<vmem>> -> memref<1x128x128xf32, #tpu.memory_space<vmem>>
        %dma_start3A_219 = tpu.memref_squeeze %dma_start3A_218 : memref<1x128x128xf32, #tpu.memory_space<vmem>> -> memref<128x128xf32, #tpu.memory_space<vmem>>
        %dma_start3A_220 = arith.constant 0 : i32
        %dma_start3A_221 = tpu.memref_slice %arg7[%scan3A_195, %dma_start3A_220] : memref<16x128xi32, #tpu.memory_space<vmem>> -> memref<1x128xi32, #tpu.memory_space<vmem>>
        %dma_start3A_222 = tpu.memref_squeeze %dma_start3A_221 : memref<1x128xi32, #tpu.memory_space<vmem>> -> memref<128xi32, #tpu.memory_space<vmem>>
        %dma_start3A_223 = arith.constant 0 : i32
        %dma_start3A_224 = arith.constant 0 : i32
        %dma_start3A_225 = tpu.memref_slice %arg2[%dma_start3A_223, %dma_start3A_224] : memref<10000x128xf32, #tpu.memory_space<hbm>> -> memref<10000x128xf32, #tpu.memory_space<hbm>>
        %dma_start3A_226 = tpu.memref_slice %arg11[%select_n3A_204] : memref<2x!tpu.dma_semaphore, #tpu.memory_space<semaphore_mem>> -> memref<1x!tpu.dma_semaphore, #tpu.memory_space<semaphore_mem>>
        %dma_start3A_227 = tpu.memref_squeeze %dma_start3A_226 : memref<1x!tpu.dma_semaphore, #tpu.memory_space<semaphore_mem>> -> memref<!tpu.dma_semaphore, #tpu.memory_space<semaphore_mem>>
        tpu.enqueue_indirect_dma source(%dma_start3A_225 : memref<10000x128xf32, #tpu.memory_space<hbm>>) target(%dma_start3A_219 : memref<128x128xf32, #tpu.memory_space<vmem>>) offsets(%dma_start3A_222 : memref<128xi32, #tpu.memory_space<vmem>>) semaphore(%dma_start3A_227 : memref<!tpu.dma_semaphore, #tpu.memory_space<semaphore_mem>>)
      } else {
      }
      %ge3A = arith.constant 1 : i32
      %ge3A_208 = arith.cmpi sge, %scan3A_195, %ge3A : i32
      %convert_element_type3A_209 = arith.extui %ge3A_208 : i1 to i32
      %cond3A_210 = arith.constant 0 : i32
      %cond3A_211 = arith.cmpi ne, %convert_element_type3A_209, %cond3A_210 : i32
      scf.if %cond3A_211 {
        %sub3A = arith.constant 1 : i32
        %sub3A_212 = arith.subi %scan3A_195, %sub3A : i32
        %jit3A_213 = arith.constant 2 : i32
        %eq3A_214 = arith.constant 0 : i32
        %eq3A_215 = arith.cmpi eq, %jit3A_213, %eq3A_214 : i32
        %jit3A_216 = arith.constant 1 : i32
        %select_n3A_217 = arith.select %eq3A_215, %jit3A_216, %jit3A_213 : i32
        %rem3A_218 = arith.remsi %sub3A_212, %select_n3A_217 : i32
        %ne3A_219 = arith.constant 0 : i32
        %ne3A_220 = arith.cmpi ne, %rem3A_218, %ne3A_219 : i32
        %lt3A_221 = arith.constant 0 : i32
        %lt3A_222 = arith.cmpi slt, %rem3A_218, %lt3A_221 : i32
        %lt3A_223 = arith.constant 0 : i32
        %lt3A_224 = arith.cmpi slt, %select_n3A_217, %lt3A_223 : i32
        %ne3A_225 = arith.xori %lt3A_222, %lt3A_224 : i1
        %and3A_226 = arith.andi %ne3A_225, %ne3A_220 : i1
        %add3A_227 = arith.addi %rem3A_218, %select_n3A_217 : i32
        %select_n3A_228 = arith.select %and3A_226, %add3A_227, %rem3A_218 : i32
        %dma_wait3A_229 = arith.constant 0 : i32
        %dma_wait3A_230 = arith.constant 0 : i32
        %dma_wait3A_231 = tpu.memref_slice %arg9[%select_n3A_228, %dma_wait3A_229, %dma_wait3A_230] : memref<2x128x128xf32, #tpu.memory_space<vmem>> -> memref<1x128x128xf32, #tpu.memory_space<vmem>>
        %dma_wait3A_232 = tpu.memref_squeeze %dma_wait3A_231 : memref<1x128x128xf32, #tpu.memory_space<vmem>> -> memref<128x128xf32, #tpu.memory_space<vmem>>
        %dma_wait3A_233 = arith.constant 0 : i32
        %dma_wait3A_234 = tpu.memref_slice %arg7[%sub3A_212, %dma_wait3A_233] : memref<16x128xi32, #tpu.memory_space<vmem>> -> memref<1x128xi32, #tpu.memory_space<vmem>>
        %dma_wait3A_235 = tpu.memref_squeeze %dma_wait3A_234 : memref<1x128xi32, #tpu.memory_space<vmem>> -> memref<128xi32, #tpu.memory_space<vmem>>
        %dma_wait3A_236 = arith.constant 0 : i32
        %dma_wait3A_237 = arith.constant 0 : i32
        %dma_wait3A_238 = tpu.memref_slice %arg2[%dma_wait3A_236, %dma_wait3A_237] : memref<10000x128xf32, #tpu.memory_space<hbm>> -> memref<10000x128xf32, #tpu.memory_space<hbm>>
        %dma_wait3A_239 = tpu.memref_slice %arg11[%select_n3A_228] : memref<2x!tpu.dma_semaphore, #tpu.memory_space<semaphore_mem>> -> memref<1x!tpu.dma_semaphore, #tpu.memory_space<semaphore_mem>>
        %dma_wait3A_240 = tpu.memref_squeeze %dma_wait3A_239 : memref<1x!tpu.dma_semaphore, #tpu.memory_space<semaphore_mem>> -> memref<!tpu.dma_semaphore, #tpu.memory_space<semaphore_mem>>
        tpu.wait_indirect_dma semaphore(%dma_wait3A_240 : memref<!tpu.dma_semaphore, #tpu.memory_space<semaphore_mem>>) src(%dma_wait3A_238 : memref<10000x128xf32, #tpu.memory_space<hbm>>) dst(%dma_wait3A_232 : memref<128x128xf32, #tpu.memory_space<vmem>>)
        %dma_start3A = arith.constant 0 : i32
        %dma_start3A_241 = arith.constant 0 : i32
        %dma_start3A_242 = tpu.memref_slice %arg9[%select_n3A_228, %dma_start3A, %dma_start3A_241] : memref<2x128x128xf32, #tpu.memory_space<vmem>> -> memref<1x128x128xf32, #tpu.memory_space<vmem>>
        %dma_start3A_243 = tpu.memref_squeeze %dma_start3A_242 : memref<1x128x128xf32, #tpu.memory_space<vmem>> -> memref<128x128xf32, #tpu.memory_space<vmem>>
        %dma_start3A_244 = arith.constant 0 : i32
        %dma_start3A_245 = tpu.memref_slice %arg8[%sub3A_212, %dma_start3A_244] : memref<16x128xi32, #tpu.memory_space<vmem>> -> memref<1x128xi32, #tpu.memory_space<vmem>>
        %dma_start3A_246 = tpu.memref_squeeze %dma_start3A_245 : memref<1x128xi32, #tpu.memory_space<vmem>> -> memref<128xi32, #tpu.memory_space<vmem>>
        %dma_start3A_247 = arith.constant 0 : i32
        %dma_start3A_248 = arith.constant 0 : i32
        %dma_start3A_249 = tpu.memref_slice %arg10[%dma_start3A_247, %dma_start3A_248] : memref<11776x128xf32, #tpu.memory_space<vmem_shared>> -> memref<11776x128xf32, #tpu.memory_space<vmem_shared>>
        %dma_start3A_250 = tpu.memref_slice %arg12[%select_n3A_228] : memref<2x!tpu.dma_semaphore, #tpu.memory_space<semaphore_mem>> -> memref<1x!tpu.dma_semaphore, #tpu.memory_space<semaphore_mem>>
        %dma_start3A_251 = tpu.memref_squeeze %dma_start3A_250 : memref<1x!tpu.dma_semaphore, #tpu.memory_space<semaphore_mem>> -> memref<!tpu.dma_semaphore, #tpu.memory_space<semaphore_mem>>
        tpu.enqueue_indirect_dma source(%dma_start3A_243 : memref<128x128xf32, #tpu.memory_space<vmem>>) target(%dma_start3A_249 : memref<11776x128xf32, #tpu.memory_space<vmem_shared>>) offsets(%dma_start3A_246 : memref<128xi32, #tpu.memory_space<vmem>>) semaphore(%dma_start3A_251 : memref<!tpu.dma_semaphore, #tpu.memory_space<semaphore_mem>>) {add = true}
      } else {
      }
    }
    %scan3A_83 = arith.constant 17 : i32
    %dma_wait3A_84 = arith.constant 0 : i32
    %dma_wait3A_85 = arith.constant 14 : i32
    %dma_wait3A_86 = arith.constant 0 : i32
    %dma_wait3A_87 = arith.constant 0 : i32
    %dma_wait3A_88 = arith.constant 0 : i32
    %dma_wait3A_89 = tpu.memref_slice %arg9[%dma_wait3A_84, %dma_wait3A_87, %dma_wait3A_88] : memref<2x128x128xf32, #tpu.memory_space<vmem>> -> memref<1x128x128xf32, #tpu.memory_space<vmem>>
    %dma_wait3A_90 = tpu.memref_squeeze %dma_wait3A_89 : memref<1x128x128xf32, #tpu.memory_space<vmem>> -> memref<128x128xf32, #tpu.memory_space<vmem>>
    %dma_wait3A_91 = arith.constant 0 : i32
    %dma_wait3A_92 = tpu.memref_slice %arg8[%dma_wait3A_85, %dma_wait3A_91] : memref<16x128xi32, #tpu.memory_space<vmem>> -> memref<1x128xi32, #tpu.memory_space<vmem>>
    %dma_wait3A_93 = tpu.memref_squeeze %dma_wait3A_92 : memref<1x128xi32, #tpu.memory_space<vmem>> -> memref<128xi32, #tpu.memory_space<vmem>>
    %dma_wait3A_94 = arith.constant 0 : i32
    %dma_wait3A_95 = arith.constant 0 : i32
    %dma_wait3A_96 = tpu.memref_slice %arg10[%dma_wait3A_94, %dma_wait3A_95] : memref<11776x128xf32, #tpu.memory_space<vmem_shared>> -> memref<11776x128xf32, #tpu.memory_space<vmem_shared>>
    %dma_wait3A_97 = tpu.memref_slice %arg12[%dma_wait3A_86] : memref<2x!tpu.dma_semaphore, #tpu.memory_space<semaphore_mem>> -> memref<1x!tpu.dma_semaphore, #tpu.memory_space<semaphore_mem>>
    %dma_wait3A_98 = tpu.memref_squeeze %dma_wait3A_97 : memref<1x!tpu.dma_semaphore, #tpu.memory_space<semaphore_mem>> -> memref<!tpu.dma_semaphore, #tpu.memory_space<semaphore_mem>>
    tpu.wait_indirect_dma semaphore(%dma_wait3A_98 : memref<!tpu.dma_semaphore, #tpu.memory_space<semaphore_mem>>) src(%dma_wait3A_90 : memref<128x128xf32, #tpu.memory_space<vmem>>) dst(%dma_wait3A_96 : memref<11776x128xf32, #tpu.memory_space<vmem_shared>>)
    %dma_wait3A_99 = arith.constant 1 : i32
    %dma_wait3A_100 = arith.constant 15 : i32
    %dma_wait3A_101 = arith.constant 1 : i32
    %dma_wait3A_102 = arith.constant 0 : i32
    %dma_wait3A_103 = arith.constant 0 : i32
    %dma_wait3A_104 = tpu.memref_slice %arg9[%dma_wait3A_99, %dma_wait3A_102, %dma_wait3A_103] : memref<2x128x128xf32, #tpu.memory_space<vmem>> -> memref<1x128x128xf32, #tpu.memory_space<vmem>>
    %dma_wait3A_105 = tpu.memref_squeeze %dma_wait3A_104 : memref<1x128x128xf32, #tpu.memory_space<vmem>> -> memref<128x128xf32, #tpu.memory_space<vmem>>
    %dma_wait3A_106 = arith.constant 0 : i32
    %dma_wait3A_107 = tpu.memref_slice %arg8[%dma_wait3A_100, %dma_wait3A_106] : memref<16x128xi32, #tpu.memory_space<vmem>> -> memref<1x128xi32, #tpu.memory_space<vmem>>
    %dma_wait3A_108 = tpu.memref_squeeze %dma_wait3A_107 : memref<1x128xi32, #tpu.memory_space<vmem>> -> memref<128xi32, #tpu.memory_space<vmem>>
    %dma_wait3A_109 = arith.constant 0 : i32
    %dma_wait3A_110 = arith.constant 0 : i32
    %dma_wait3A_111 = tpu.memref_slice %arg10[%dma_wait3A_109, %dma_wait3A_110] : memref<11776x128xf32, #tpu.memory_space<vmem_shared>> -> memref<11776x128xf32, #tpu.memory_space<vmem_shared>>
    %dma_wait3A_112 = tpu.memref_slice %arg12[%dma_wait3A_101] : memref<2x!tpu.dma_semaphore, #tpu.memory_space<semaphore_mem>> -> memref<1x!tpu.dma_semaphore, #tpu.memory_space<semaphore_mem>>
    %dma_wait3A_113 = tpu.memref_squeeze %dma_wait3A_112 : memref<1x!tpu.dma_semaphore, #tpu.memory_space<semaphore_mem>> -> memref<!tpu.dma_semaphore, #tpu.memory_space<semaphore_mem>>
    tpu.wait_indirect_dma semaphore(%dma_wait3A_113 : memref<!tpu.dma_semaphore, #tpu.memory_space<semaphore_mem>>) src(%dma_wait3A_105 : memref<128x128xf32, #tpu.memory_space<vmem>>) dst(%dma_wait3A_111 : memref<11776x128xf32, #tpu.memory_space<vmem_shared>>)
    %run_scoped3A_114 = arith.constant 3 : i32
    "tpu.region"() ({
      %run_scoped3A_195 = tpu.sem_alloc : memref<!tpu.dma_semaphore, #tpu.memory_space<semaphore_mem>>
      %dma_start3A = arith.constant 0 : i32
      %dma_start3A_196 = arith.constant 0 : i32
      %dma_start3A_197 = tpu.memref_slice %arg3[%add3A, %run_scoped3A_114, %dma_start3A, %dma_start3A_196] : memref<32x5x16x128xi32, #tpu.memory_space<hbm>> -> memref<1x1x16x128xi32, #tpu.memory_space<hbm>>
      %dma_start3A_198 = tpu.memref_squeeze %dma_start3A_197 : memref<1x1x16x128xi32, #tpu.memory_space<hbm>> -> memref<16x128xi32, #tpu.memory_space<hbm>>
      %dma_start3A_199 = arith.constant 0 : i32
      %dma_start3A_200 = arith.constant 0 : i32
      %dma_start3A_201 = tpu.memref_slice %arg3[%add3A, %run_scoped3A_114, %dma_start3A_199, %dma_start3A_200] : memref<32x5x16x128xi32, #tpu.memory_space<hbm>> -> memref<1x1x16x128xi32, #tpu.memory_space<hbm>>
      %dma_start3A_202 = tpu.memref_squeeze %dma_start3A_201 : memref<1x1x16x128xi32, #tpu.memory_space<hbm>> -> memref<16x128xi32, #tpu.memory_space<hbm>>
      tpu.enqueue_dma source(%dma_start3A_202 : memref<16x128xi32, #tpu.memory_space<hbm>>) target(%arg7 : memref<16x128xi32, #tpu.memory_space<vmem>>) target_semaphore(%run_scoped3A_195 : memref<!tpu.dma_semaphore, #tpu.memory_space<semaphore_mem>>)
      %dma_wait3A_203 = arith.constant 0 : i32
      %dma_wait3A_204 = arith.constant 0 : i32
      %dma_wait3A_205 = tpu.memref_slice %arg3[%add3A, %run_scoped3A_114, %dma_wait3A_203, %dma_wait3A_204] : memref<32x5x16x128xi32, #tpu.memory_space<hbm>> -> memref<1x1x16x128xi32, #tpu.memory_space<hbm>>
      %dma_wait3A_206 = tpu.memref_squeeze %dma_wait3A_205 : memref<1x1x16x128xi32, #tpu.memory_space<hbm>> -> memref<16x128xi32, #tpu.memory_space<hbm>>
      %dma_wait3A_207 = arith.constant 0 : i32
      %dma_wait3A_208 = arith.constant 0 : i32
      %dma_wait3A_209 = tpu.memref_slice %arg3[%add3A, %run_scoped3A_114, %dma_wait3A_207, %dma_wait3A_208] : memref<32x5x16x128xi32, #tpu.memory_space<hbm>> -> memref<1x1x16x128xi32, #tpu.memory_space<hbm>>
      %dma_wait3A_210 = tpu.memref_squeeze %dma_wait3A_209 : memref<1x1x16x128xi32, #tpu.memory_space<hbm>> -> memref<16x128xi32, #tpu.memory_space<hbm>>
      tpu.wait_dma2 semaphore(%run_scoped3A_195 : memref<!tpu.dma_semaphore, #tpu.memory_space<semaphore_mem>>) src(%dma_wait3A_210 : memref<16x128xi32, #tpu.memory_space<hbm>>) dst(%arg7 : memref<16x128xi32, #tpu.memory_space<vmem>>)
      tpu.yield
    }) : () -> ()
    %run_scoped3A_115 = arith.constant 3 : i32
    "tpu.region"() ({
      %run_scoped3A_195 = tpu.sem_alloc : memref<!tpu.dma_semaphore, #tpu.memory_space<semaphore_mem>>
      %dma_start3A = arith.constant 0 : i32
      %dma_start3A_196 = arith.constant 0 : i32
      %dma_start3A_197 = tpu.memref_slice %arg4[%add3A, %run_scoped3A_115, %dma_start3A, %dma_start3A_196] : memref<32x5x16x128xi32, #tpu.memory_space<hbm>> -> memref<1x1x16x128xi32, #tpu.memory_space<hbm>>
      %dma_start3A_198 = tpu.memref_squeeze %dma_start3A_197 : memref<1x1x16x128xi32, #tpu.memory_space<hbm>> -> memref<16x128xi32, #tpu.memory_space<hbm>>
      %dma_start3A_199 = arith.constant 0 : i32
      %dma_start3A_200 = arith.constant 0 : i32
      %dma_start3A_201 = tpu.memref_slice %arg4[%add3A, %run_scoped3A_115, %dma_start3A_199, %dma_start3A_200] : memref<32x5x16x128xi32, #tpu.memory_space<hbm>> -> memref<1x1x16x128xi32, #tpu.memory_space<hbm>>
      %dma_start3A_202 = tpu.memref_squeeze %dma_start3A_201 : memref<1x1x16x128xi32, #tpu.memory_space<hbm>> -> memref<16x128xi32, #tpu.memory_space<hbm>>
      tpu.enqueue_dma source(%dma_start3A_202 : memref<16x128xi32, #tpu.memory_space<hbm>>) target(%arg8 : memref<16x128xi32, #tpu.memory_space<vmem>>) target_semaphore(%run_scoped3A_195 : memref<!tpu.dma_semaphore, #tpu.memory_space<semaphore_mem>>)
      %dma_wait3A_203 = arith.constant 0 : i32
      %dma_wait3A_204 = arith.constant 0 : i32
      %dma_wait3A_205 = tpu.memref_slice %arg4[%add3A, %run_scoped3A_115, %dma_wait3A_203, %dma_wait3A_204] : memref<32x5x16x128xi32, #tpu.memory_space<hbm>> -> memref<1x1x16x128xi32, #tpu.memory_space<hbm>>
      %dma_wait3A_206 = tpu.memref_squeeze %dma_wait3A_205 : memref<1x1x16x128xi32, #tpu.memory_space<hbm>> -> memref<16x128xi32, #tpu.memory_space<hbm>>
      %dma_wait3A_207 = arith.constant 0 : i32
      %dma_wait3A_208 = arith.constant 0 : i32
      %dma_wait3A_209 = tpu.memref_slice %arg4[%add3A, %run_scoped3A_115, %dma_wait3A_207, %dma_wait3A_208] : memref<32x5x16x128xi32, #tpu.memory_space<hbm>> -> memref<1x1x16x128xi32, #tpu.memory_space<hbm>>
      %dma_wait3A_210 = tpu.memref_squeeze %dma_wait3A_209 : memref<1x1x16x128xi32, #tpu.memory_space<hbm>> -> memref<16x128xi32, #tpu.memory_space<hbm>>
      tpu.wait_dma2 semaphore(%run_scoped3A_195 : memref<!tpu.dma_semaphore, #tpu.memory_space<semaphore_mem>>) src(%dma_wait3A_210 : memref<16x128xi32, #tpu.memory_space<hbm>>) dst(%arg8 : memref<16x128xi32, #tpu.memory_space<vmem>>)
      tpu.yield
    }) : () -> ()
    %scan3A_116 = arith.constant 0 : i32
    %scan3A_117 = arith.constant 0 : i32
    %scan3A_118 = arith.constant 17 : i32
    %scan3A_119 = arith.addi %scan3A_117, %scan3A_118 : i32
    %scan3A_120 = arith.constant 1 : i32
    scf.for %scan3A_195 = %scan3A_117 to %scan3A_119 step %scan3A_120  : i32 {
      %jit3A = arith.constant 2 : i32
      %eq3A = arith.constant 0 : i32
      %eq3A_196 = arith.cmpi eq, %jit3A, %eq3A : i32
      %jit3A_197 = arith.constant 1 : i32
      %select_n3A = arith.select %eq3A_196, %jit3A_197, %jit3A : i32
      %rem3A = arith.remsi %scan3A_195, %select_n3A : i32
      %ne3A = arith.constant 0 : i32
      %ne3A_198 = arith.cmpi ne, %rem3A, %ne3A : i32
      %lt3A = arith.constant 0 : i32
      %lt3A_199 = arith.cmpi slt, %rem3A, %lt3A : i32
      %lt3A_200 = arith.constant 0 : i32
      %lt3A_201 = arith.cmpi slt, %select_n3A, %lt3A_200 : i32
      %ne3A_202 = arith.xori %lt3A_199, %lt3A_201 : i1
      %and3A = arith.andi %ne3A_202, %ne3A_198 : i1
      %add3A_203 = arith.addi %rem3A, %select_n3A : i32
      %select_n3A_204 = arith.select %and3A, %add3A_203, %rem3A : i32
      %lt3A_205 = arith.constant 16 : i32
      %lt3A_206 = arith.cmpi slt, %scan3A_195, %lt3A_205 : i32
      %convert_element_type3A = arith.extui %lt3A_206 : i1 to i32
      %cond3A = arith.constant 0 : i32
      %cond3A_207 = arith.cmpi ne, %convert_element_type3A, %cond3A : i32
      scf.if %cond3A_207 {
        %ge3A_212 = arith.constant 2 : i32
        %ge3A_213 = arith.cmpi sge, %scan3A_195, %ge3A_212 : i32
        %convert_element_type3A_214 = arith.extui %ge3A_213 : i1 to i32
        %cond3A_215 = arith.constant 0 : i32
        %cond3A_216 = arith.cmpi ne, %convert_element_type3A_214, %cond3A_215 : i32
        scf.if %cond3A_216 {
          %sub3A = arith.constant 2 : i32
          %sub3A_228 = arith.subi %scan3A_195, %sub3A : i32
          %dma_wait3A_229 = arith.constant 0 : i32
          %dma_wait3A_230 = arith.constant 0 : i32
          %dma_wait3A_231 = tpu.memref_slice %arg9[%select_n3A_204, %dma_wait3A_229, %dma_wait3A_230] : memref<2x128x128xf32, #tpu.memory_space<vmem>> -> memref<1x128x128xf32, #tpu.memory_space<vmem>>
          %dma_wait3A_232 = tpu.memref_squeeze %dma_wait3A_231 : memref<1x128x128xf32, #tpu.memory_space<vmem>> -> memref<128x128xf32, #tpu.memory_space<vmem>>
          %dma_wait3A_233 = arith.constant 0 : i32
          %dma_wait3A_234 = tpu.memref_slice %arg8[%sub3A_228, %dma_wait3A_233] : memref<16x128xi32, #tpu.memory_space<vmem>> -> memref<1x128xi32, #tpu.memory_space<vmem>>
          %dma_wait3A_235 = tpu.memref_squeeze %dma_wait3A_234 : memref<1x128xi32, #tpu.memory_space<vmem>> -> memref<128xi32, #tpu.memory_space<vmem>>
          %dma_wait3A_236 = arith.constant 0 : i32
          %dma_wait3A_237 = arith.constant 0 : i32
          %dma_wait3A_238 = tpu.memref_slice %arg10[%dma_wait3A_236, %dma_wait3A_237] : memref<11776x128xf32, #tpu.memory_space<vmem_shared>> -> memref<11776x128xf32, #tpu.memory_space<vmem_shared>>
          %dma_wait3A_239 = tpu.memref_slice %arg12[%select_n3A_204] : memref<2x!tpu.dma_semaphore, #tpu.memory_space<semaphore_mem>> -> memref<1x!tpu.dma_semaphore, #tpu.memory_space<semaphore_mem>>
          %dma_wait3A_240 = tpu.memref_squeeze %dma_wait3A_239 : memref<1x!tpu.dma_semaphore, #tpu.memory_space<semaphore_mem>> -> memref<!tpu.dma_semaphore, #tpu.memory_space<semaphore_mem>>
          tpu.wait_indirect_dma semaphore(%dma_wait3A_240 : memref<!tpu.dma_semaphore, #tpu.memory_space<semaphore_mem>>) src(%dma_wait3A_232 : memref<128x128xf32, #tpu.memory_space<vmem>>) dst(%dma_wait3A_238 : memref<11776x128xf32, #tpu.memory_space<vmem_shared>>)
        } else {
        }
        %dma_start3A = arith.constant 0 : i32
        %dma_start3A_217 = arith.constant 0 : i32
        %dma_start3A_218 = tpu.memref_slice %arg9[%select_n3A_204, %dma_start3A, %dma_start3A_217] : memref<2x128x128xf32, #tpu.memory_space<vmem>> -> memref<1x128x128xf32, #tpu.memory_space<vmem>>
        %dma_start3A_219 = tpu.memref_squeeze %dma_start3A_218 : memref<1x128x128xf32, #tpu.memory_space<vmem>> -> memref<128x128xf32, #tpu.memory_space<vmem>>
        %dma_start3A_220 = arith.constant 0 : i32
        %dma_start3A_221 = tpu.memref_slice %arg7[%scan3A_195, %dma_start3A_220] : memref<16x128xi32, #tpu.memory_space<vmem>> -> memref<1x128xi32, #tpu.memory_space<vmem>>
        %dma_start3A_222 = tpu.memref_squeeze %dma_start3A_221 : memref<1x128xi32, #tpu.memory_space<vmem>> -> memref<128xi32, #tpu.memory_space<vmem>>
        %dma_start3A_223 = arith.constant 0 : i32
        %dma_start3A_224 = arith.constant 0 : i32
        %dma_start3A_225 = tpu.memref_slice %arg2[%dma_start3A_223, %dma_start3A_224] : memref<10000x128xf32, #tpu.memory_space<hbm>> -> memref<10000x128xf32, #tpu.memory_space<hbm>>
        %dma_start3A_226 = tpu.memref_slice %arg11[%select_n3A_204] : memref<2x!tpu.dma_semaphore, #tpu.memory_space<semaphore_mem>> -> memref<1x!tpu.dma_semaphore, #tpu.memory_space<semaphore_mem>>
        %dma_start3A_227 = tpu.memref_squeeze %dma_start3A_226 : memref<1x!tpu.dma_semaphore, #tpu.memory_space<semaphore_mem>> -> memref<!tpu.dma_semaphore, #tpu.memory_space<semaphore_mem>>
        tpu.enqueue_indirect_dma source(%dma_start3A_225 : memref<10000x128xf32, #tpu.memory_space<hbm>>) target(%dma_start3A_219 : memref<128x128xf32, #tpu.memory_space<vmem>>) offsets(%dma_start3A_222 : memref<128xi32, #tpu.memory_space<vmem>>) semaphore(%dma_start3A_227 : memref<!tpu.dma_semaphore, #tpu.memory_space<semaphore_mem>>)
      } else {
      }
      %ge3A = arith.constant 1 : i32
      %ge3A_208 = arith.cmpi sge, %scan3A_195, %ge3A : i32
      %convert_element_type3A_209 = arith.extui %ge3A_208 : i1 to i32
      %cond3A_210 = arith.constant 0 : i32
      %cond3A_211 = arith.cmpi ne, %convert_element_type3A_209, %cond3A_210 : i32
      scf.if %cond3A_211 {
        %sub3A = arith.constant 1 : i32
        %sub3A_212 = arith.subi %scan3A_195, %sub3A : i32
        %jit3A_213 = arith.constant 2 : i32
        %eq3A_214 = arith.constant 0 : i32
        %eq3A_215 = arith.cmpi eq, %jit3A_213, %eq3A_214 : i32
        %jit3A_216 = arith.constant 1 : i32
        %select_n3A_217 = arith.select %eq3A_215, %jit3A_216, %jit3A_213 : i32
        %rem3A_218 = arith.remsi %sub3A_212, %select_n3A_217 : i32
        %ne3A_219 = arith.constant 0 : i32
        %ne3A_220 = arith.cmpi ne, %rem3A_218, %ne3A_219 : i32
        %lt3A_221 = arith.constant 0 : i32
        %lt3A_222 = arith.cmpi slt, %rem3A_218, %lt3A_221 : i32
        %lt3A_223 = arith.constant 0 : i32
        %lt3A_224 = arith.cmpi slt, %select_n3A_217, %lt3A_223 : i32
        %ne3A_225 = arith.xori %lt3A_222, %lt3A_224 : i1
        %and3A_226 = arith.andi %ne3A_225, %ne3A_220 : i1
        %add3A_227 = arith.addi %rem3A_218, %select_n3A_217 : i32
        %select_n3A_228 = arith.select %and3A_226, %add3A_227, %rem3A_218 : i32
        %dma_wait3A_229 = arith.constant 0 : i32
        %dma_wait3A_230 = arith.constant 0 : i32
        %dma_wait3A_231 = tpu.memref_slice %arg9[%select_n3A_228, %dma_wait3A_229, %dma_wait3A_230] : memref<2x128x128xf32, #tpu.memory_space<vmem>> -> memref<1x128x128xf32, #tpu.memory_space<vmem>>
        %dma_wait3A_232 = tpu.memref_squeeze %dma_wait3A_231 : memref<1x128x128xf32, #tpu.memory_space<vmem>> -> memref<128x128xf32, #tpu.memory_space<vmem>>
        %dma_wait3A_233 = arith.constant 0 : i32
        %dma_wait3A_234 = tpu.memref_slice %arg7[%sub3A_212, %dma_wait3A_233] : memref<16x128xi32, #tpu.memory_space<vmem>> -> memref<1x128xi32, #tpu.memory_space<vmem>>
        %dma_wait3A_235 = tpu.memref_squeeze %dma_wait3A_234 : memref<1x128xi32, #tpu.memory_space<vmem>> -> memref<128xi32, #tpu.memory_space<vmem>>
        %dma_wait3A_236 = arith.constant 0 : i32
        %dma_wait3A_237 = arith.constant 0 : i32
        %dma_wait3A_238 = tpu.memref_slice %arg2[%dma_wait3A_236, %dma_wait3A_237] : memref<10000x128xf32, #tpu.memory_space<hbm>> -> memref<10000x128xf32, #tpu.memory_space<hbm>>
        %dma_wait3A_239 = tpu.memref_slice %arg11[%select_n3A_228] : memref<2x!tpu.dma_semaphore, #tpu.memory_space<semaphore_mem>> -> memref<1x!tpu.dma_semaphore, #tpu.memory_space<semaphore_mem>>
        %dma_wait3A_240 = tpu.memref_squeeze %dma_wait3A_239 : memref<1x!tpu.dma_semaphore, #tpu.memory_space<semaphore_mem>> -> memref<!tpu.dma_semaphore, #tpu.memory_space<semaphore_mem>>
        tpu.wait_indirect_dma semaphore(%dma_wait3A_240 : memref<!tpu.dma_semaphore, #tpu.memory_space<semaphore_mem>>) src(%dma_wait3A_238 : memref<10000x128xf32, #tpu.memory_space<hbm>>) dst(%dma_wait3A_232 : memref<128x128xf32, #tpu.memory_space<vmem>>)
        %dma_start3A = arith.constant 0 : i32
        %dma_start3A_241 = arith.constant 0 : i32
        %dma_start3A_242 = tpu.memref_slice %arg9[%select_n3A_228, %dma_start3A, %dma_start3A_241] : memref<2x128x128xf32, #tpu.memory_space<vmem>> -> memref<1x128x128xf32, #tpu.memory_space<vmem>>
        %dma_start3A_243 = tpu.memref_squeeze %dma_start3A_242 : memref<1x128x128xf32, #tpu.memory_space<vmem>> -> memref<128x128xf32, #tpu.memory_space<vmem>>
        %dma_start3A_244 = arith.constant 0 : i32
        %dma_start3A_245 = tpu.memref_slice %arg8[%sub3A_212, %dma_start3A_244] : memref<16x128xi32, #tpu.memory_space<vmem>> -> memref<1x128xi32, #tpu.memory_space<vmem>>
        %dma_start3A_246 = tpu.memref_squeeze %dma_start3A_245 : memref<1x128xi32, #tpu.memory_space<vmem>> -> memref<128xi32, #tpu.memory_space<vmem>>
        %dma_start3A_247 = arith.constant 0 : i32
        %dma_start3A_248 = arith.constant 0 : i32
        %dma_start3A_249 = tpu.memref_slice %arg10[%dma_start3A_247, %dma_start3A_248] : memref<11776x128xf32, #tpu.memory_space<vmem_shared>> -> memref<11776x128xf32, #tpu.memory_space<vmem_shared>>
        %dma_start3A_250 = tpu.memref_slice %arg12[%select_n3A_228] : memref<2x!tpu.dma_semaphore, #tpu.memory_space<semaphore_mem>> -> memref<1x!tpu.dma_semaphore, #tpu.memory_space<semaphore_mem>>
        %dma_start3A_251 = tpu.memref_squeeze %dma_start3A_250 : memref<1x!tpu.dma_semaphore, #tpu.memory_space<semaphore_mem>> -> memref<!tpu.dma_semaphore, #tpu.memory_space<semaphore_mem>>
        tpu.enqueue_indirect_dma source(%dma_start3A_243 : memref<128x128xf32, #tpu.memory_space<vmem>>) target(%dma_start3A_249 : memref<11776x128xf32, #tpu.memory_space<vmem_shared>>) offsets(%dma_start3A_246 : memref<128xi32, #tpu.memory_space<vmem>>) semaphore(%dma_start3A_251 : memref<!tpu.dma_semaphore, #tpu.memory_space<semaphore_mem>>) {add = true}
      } else {
      }
    }
    %scan3A_121 = arith.constant 17 : i32
    %dma_wait3A_122 = arith.constant 0 : i32
    %dma_wait3A_123 = arith.constant 14 : i32
    %dma_wait3A_124 = arith.constant 0 : i32
    %dma_wait3A_125 = arith.constant 0 : i32
    %dma_wait3A_126 = arith.constant 0 : i32
    %dma_wait3A_127 = tpu.memref_slice %arg9[%dma_wait3A_122, %dma_wait3A_125, %dma_wait3A_126] : memref<2x128x128xf32, #tpu.memory_space<vmem>> -> memref<1x128x128xf32, #tpu.memory_space<vmem>>
    %dma_wait3A_128 = tpu.memref_squeeze %dma_wait3A_127 : memref<1x128x128xf32, #tpu.memory_space<vmem>> -> memref<128x128xf32, #tpu.memory_space<vmem>>
    %dma_wait3A_129 = arith.constant 0 : i32
    %dma_wait3A_130 = tpu.memref_slice %arg8[%dma_wait3A_123, %dma_wait3A_129] : memref<16x128xi32, #tpu.memory_space<vmem>> -> memref<1x128xi32, #tpu.memory_space<vmem>>
    %dma_wait3A_131 = tpu.memref_squeeze %dma_wait3A_130 : memref<1x128xi32, #tpu.memory_space<vmem>> -> memref<128xi32, #tpu.memory_space<vmem>>
    %dma_wait3A_132 = arith.constant 0 : i32
    %dma_wait3A_133 = arith.constant 0 : i32
    %dma_wait3A_134 = tpu.memref_slice %arg10[%dma_wait3A_132, %dma_wait3A_133] : memref<11776x128xf32, #tpu.memory_space<vmem_shared>> -> memref<11776x128xf32, #tpu.memory_space<vmem_shared>>
    %dma_wait3A_135 = tpu.memref_slice %arg12[%dma_wait3A_124] : memref<2x!tpu.dma_semaphore, #tpu.memory_space<semaphore_mem>> -> memref<1x!tpu.dma_semaphore, #tpu.memory_space<semaphore_mem>>
    %dma_wait3A_136 = tpu.memref_squeeze %dma_wait3A_135 : memref<1x!tpu.dma_semaphore, #tpu.memory_space<semaphore_mem>> -> memref<!tpu.dma_semaphore, #tpu.memory_space<semaphore_mem>>
    tpu.wait_indirect_dma semaphore(%dma_wait3A_136 : memref<!tpu.dma_semaphore, #tpu.memory_space<semaphore_mem>>) src(%dma_wait3A_128 : memref<128x128xf32, #tpu.memory_space<vmem>>) dst(%dma_wait3A_134 : memref<11776x128xf32, #tpu.memory_space<vmem_shared>>)
    %dma_wait3A_137 = arith.constant 1 : i32
    %dma_wait3A_138 = arith.constant 15 : i32
    %dma_wait3A_139 = arith.constant 1 : i32
    %dma_wait3A_140 = arith.constant 0 : i32
    %dma_wait3A_141 = arith.constant 0 : i32
    %dma_wait3A_142 = tpu.memref_slice %arg9[%dma_wait3A_137, %dma_wait3A_140, %dma_wait3A_141] : memref<2x128x128xf32, #tpu.memory_space<vmem>> -> memref<1x128x128xf32, #tpu.memory_space<vmem>>
    %dma_wait3A_143 = tpu.memref_squeeze %dma_wait3A_142 : memref<1x128x128xf32, #tpu.memory_space<vmem>> -> memref<128x128xf32, #tpu.memory_space<vmem>>
    %dma_wait3A_144 = arith.constant 0 : i32
    %dma_wait3A_145 = tpu.memref_slice %arg8[%dma_wait3A_138, %dma_wait3A_144] : memref<16x128xi32, #tpu.memory_space<vmem>> -> memref<1x128xi32, #tpu.memory_space<vmem>>
    %dma_wait3A_146 = tpu.memref_squeeze %dma_wait3A_145 : memref<1x128xi32, #tpu.memory_space<vmem>> -> memref<128xi32, #tpu.memory_space<vmem>>
    %dma_wait3A_147 = arith.constant 0 : i32
    %dma_wait3A_148 = arith.constant 0 : i32
    %dma_wait3A_149 = tpu.memref_slice %arg10[%dma_wait3A_147, %dma_wait3A_148] : memref<11776x128xf32, #tpu.memory_space<vmem_shared>> -> memref<11776x128xf32, #tpu.memory_space<vmem_shared>>
    %dma_wait3A_150 = tpu.memref_slice %arg12[%dma_wait3A_139] : memref<2x!tpu.dma_semaphore, #tpu.memory_space<semaphore_mem>> -> memref<1x!tpu.dma_semaphore, #tpu.memory_space<semaphore_mem>>
    %dma_wait3A_151 = tpu.memref_squeeze %dma_wait3A_150 : memref<1x!tpu.dma_semaphore, #tpu.memory_space<semaphore_mem>> -> memref<!tpu.dma_semaphore, #tpu.memory_space<semaphore_mem>>
    tpu.wait_indirect_dma semaphore(%dma_wait3A_151 : memref<!tpu.dma_semaphore, #tpu.memory_space<semaphore_mem>>) src(%dma_wait3A_143 : memref<128x128xf32, #tpu.memory_space<vmem>>) dst(%dma_wait3A_149 : memref<11776x128xf32, #tpu.memory_space<vmem_shared>>)
    %run_scoped3A_152 = arith.constant 4 : i32
    "tpu.region"() ({
      %run_scoped3A_195 = tpu.sem_alloc : memref<!tpu.dma_semaphore, #tpu.memory_space<semaphore_mem>>
      %dma_start3A = arith.constant 0 : i32
      %dma_start3A_196 = arith.constant 0 : i32
      %dma_start3A_197 = tpu.memref_slice %arg3[%add3A, %run_scoped3A_152, %dma_start3A, %dma_start3A_196] : memref<32x5x16x128xi32, #tpu.memory_space<hbm>> -> memref<1x1x16x128xi32, #tpu.memory_space<hbm>>
      %dma_start3A_198 = tpu.memref_squeeze %dma_start3A_197 : memref<1x1x16x128xi32, #tpu.memory_space<hbm>> -> memref<16x128xi32, #tpu.memory_space<hbm>>
      %dma_start3A_199 = arith.constant 0 : i32
      %dma_start3A_200 = arith.constant 0 : i32
      %dma_start3A_201 = tpu.memref_slice %arg3[%add3A, %run_scoped3A_152, %dma_start3A_199, %dma_start3A_200] : memref<32x5x16x128xi32, #tpu.memory_space<hbm>> -> memref<1x1x16x128xi32, #tpu.memory_space<hbm>>
      %dma_start3A_202 = tpu.memref_squeeze %dma_start3A_201 : memref<1x1x16x128xi32, #tpu.memory_space<hbm>> -> memref<16x128xi32, #tpu.memory_space<hbm>>
      tpu.enqueue_dma source(%dma_start3A_202 : memref<16x128xi32, #tpu.memory_space<hbm>>) target(%arg7 : memref<16x128xi32, #tpu.memory_space<vmem>>) target_semaphore(%run_scoped3A_195 : memref<!tpu.dma_semaphore, #tpu.memory_space<semaphore_mem>>)
      %dma_wait3A_203 = arith.constant 0 : i32
      %dma_wait3A_204 = arith.constant 0 : i32
      %dma_wait3A_205 = tpu.memref_slice %arg3[%add3A, %run_scoped3A_152, %dma_wait3A_203, %dma_wait3A_204] : memref<32x5x16x128xi32, #tpu.memory_space<hbm>> -> memref<1x1x16x128xi32, #tpu.memory_space<hbm>>
      %dma_wait3A_206 = tpu.memref_squeeze %dma_wait3A_205 : memref<1x1x16x128xi32, #tpu.memory_space<hbm>> -> memref<16x128xi32, #tpu.memory_space<hbm>>
      %dma_wait3A_207 = arith.constant 0 : i32
      %dma_wait3A_208 = arith.constant 0 : i32
      %dma_wait3A_209 = tpu.memref_slice %arg3[%add3A, %run_scoped3A_152, %dma_wait3A_207, %dma_wait3A_208] : memref<32x5x16x128xi32, #tpu.memory_space<hbm>> -> memref<1x1x16x128xi32, #tpu.memory_space<hbm>>
      %dma_wait3A_210 = tpu.memref_squeeze %dma_wait3A_209 : memref<1x1x16x128xi32, #tpu.memory_space<hbm>> -> memref<16x128xi32, #tpu.memory_space<hbm>>
      tpu.wait_dma2 semaphore(%run_scoped3A_195 : memref<!tpu.dma_semaphore, #tpu.memory_space<semaphore_mem>>) src(%dma_wait3A_210 : memref<16x128xi32, #tpu.memory_space<hbm>>) dst(%arg7 : memref<16x128xi32, #tpu.memory_space<vmem>>)
      tpu.yield
    }) : () -> ()
    %run_scoped3A_153 = arith.constant 4 : i32
    "tpu.region"() ({
      %run_scoped3A_195 = tpu.sem_alloc : memref<!tpu.dma_semaphore, #tpu.memory_space<semaphore_mem>>
      %dma_start3A = arith.constant 0 : i32
      %dma_start3A_196 = arith.constant 0 : i32
      %dma_start3A_197 = tpu.memref_slice %arg4[%add3A, %run_scoped3A_153, %dma_start3A, %dma_start3A_196] : memref<32x5x16x128xi32, #tpu.memory_space<hbm>> -> memref<1x1x16x128xi32, #tpu.memory_space<hbm>>
      %dma_start3A_198 = tpu.memref_squeeze %dma_start3A_197 : memref<1x1x16x128xi32, #tpu.memory_space<hbm>> -> memref<16x128xi32, #tpu.memory_space<hbm>>
      %dma_start3A_199 = arith.constant 0 : i32
      %dma_start3A_200 = arith.constant 0 : i32
      %dma_start3A_201 = tpu.memref_slice %arg4[%add3A, %run_scoped3A_153, %dma_start3A_199, %dma_start3A_200] : memref<32x5x16x128xi32, #tpu.memory_space<hbm>> -> memref<1x1x16x128xi32, #tpu.memory_space<hbm>>
      %dma_start3A_202 = tpu.memref_squeeze %dma_start3A_201 : memref<1x1x16x128xi32, #tpu.memory_space<hbm>> -> memref<16x128xi32, #tpu.memory_space<hbm>>
      tpu.enqueue_dma source(%dma_start3A_202 : memref<16x128xi32, #tpu.memory_space<hbm>>) target(%arg8 : memref<16x128xi32, #tpu.memory_space<vmem>>) target_semaphore(%run_scoped3A_195 : memref<!tpu.dma_semaphore, #tpu.memory_space<semaphore_mem>>)
      %dma_wait3A_203 = arith.constant 0 : i32
      %dma_wait3A_204 = arith.constant 0 : i32
      %dma_wait3A_205 = tpu.memref_slice %arg4[%add3A, %run_scoped3A_153, %dma_wait3A_203, %dma_wait3A_204] : memref<32x5x16x128xi32, #tpu.memory_space<hbm>> -> memref<1x1x16x128xi32, #tpu.memory_space<hbm>>
      %dma_wait3A_206 = tpu.memref_squeeze %dma_wait3A_205 : memref<1x1x16x128xi32, #tpu.memory_space<hbm>> -> memref<16x128xi32, #tpu.memory_space<hbm>>
      %dma_wait3A_207 = arith.constant 0 : i32
      %dma_wait3A_208 = arith.constant 0 : i32
      %dma_wait3A_209 = tpu.memref_slice %arg4[%add3A, %run_scoped3A_153, %dma_wait3A_207, %dma_wait3A_208] : memref<32x5x16x128xi32, #tpu.memory_space<hbm>> -> memref<1x1x16x128xi32, #tpu.memory_space<hbm>>
      %dma_wait3A_210 = tpu.memref_squeeze %dma_wait3A_209 : memref<1x1x16x128xi32, #tpu.memory_space<hbm>> -> memref<16x128xi32, #tpu.memory_space<hbm>>
      tpu.wait_dma2 semaphore(%run_scoped3A_195 : memref<!tpu.dma_semaphore, #tpu.memory_space<semaphore_mem>>) src(%dma_wait3A_210 : memref<16x128xi32, #tpu.memory_space<hbm>>) dst(%arg8 : memref<16x128xi32, #tpu.memory_space<vmem>>)
      tpu.yield
    }) : () -> ()
    %scan3A_154 = arith.constant 0 : i32
    %scan3A_155 = arith.constant 0 : i32
    %scan3A_156 = arith.constant 17 : i32
    %scan3A_157 = arith.addi %scan3A_155, %scan3A_156 : i32
    %scan3A_158 = arith.constant 1 : i32
    scf.for %scan3A_195 = %scan3A_155 to %scan3A_157 step %scan3A_158  : i32 {
      %jit3A = arith.constant 2 : i32
      %eq3A = arith.constant 0 : i32
      %eq3A_196 = arith.cmpi eq, %jit3A, %eq3A : i32
      %jit3A_197 = arith.constant 1 : i32
      %select_n3A = arith.select %eq3A_196, %jit3A_197, %jit3A : i32
      %rem3A = arith.remsi %scan3A_195, %select_n3A : i32
      %ne3A = arith.constant 0 : i32
      %ne3A_198 = arith.cmpi ne, %rem3A, %ne3A : i32
      %lt3A = arith.constant 0 : i32
      %lt3A_199 = arith.cmpi slt, %rem3A, %lt3A : i32
      %lt3A_200 = arith.constant 0 : i32
      %lt3A_201 = arith.cmpi slt, %select_n3A, %lt3A_200 : i32
      %ne3A_202 = arith.xori %lt3A_199, %lt3A_201 : i1
      %and3A = arith.andi %ne3A_202, %ne3A_198 : i1
      %add3A_203 = arith.addi %rem3A, %select_n3A : i32
      %select_n3A_204 = arith.select %and3A, %add3A_203, %rem3A : i32
      %lt3A_205 = arith.constant 16 : i32
      %lt3A_206 = arith.cmpi slt, %scan3A_195, %lt3A_205 : i32
      %convert_element_type3A = arith.extui %lt3A_206 : i1 to i32
      %cond3A = arith.constant 0 : i32
      %cond3A_207 = arith.cmpi ne, %convert_element_type3A, %cond3A : i32
      scf.if %cond3A_207 {
        %ge3A_212 = arith.constant 2 : i32
        %ge3A_213 = arith.cmpi sge, %scan3A_195, %ge3A_212 : i32
        %convert_element_type3A_214 = arith.extui %ge3A_213 : i1 to i32
        %cond3A_215 = arith.constant 0 : i32
        %cond3A_216 = arith.cmpi ne, %convert_element_type3A_214, %cond3A_215 : i32
        scf.if %cond3A_216 {
          %sub3A = arith.constant 2 : i32
          %sub3A_228 = arith.subi %scan3A_195, %sub3A : i32
          %dma_wait3A_229 = arith.constant 0 : i32
          %dma_wait3A_230 = arith.constant 0 : i32
          %dma_wait3A_231 = tpu.memref_slice %arg9[%select_n3A_204, %dma_wait3A_229, %dma_wait3A_230] : memref<2x128x128xf32, #tpu.memory_space<vmem>> -> memref<1x128x128xf32, #tpu.memory_space<vmem>>
          %dma_wait3A_232 = tpu.memref_squeeze %dma_wait3A_231 : memref<1x128x128xf32, #tpu.memory_space<vmem>> -> memref<128x128xf32, #tpu.memory_space<vmem>>
          %dma_wait3A_233 = arith.constant 0 : i32
          %dma_wait3A_234 = tpu.memref_slice %arg8[%sub3A_228, %dma_wait3A_233] : memref<16x128xi32, #tpu.memory_space<vmem>> -> memref<1x128xi32, #tpu.memory_space<vmem>>
          %dma_wait3A_235 = tpu.memref_squeeze %dma_wait3A_234 : memref<1x128xi32, #tpu.memory_space<vmem>> -> memref<128xi32, #tpu.memory_space<vmem>>
          %dma_wait3A_236 = arith.constant 0 : i32
          %dma_wait3A_237 = arith.constant 0 : i32
          %dma_wait3A_238 = tpu.memref_slice %arg10[%dma_wait3A_236, %dma_wait3A_237] : memref<11776x128xf32, #tpu.memory_space<vmem_shared>> -> memref<11776x128xf32, #tpu.memory_space<vmem_shared>>
          %dma_wait3A_239 = tpu.memref_slice %arg12[%select_n3A_204] : memref<2x!tpu.dma_semaphore, #tpu.memory_space<semaphore_mem>> -> memref<1x!tpu.dma_semaphore, #tpu.memory_space<semaphore_mem>>
          %dma_wait3A_240 = tpu.memref_squeeze %dma_wait3A_239 : memref<1x!tpu.dma_semaphore, #tpu.memory_space<semaphore_mem>> -> memref<!tpu.dma_semaphore, #tpu.memory_space<semaphore_mem>>
          tpu.wait_indirect_dma semaphore(%dma_wait3A_240 : memref<!tpu.dma_semaphore, #tpu.memory_space<semaphore_mem>>) src(%dma_wait3A_232 : memref<128x128xf32, #tpu.memory_space<vmem>>) dst(%dma_wait3A_238 : memref<11776x128xf32, #tpu.memory_space<vmem_shared>>)
        } else {
        }
        %dma_start3A = arith.constant 0 : i32
        %dma_start3A_217 = arith.constant 0 : i32
        %dma_start3A_218 = tpu.memref_slice %arg9[%select_n3A_204, %dma_start3A, %dma_start3A_217] : memref<2x128x128xf32, #tpu.memory_space<vmem>> -> memref<1x128x128xf32, #tpu.memory_space<vmem>>
        %dma_start3A_219 = tpu.memref_squeeze %dma_start3A_218 : memref<1x128x128xf32, #tpu.memory_space<vmem>> -> memref<128x128xf32, #tpu.memory_space<vmem>>
        %dma_start3A_220 = arith.constant 0 : i32
        %dma_start3A_221 = tpu.memref_slice %arg7[%scan3A_195, %dma_start3A_220] : memref<16x128xi32, #tpu.memory_space<vmem>> -> memref<1x128xi32, #tpu.memory_space<vmem>>
        %dma_start3A_222 = tpu.memref_squeeze %dma_start3A_221 : memref<1x128xi32, #tpu.memory_space<vmem>> -> memref<128xi32, #tpu.memory_space<vmem>>
        %dma_start3A_223 = arith.constant 0 : i32
        %dma_start3A_224 = arith.constant 0 : i32
        %dma_start3A_225 = tpu.memref_slice %arg2[%dma_start3A_223, %dma_start3A_224] : memref<10000x128xf32, #tpu.memory_space<hbm>> -> memref<10000x128xf32, #tpu.memory_space<hbm>>
        %dma_start3A_226 = tpu.memref_slice %arg11[%select_n3A_204] : memref<2x!tpu.dma_semaphore, #tpu.memory_space<semaphore_mem>> -> memref<1x!tpu.dma_semaphore, #tpu.memory_space<semaphore_mem>>
        %dma_start3A_227 = tpu.memref_squeeze %dma_start3A_226 : memref<1x!tpu.dma_semaphore, #tpu.memory_space<semaphore_mem>> -> memref<!tpu.dma_semaphore, #tpu.memory_space<semaphore_mem>>
        tpu.enqueue_indirect_dma source(%dma_start3A_225 : memref<10000x128xf32, #tpu.memory_space<hbm>>) target(%dma_start3A_219 : memref<128x128xf32, #tpu.memory_space<vmem>>) offsets(%dma_start3A_222 : memref<128xi32, #tpu.memory_space<vmem>>) semaphore(%dma_start3A_227 : memref<!tpu.dma_semaphore, #tpu.memory_space<semaphore_mem>>)
      } else {
      }
      %ge3A = arith.constant 1 : i32
      %ge3A_208 = arith.cmpi sge, %scan3A_195, %ge3A : i32
      %convert_element_type3A_209 = arith.extui %ge3A_208 : i1 to i32
      %cond3A_210 = arith.constant 0 : i32
      %cond3A_211 = arith.cmpi ne, %convert_element_type3A_209, %cond3A_210 : i32
      scf.if %cond3A_211 {
        %sub3A = arith.constant 1 : i32
        %sub3A_212 = arith.subi %scan3A_195, %sub3A : i32
        %jit3A_213 = arith.constant 2 : i32
        %eq3A_214 = arith.constant 0 : i32
        %eq3A_215 = arith.cmpi eq, %jit3A_213, %eq3A_214 : i32
        %jit3A_216 = arith.constant 1 : i32
        %select_n3A_217 = arith.select %eq3A_215, %jit3A_216, %jit3A_213 : i32
        %rem3A_218 = arith.remsi %sub3A_212, %select_n3A_217 : i32
        %ne3A_219 = arith.constant 0 : i32
        %ne3A_220 = arith.cmpi ne, %rem3A_218, %ne3A_219 : i32
        %lt3A_221 = arith.constant 0 : i32
        %lt3A_222 = arith.cmpi slt, %rem3A_218, %lt3A_221 : i32
        %lt3A_223 = arith.constant 0 : i32
        %lt3A_224 = arith.cmpi slt, %select_n3A_217, %lt3A_223 : i32
        %ne3A_225 = arith.xori %lt3A_222, %lt3A_224 : i1
        %and3A_226 = arith.andi %ne3A_225, %ne3A_220 : i1
        %add3A_227 = arith.addi %rem3A_218, %select_n3A_217 : i32
        %select_n3A_228 = arith.select %and3A_226, %add3A_227, %rem3A_218 : i32
        %dma_wait3A_229 = arith.constant 0 : i32
        %dma_wait3A_230 = arith.constant 0 : i32
        %dma_wait3A_231 = tpu.memref_slice %arg9[%select_n3A_228, %dma_wait3A_229, %dma_wait3A_230] : memref<2x128x128xf32, #tpu.memory_space<vmem>> -> memref<1x128x128xf32, #tpu.memory_space<vmem>>
        %dma_wait3A_232 = tpu.memref_squeeze %dma_wait3A_231 : memref<1x128x128xf32, #tpu.memory_space<vmem>> -> memref<128x128xf32, #tpu.memory_space<vmem>>
        %dma_wait3A_233 = arith.constant 0 : i32
        %dma_wait3A_234 = tpu.memref_slice %arg7[%sub3A_212, %dma_wait3A_233] : memref<16x128xi32, #tpu.memory_space<vmem>> -> memref<1x128xi32, #tpu.memory_space<vmem>>
        %dma_wait3A_235 = tpu.memref_squeeze %dma_wait3A_234 : memref<1x128xi32, #tpu.memory_space<vmem>> -> memref<128xi32, #tpu.memory_space<vmem>>
        %dma_wait3A_236 = arith.constant 0 : i32
        %dma_wait3A_237 = arith.constant 0 : i32
        %dma_wait3A_238 = tpu.memref_slice %arg2[%dma_wait3A_236, %dma_wait3A_237] : memref<10000x128xf32, #tpu.memory_space<hbm>> -> memref<10000x128xf32, #tpu.memory_space<hbm>>
        %dma_wait3A_239 = tpu.memref_slice %arg11[%select_n3A_228] : memref<2x!tpu.dma_semaphore, #tpu.memory_space<semaphore_mem>> -> memref<1x!tpu.dma_semaphore, #tpu.memory_space<semaphore_mem>>
        %dma_wait3A_240 = tpu.memref_squeeze %dma_wait3A_239 : memref<1x!tpu.dma_semaphore, #tpu.memory_space<semaphore_mem>> -> memref<!tpu.dma_semaphore, #tpu.memory_space<semaphore_mem>>
        tpu.wait_indirect_dma semaphore(%dma_wait3A_240 : memref<!tpu.dma_semaphore, #tpu.memory_space<semaphore_mem>>) src(%dma_wait3A_238 : memref<10000x128xf32, #tpu.memory_space<hbm>>) dst(%dma_wait3A_232 : memref<128x128xf32, #tpu.memory_space<vmem>>)
        %dma_start3A = arith.constant 0 : i32
        %dma_start3A_241 = arith.constant 0 : i32
        %dma_start3A_242 = tpu.memref_slice %arg9[%select_n3A_228, %dma_start3A, %dma_start3A_241] : memref<2x128x128xf32, #tpu.memory_space<vmem>> -> memref<1x128x128xf32, #tpu.memory_space<vmem>>
        %dma_start3A_243 = tpu.memref_squeeze %dma_start3A_242 : memref<1x128x128xf32, #tpu.memory_space<vmem>> -> memref<128x128xf32, #tpu.memory_space<vmem>>
        %dma_start3A_244 = arith.constant 0 : i32
        %dma_start3A_245 = tpu.memref_slice %arg8[%sub3A_212, %dma_start3A_244] : memref<16x128xi32, #tpu.memory_space<vmem>> -> memref<1x128xi32, #tpu.memory_space<vmem>>
        %dma_start3A_246 = tpu.memref_squeeze %dma_start3A_245 : memref<1x128xi32, #tpu.memory_space<vmem>> -> memref<128xi32, #tpu.memory_space<vmem>>
        %dma_start3A_247 = arith.constant 0 : i32
        %dma_start3A_248 = arith.constant 0 : i32
        %dma_start3A_249 = tpu.memref_slice %arg10[%dma_start3A_247, %dma_start3A_248] : memref<11776x128xf32, #tpu.memory_space<vmem_shared>> -> memref<11776x128xf32, #tpu.memory_space<vmem_shared>>
        %dma_start3A_250 = tpu.memref_slice %arg12[%select_n3A_228] : memref<2x!tpu.dma_semaphore, #tpu.memory_space<semaphore_mem>> -> memref<1x!tpu.dma_semaphore, #tpu.memory_space<semaphore_mem>>
        %dma_start3A_251 = tpu.memref_squeeze %dma_start3A_250 : memref<1x!tpu.dma_semaphore, #tpu.memory_space<semaphore_mem>> -> memref<!tpu.dma_semaphore, #tpu.memory_space<semaphore_mem>>
        tpu.enqueue_indirect_dma source(%dma_start3A_243 : memref<128x128xf32, #tpu.memory_space<vmem>>) target(%dma_start3A_249 : memref<11776x128xf32, #tpu.memory_space<vmem_shared>>) offsets(%dma_start3A_246 : memref<128xi32, #tpu.memory_space<vmem>>) semaphore(%dma_start3A_251 : memref<!tpu.dma_semaphore, #tpu.memory_space<semaphore_mem>>) {add = true}
      } else {
      }
    }
    %scan3A_159 = arith.constant 17 : i32
    %dma_wait3A_160 = arith.constant 0 : i32
    %dma_wait3A_161 = arith.constant 14 : i32
    %dma_wait3A_162 = arith.constant 0 : i32
    %dma_wait3A_163 = arith.constant 0 : i32
    %dma_wait3A_164 = arith.constant 0 : i32
    %dma_wait3A_165 = tpu.memref_slice %arg9[%dma_wait3A_160, %dma_wait3A_163, %dma_wait3A_164] : memref<2x128x128xf32, #tpu.memory_space<vmem>> -> memref<1x128x128xf32, #tpu.memory_space<vmem>>
    %dma_wait3A_166 = tpu.memref_squeeze %dma_wait3A_165 : memref<1x128x128xf32, #tpu.memory_space<vmem>> -> memref<128x128xf32, #tpu.memory_space<vmem>>
    %dma_wait3A_167 = arith.constant 0 : i32
    %dma_wait3A_168 = tpu.memref_slice %arg8[%dma_wait3A_161, %dma_wait3A_167] : memref<16x128xi32, #tpu.memory_space<vmem>> -> memref<1x128xi32, #tpu.memory_space<vmem>>
    %dma_wait3A_169 = tpu.memref_squeeze %dma_wait3A_168 : memref<1x128xi32, #tpu.memory_space<vmem>> -> memref<128xi32, #tpu.memory_space<vmem>>
    %dma_wait3A_170 = arith.constant 0 : i32
    %dma_wait3A_171 = arith.constant 0 : i32
    %dma_wait3A_172 = tpu.memref_slice %arg10[%dma_wait3A_170, %dma_wait3A_171] : memref<11776x128xf32, #tpu.memory_space<vmem_shared>> -> memref<11776x128xf32, #tpu.memory_space<vmem_shared>>
    %dma_wait3A_173 = tpu.memref_slice %arg12[%dma_wait3A_162] : memref<2x!tpu.dma_semaphore, #tpu.memory_space<semaphore_mem>> -> memref<1x!tpu.dma_semaphore, #tpu.memory_space<semaphore_mem>>
    %dma_wait3A_174 = tpu.memref_squeeze %dma_wait3A_173 : memref<1x!tpu.dma_semaphore, #tpu.memory_space<semaphore_mem>> -> memref<!tpu.dma_semaphore, #tpu.memory_space<semaphore_mem>>
    tpu.wait_indirect_dma semaphore(%dma_wait3A_174 : memref<!tpu.dma_semaphore, #tpu.memory_space<semaphore_mem>>) src(%dma_wait3A_166 : memref<128x128xf32, #tpu.memory_space<vmem>>) dst(%dma_wait3A_172 : memref<11776x128xf32, #tpu.memory_space<vmem_shared>>)
    %dma_wait3A_175 = arith.constant 1 : i32
    %dma_wait3A_176 = arith.constant 15 : i32
    %dma_wait3A_177 = arith.constant 1 : i32
    %dma_wait3A_178 = arith.constant 0 : i32
    %dma_wait3A_179 = arith.constant 0 : i32
    %dma_wait3A_180 = tpu.memref_slice %arg9[%dma_wait3A_175, %dma_wait3A_178, %dma_wait3A_179] : memref<2x128x128xf32, #tpu.memory_space<vmem>> -> memref<1x128x128xf32, #tpu.memory_space<vmem>>
    %dma_wait3A_181 = tpu.memref_squeeze %dma_wait3A_180 : memref<1x128x128xf32, #tpu.memory_space<vmem>> -> memref<128x128xf32, #tpu.memory_space<vmem>>
    %dma_wait3A_182 = arith.constant 0 : i32
    %dma_wait3A_183 = tpu.memref_slice %arg8[%dma_wait3A_176, %dma_wait3A_182] : memref<16x128xi32, #tpu.memory_space<vmem>> -> memref<1x128xi32, #tpu.memory_space<vmem>>
    %dma_wait3A_184 = tpu.memref_squeeze %dma_wait3A_183 : memref<1x128xi32, #tpu.memory_space<vmem>> -> memref<128xi32, #tpu.memory_space<vmem>>
    %dma_wait3A_185 = arith.constant 0 : i32
    %dma_wait3A_186 = arith.constant 0 : i32
    %dma_wait3A_187 = tpu.memref_slice %arg10[%dma_wait3A_185, %dma_wait3A_186] : memref<11776x128xf32, #tpu.memory_space<vmem_shared>> -> memref<11776x128xf32, #tpu.memory_space<vmem_shared>>
    %dma_wait3A_188 = tpu.memref_slice %arg12[%dma_wait3A_177] : memref<2x!tpu.dma_semaphore, #tpu.memory_space<semaphore_mem>> -> memref<1x!tpu.dma_semaphore, #tpu.memory_space<semaphore_mem>>
    %dma_wait3A_189 = tpu.memref_squeeze %dma_wait3A_188 : memref<1x!tpu.dma_semaphore, #tpu.memory_space<semaphore_mem>> -> memref<!tpu.dma_semaphore, #tpu.memory_space<semaphore_mem>>
    tpu.wait_indirect_dma semaphore(%dma_wait3A_189 : memref<!tpu.dma_semaphore, #tpu.memory_space<semaphore_mem>>) src(%dma_wait3A_181 : memref<128x128xf32, #tpu.memory_space<vmem>>) dst(%dma_wait3A_187 : memref<11776x128xf32, #tpu.memory_space<vmem_shared>>)
    %barrier3A_190 = arith.constant 0 : index
    tpu.barrier barrier_id(%barrier3A_190)
    %mul3A_191 = arith.constant 632 : i32
    %mul3A_192 = arith.muli %arg1, %mul3A_191 : i32
    %min3A = arith.constant 9368 : i32
    %min3A_193 = arith.minsi %mul3A_192, %min3A : i32
    %multiple_of3A_194 = tpu.assume_multiple %min3A_193, 8 : i32
    "tpu.region"() ({
      %run_scoped3A_195 = tpu.sem_alloc : memref<!tpu.dma_semaphore, #tpu.memory_space<semaphore_mem>>
      %dma_start3A = arith.constant 0 : i32
      %dma_start3A_196 = tpu.memref_slice %arg6[%arg0, %multiple_of3A_194, %dma_start3A] : memref<2x10000x128xf32, #tpu.memory_space<hbm>> -> memref<1x632x128xf32, #tpu.memory_space<hbm>>
      %dma_start3A_197 = tpu.memref_squeeze %dma_start3A_196 : memref<1x632x128xf32, #tpu.memory_space<hbm>> -> memref<632x128xf32, #tpu.memory_space<hbm>>
      %dma_start3A_198 = arith.constant 0 : i32
      %dma_start3A_199 = tpu.memref_slice %arg10[%multiple_of3A_194, %dma_start3A_198] : memref<11776x128xf32, #tpu.memory_space<vmem_shared>> -> memref<632x128xf32, #tpu.memory_space<vmem_shared>>
      tpu.enqueue_dma source(%dma_start3A_199 : memref<632x128xf32, #tpu.memory_space<vmem_shared>>) target(%dma_start3A_197 : memref<632x128xf32, #tpu.memory_space<hbm>>) target_semaphore(%run_scoped3A_195 : memref<!tpu.dma_semaphore, #tpu.memory_space<semaphore_mem>>)
      %dma_wait3A_200 = arith.constant 0 : i32
      %dma_wait3A_201 = tpu.memref_slice %arg6[%arg0, %multiple_of3A_194, %dma_wait3A_200] : memref<2x10000x128xf32, #tpu.memory_space<hbm>> -> memref<1x632x128xf32, #tpu.memory_space<hbm>>
      %dma_wait3A_202 = tpu.memref_squeeze %dma_wait3A_201 : memref<1x632x128xf32, #tpu.memory_space<hbm>> -> memref<632x128xf32, #tpu.memory_space<hbm>>
      %dma_wait3A_203 = arith.constant 0 : i32
      %dma_wait3A_204 = tpu.memref_slice %arg10[%multiple_of3A_194, %dma_wait3A_203] : memref<11776x128xf32, #tpu.memory_space<vmem_shared>> -> memref<632x128xf32, #tpu.memory_space<vmem_shared>>
      tpu.wait_dma2 semaphore(%run_scoped3A_195 : memref<!tpu.dma_semaphore, #tpu.memory_space<semaphore_mem>>) src(%dma_wait3A_204 : memref<632x128xf32, #tpu.memory_space<vmem_shared>>) dst(%dma_wait3A_202 : memref<632x128xf32, #tpu.memory_space<hbm>>)
      tpu.yield
    }) : () -> ()
    return
  }
}

#map = affine_map<(d0, d1) -> (0, 0)>
#map1 = affine_map<(d0, d1) -> (0, 0, 0, 0)>
#map2 = affine_map<(d0, d1) -> (0, 0, 0)>
module attributes {stable_mosaic.version = 14 : i64} {
  func.func @_sc_gather_scatter_body(%arg0: i32, %arg1: i32, %arg2: memref<10000x128xf32, #tpu.memory_space<hbm>>, %arg3: memref<32x5x16x128xi32, #tpu.memory_space<hbm>>, %arg4: memref<32x5x16x128xi32, #tpu.memory_space<hbm>>, %arg5: memref<11776x128xf32, #tpu.memory_space<hbm>>, %arg6: memref<2x10000x128xf32, #tpu.memory_space<hbm>>, %arg7: memref<16x128xi32, #tpu.memory_space<vmem>>, %arg8: memref<16x128xi32, #tpu.memory_space<vmem>>, %arg9: memref<2x128x128xf32, #tpu.memory_space<vmem>>, %arg10: memref<11776x128xf32, #tpu.memory_space<vmem_shared>>, %arg11: memref<2x!tpu.dma_semaphore, #tpu.memory_space<semaphore_mem>>, %arg12: memref<2x!tpu.dma_semaphore, #tpu.memory_space<semaphore_mem>>) attributes {dimension_semantics = [#tpu.dimension_semantics<core_parallel>, #tpu.dimension_semantics<subcore_parallel>], iteration_bounds = array<i64: 2, 16>, scalar_prefetch = 0 : i64, scratch_operands = 6 : i64, tpu.core_type = #tpu.core_type<sc_vector_subcore>, window_params = [{transform_indices = #map}, {transform_indices = #map1}, {transform_indices = #map1}, {transform_indices = #map}, {transform_indices = #map2}]} {
    %mul3A = arith.constant 16 : i32
    %mul3A_0 = arith.muli %arg0, %mul3A : i32
    %add3A = arith.addi %mul3A_0, %arg1 : i32
    %mul3A_1 = arith.constant 736 : i32
    %mul3A_2 = arith.muli %arg1, %mul3A_1 : i32
    %multiple_of3A = tpu.assume_multiple %mul3A_2, 8 : i32
    "tpu.region"() ({
      %run_scoped3A_195 = tpu.sem_alloc : memref<!tpu.dma_semaphore, #tpu.memory_space<semaphore_mem>>
      %dma_start3A = arith.constant 0 : i32
      %dma_start3A_196 = tpu.memref_slice %arg10[%multiple_of3A, %dma_start3A] : memref<11776x128xf32, #tpu.memory_space<vmem_shared>> -> memref<736x128xf32, #tpu.memory_space<vmem_shared>>
      %dma_start3A_197 = arith.constant 0 : i32
      %dma_start3A_198 = tpu.memref_slice %arg5[%multiple_of3A, %dma_start3A_197] : memref<11776x128xf32, #tpu.memory_space<hbm>> -> memref<736x128xf32, #tpu.memory_space<hbm>>
      tpu.enqueue_dma source(%dma_start3A_198 : memref<736x128xf32, #tpu.memory_space<hbm>>) target(%dma_start3A_196 : memref<736x128xf32, #tpu.memory_space<vmem_shared>>) target_semaphore(%run_scoped3A_195 : memref<!tpu.dma_semaphore, #tpu.memory_space<semaphore_mem>>)
      %dma_wait3A_199 = arith.constant 0 : i32
      %dma_wait3A_200 = tpu.memref_slice %arg10[%multiple_of3A, %dma_wait3A_199] : memref<11776x128xf32, #tpu.memory_space<vmem_shared>> -> memref<736x128xf32, #tpu.memory_space<vmem_shared>>
      %dma_wait3A_201 = arith.constant 0 : i32
      %dma_wait3A_202 = tpu.memref_slice %arg5[%multiple_of3A, %dma_wait3A_201] : memref<11776x128xf32, #tpu.memory_space<hbm>> -> memref<736x128xf32, #tpu.memory_space<hbm>>
      tpu.wait_dma2 semaphore(%run_scoped3A_195 : memref<!tpu.dma_semaphore, #tpu.memory_space<semaphore_mem>>) src(%dma_wait3A_202 : memref<736x128xf32, #tpu.memory_space<hbm>>) dst(%dma_wait3A_200 : memref<736x128xf32, #tpu.memory_space<vmem_shared>>)
      tpu.yield
    }) : () -> ()
    %barrier3A = arith.constant 0 : index
    tpu.barrier barrier_id(%barrier3A)
    %run_scoped3A = arith.constant 0 : i32
    "tpu.region"() ({
      %run_scoped3A_195 = tpu.sem_alloc : memref<!tpu.dma_semaphore, #tpu.memory_space<semaphore_mem>>
      %dma_start3A = arith.constant 0 : i32
      %dma_start3A_196 = arith.constant 0 : i32
      %dma_start3A_197 = tpu.memref_slice %arg3[%add3A, %run_scoped3A, %dma_start3A, %dma_start3A_196] : memref<32x5x16x128xi32, #tpu.memory_space<hbm>> -> memref<1x1x16x128xi32, #tpu.memory_space<hbm>>
      %dma_start3A_198 = tpu.memref_squeeze %dma_start3A_197 : memref<1x1x16x128xi32, #tpu.memory_space<hbm>> -> memref<16x128xi32, #tpu.memory_space<hbm>>
      %dma_start3A_199 = arith.constant 0 : i32
      %dma_start3A_200 = arith.constant 0 : i32
      %dma_start3A_201 = tpu.memref_slice %arg3[%add3A, %run_scoped3A, %dma_start3A_199, %dma_start3A_200] : memref<32x5x16x128xi32, #tpu.memory_space<hbm>> -> memref<1x1x16x128xi32, #tpu.memory_space<hbm>>
      %dma_start3A_202 = tpu.memref_squeeze %dma_start3A_201 : memref<1x1x16x128xi32, #tpu.memory_space<hbm>> -> memref<16x128xi32, #tpu.memory_space<hbm>>
      tpu.enqueue_dma source(%dma_start3A_202 : memref<16x128xi32, #tpu.memory_space<hbm>>) target(%arg7 : memref<16x128xi32, #tpu.memory_space<vmem>>) target_semaphore(%run_scoped3A_195 : memref<!tpu.dma_semaphore, #tpu.memory_space<semaphore_mem>>)
      %dma_wait3A_203 = arith.constant 0 : i32
      %dma_wait3A_204 = arith.constant 0 : i32
      %dma_wait3A_205 = tpu.memref_slice %arg3[%add3A, %run_scoped3A, %dma_wait3A_203, %dma_wait3A_204] : memref<32x5x16x128xi32, #tpu.memory_space<hbm>> -> memref<1x1x16x128xi32, #tpu.memory_space<hbm>>
      %dma_wait3A_206 = tpu.memref_squeeze %dma_wait3A_205 : memref<1x1x16x128xi32, #tpu.memory_space<hbm>> -> memref<16x128xi32, #tpu.memory_space<hbm>>
      %dma_wait3A_207 = arith.constant 0 : i32
      %dma_wait3A_208 = arith.constant 0 : i32
      %dma_wait3A_209 = tpu.memref_slice %arg3[%add3A, %run_scoped3A, %dma_wait3A_207, %dma_wait3A_208] : memref<32x5x16x128xi32, #tpu.memory_space<hbm>> -> memref<1x1x16x128xi32, #tpu.memory_space<hbm>>
      %dma_wait3A_210 = tpu.memref_squeeze %dma_wait3A_209 : memref<1x1x16x128xi32, #tpu.memory_space<hbm>> -> memref<16x128xi32, #tpu.memory_space<hbm>>
      tpu.wait_dma2 semaphore(%run_scoped3A_195 : memref<!tpu.dma_semaphore, #tpu.memory_space<semaphore_mem>>) src(%dma_wait3A_210 : memref<16x128xi32, #tpu.memory_space<hbm>>) dst(%arg7 : memref<16x128xi32, #tpu.memory_space<vmem>>)
      tpu.yield
    }) : () -> ()
    %run_scoped3A_3 = arith.constant 0 : i32
    "tpu.region"() ({
      %run_scoped3A_195 = tpu.sem_alloc : memref<!tpu.dma_semaphore, #tpu.memory_space<semaphore_mem>>
      %dma_start3A = arith.constant 0 : i32
      %dma_start3A_196 = arith.constant 0 : i32
      %dma_start3A_197 = tpu.memref_slice %arg4[%add3A, %run_scoped3A_3, %dma_start3A, %dma_start3A_196] : memref<32x5x16x128xi32, #tpu.memory_space<hbm>> -> memref<1x1x16x128xi32, #tpu.memory_space<hbm>>
      %dma_start3A_198 = tpu.memref_squeeze %dma_start3A_197 : memref<1x1x16x128xi32, #tpu.memory_space<hbm>> -> memref<16x128xi32, #tpu.memory_space<hbm>>
      %dma_start3A_199 = arith.constant 0 : i32
      %dma_start3A_200 = arith.constant 0 : i32
      %dma_start3A_201 = tpu.memref_slice %arg4[%add3A, %run_scoped3A_3, %dma_start3A_199, %dma_start3A_200] : memref<32x5x16x128xi32, #tpu.memory_space<hbm>> -> memref<1x1x16x128xi32, #tpu.memory_space<hbm>>
      %dma_start3A_202 = tpu.memref_squeeze %dma_start3A_201 : memref<1x1x16x128xi32, #tpu.memory_space<hbm>> -> memref<16x128xi32, #tpu.memory_space<hbm>>
      tpu.enqueue_dma source(%dma_start3A_202 : memref<16x128xi32, #tpu.memory_space<hbm>>) target(%arg8 : memref<16x128xi32, #tpu.memory_space<vmem>>) target_semaphore(%run_scoped3A_195 : memref<!tpu.dma_semaphore, #tpu.memory_space<semaphore_mem>>)
      %dma_wait3A_203 = arith.constant 0 : i32
      %dma_wait3A_204 = arith.constant 0 : i32
      %dma_wait3A_205 = tpu.memref_slice %arg4[%add3A, %run_scoped3A_3, %dma_wait3A_203, %dma_wait3A_204] : memref<32x5x16x128xi32, #tpu.memory_space<hbm>> -> memref<1x1x16x128xi32, #tpu.memory_space<hbm>>
      %dma_wait3A_206 = tpu.memref_squeeze %dma_wait3A_205 : memref<1x1x16x128xi32, #tpu.memory_space<hbm>> -> memref<16x128xi32, #tpu.memory_space<hbm>>
      %dma_wait3A_207 = arith.constant 0 : i32
      %dma_wait3A_208 = arith.constant 0 : i32
      %dma_wait3A_209 = tpu.memref_slice %arg4[%add3A, %run_scoped3A_3, %dma_wait3A_207, %dma_wait3A_208] : memref<32x5x16x128xi32, #tpu.memory_space<hbm>> -> memref<1x1x16x128xi32, #tpu.memory_space<hbm>>
      %dma_wait3A_210 = tpu.memref_squeeze %dma_wait3A_209 : memref<1x1x16x128xi32, #tpu.memory_space<hbm>> -> memref<16x128xi32, #tpu.memory_space<hbm>>
      tpu.wait_dma2 semaphore(%run_scoped3A_195 : memref<!tpu.dma_semaphore, #tpu.memory_space<semaphore_mem>>) src(%dma_wait3A_210 : memref<16x128xi32, #tpu.memory_space<hbm>>) dst(%arg8 : memref<16x128xi32, #tpu.memory_space<vmem>>)
      tpu.yield
    }) : () -> ()
    %scan3A = arith.constant 0 : i32
    %scan3A_4 = arith.constant 0 : i32
    %scan3A_5 = arith.constant 17 : i32
    %scan3A_6 = arith.addi %scan3A_4, %scan3A_5 : i32
    %scan3A_7 = arith.constant 1 : i32
    scf.for %scan3A_195 = %scan3A_4 to %scan3A_6 step %scan3A_7  : i32 {
      %jit3A = arith.constant 2 : i32
      %eq3A = arith.constant 0 : i32
      %eq3A_196 = arith.cmpi eq, %jit3A, %eq3A : i32
      %jit3A_197 = arith.constant 1 : i32
      %select_n3A = arith.select %eq3A_196, %jit3A_197, %jit3A : i32
      %rem3A = arith.remsi %scan3A_195, %select_n3A : i32
      %ne3A = arith.constant 0 : i32
      %ne3A_198 = arith.cmpi ne, %rem3A, %ne3A : i32
      %lt3A = arith.constant 0 : i32
      %lt3A_199 = arith.cmpi slt, %rem3A, %lt3A : i32
      %lt3A_200 = arith.constant 0 : i32
      %lt3A_201 = arith.cmpi slt, %select_n3A, %lt3A_200 : i32
      %ne3A_202 = arith.xori %lt3A_199, %lt3A_201 : i1
      %and3A = arith.andi %ne3A_202, %ne3A_198 : i1
      %add3A_203 = arith.addi %rem3A, %select_n3A : i32
      %select_n3A_204 = arith.select %and3A, %add3A_203, %rem3A : i32
      %lt3A_205 = arith.constant 16 : i32
      %lt3A_206 = arith.cmpi slt, %scan3A_195, %lt3A_205 : i32
      %convert_element_type3A = arith.extui %lt3A_206 : i1 to i32
      %cond3A = arith.constant 0 : i32
      %cond3A_207 = arith.cmpi ne, %convert_element_type3A, %cond3A : i32
      scf.if %cond3A_207 {
        %ge3A_212 = arith.constant 2 : i32
        %ge3A_213 = arith.cmpi sge, %scan3A_195, %ge3A_212 : i32
        %convert_element_type3A_214 = arith.extui %ge3A_213 : i1 to i32
        %cond3A_215 = arith.constant 0 : i32
        %cond3A_216 = arith.cmpi ne, %convert_element_type3A_214, %cond3A_215 : i32
        scf.if %cond3A_216 {
          %sub3A = arith.constant 2 : i32
          %sub3A_228 = arith.subi %scan3A_195, %sub3A : i32
          %dma_wait3A_229 = arith.constant 0 : i32
          %dma_wait3A_230 = arith.constant 0 : i32
          %dma_wait3A_231 = tpu.memref_slice %arg9[%select_n3A_204, %dma_wait3A_229, %dma_wait3A_230] : memref<2x128x128xf32, #tpu.memory_space<vmem>> -> memref<1x128x128xf32, #tpu.memory_space<vmem>>
          %dma_wait3A_232 = tpu.memref_squeeze %dma_wait3A_231 : memref<1x128x128xf32, #tpu.memory_space<vmem>> -> memref<128x128xf32, #tpu.memory_space<vmem>>
          %dma_wait3A_233 = arith.constant 0 : i32
          %dma_wait3A_234 = tpu.memref_slice %arg8[%sub3A_228, %dma_wait3A_233] : memref<16x128xi32, #tpu.memory_space<vmem>> -> memref<1x128xi32, #tpu.memory_space<vmem>>
          %dma_wait3A_235 = tpu.memref_squeeze %dma_wait3A_234 : memref<1x128xi32, #tpu.memory_space<vmem>> -> memref<128xi32, #tpu.memory_space<vmem>>
          %dma_wait3A_236 = arith.constant 0 : i32
          %dma_wait3A_237 = arith.constant 0 : i32
          %dma_wait3A_238 = tpu.memref_slice %arg10[%dma_wait3A_236, %dma_wait3A_237] : memref<11776x128xf32, #tpu.memory_space<vmem_shared>> -> memref<11776x128xf32, #tpu.memory_space<vmem_shared>>
          %dma_wait3A_239 = tpu.memref_slice %arg12[%select_n3A_204] : memref<2x!tpu.dma_semaphore, #tpu.memory_space<semaphore_mem>> -> memref<1x!tpu.dma_semaphore, #tpu.memory_space<semaphore_mem>>
          %dma_wait3A_240 = tpu.memref_squeeze %dma_wait3A_239 : memref<1x!tpu.dma_semaphore, #tpu.memory_space<semaphore_mem>> -> memref<!tpu.dma_semaphore, #tpu.memory_space<semaphore_mem>>
          tpu.wait_indirect_dma semaphore(%dma_wait3A_240 : memref<!tpu.dma_semaphore, #tpu.memory_space<semaphore_mem>>) src(%dma_wait3A_232 : memref<128x128xf32, #tpu.memory_space<vmem>>) dst(%dma_wait3A_238 : memref<11776x128xf32, #tpu.memory_space<vmem_shared>>)
        } else {
        }
        %dma_start3A = arith.constant 0 : i32
        %dma_start3A_217 = arith.constant 0 : i32
        %dma_start3A_218 = tpu.memref_slice %arg9[%select_n3A_204, %dma_start3A, %dma_start3A_217] : memref<2x128x128xf32, #tpu.memory_space<vmem>> -> memref<1x128x128xf32, #tpu.memory_space<vmem>>
        %dma_start3A_219 = tpu.memref_squeeze %dma_start3A_218 : memref<1x128x128xf32, #tpu.memory_space<vmem>> -> memref<128x128xf32, #tpu.memory_space<vmem>>
        %dma_start3A_220 = arith.constant 0 : i32
        %dma_start3A_221 = tpu.memref_slice %arg7[%scan3A_195, %dma_start3A_220] : memref<16x128xi32, #tpu.memory_space<vmem>> -> memref<1x128xi32, #tpu.memory_space<vmem>>
        %dma_start3A_222 = tpu.memref_squeeze %dma_start3A_221 : memref<1x128xi32, #tpu.memory_space<vmem>> -> memref<128xi32, #tpu.memory_space<vmem>>
        %dma_start3A_223 = arith.constant 0 : i32
        %dma_start3A_224 = arith.constant 0 : i32
        %dma_start3A_225 = tpu.memref_slice %arg2[%dma_start3A_223, %dma_start3A_224] : memref<10000x128xf32, #tpu.memory_space<hbm>> -> memref<10000x128xf32, #tpu.memory_space<hbm>>
        %dma_start3A_226 = tpu.memref_slice %arg11[%select_n3A_204] : memref<2x!tpu.dma_semaphore, #tpu.memory_space<semaphore_mem>> -> memref<1x!tpu.dma_semaphore, #tpu.memory_space<semaphore_mem>>
        %dma_start3A_227 = tpu.memref_squeeze %dma_start3A_226 : memref<1x!tpu.dma_semaphore, #tpu.memory_space<semaphore_mem>> -> memref<!tpu.dma_semaphore, #tpu.memory_space<semaphore_mem>>
        tpu.enqueue_indirect_dma source(%dma_start3A_225 : memref<10000x128xf32, #tpu.memory_space<hbm>>) target(%dma_start3A_219 : memref<128x128xf32, #tpu.memory_space<vmem>>) offsets(%dma_start3A_222 : memref<128xi32, #tpu.memory_space<vmem>>) semaphore(%dma_start3A_227 : memref<!tpu.dma_semaphore, #tpu.memory_space<semaphore_mem>>)
      } else {
      }
      %ge3A = arith.constant 1 : i32
      %ge3A_208 = arith.cmpi sge, %scan3A_195, %ge3A : i32
      %convert_element_type3A_209 = arith.extui %ge3A_208 : i1 to i32
      %cond3A_210 = arith.constant 0 : i32
      %cond3A_211 = arith.cmpi ne, %convert_element_type3A_209, %cond3A_210 : i32
      scf.if %cond3A_211 {
        %sub3A = arith.constant 1 : i32
        %sub3A_212 = arith.subi %scan3A_195, %sub3A : i32
        %jit3A_213 = arith.constant 2 : i32
        %eq3A_214 = arith.constant 0 : i32
        %eq3A_215 = arith.cmpi eq, %jit3A_213, %eq3A_214 : i32
        %jit3A_216 = arith.constant 1 : i32
        %select_n3A_217 = arith.select %eq3A_215, %jit3A_216, %jit3A_213 : i32
        %rem3A_218 = arith.remsi %sub3A_212, %select_n3A_217 : i32
        %ne3A_219 = arith.constant 0 : i32
        %ne3A_220 = arith.cmpi ne, %rem3A_218, %ne3A_219 : i32
        %lt3A_221 = arith.constant 0 : i32
        %lt3A_222 = arith.cmpi slt, %rem3A_218, %lt3A_221 : i32
        %lt3A_223 = arith.constant 0 : i32
        %lt3A_224 = arith.cmpi slt, %select_n3A_217, %lt3A_223 : i32
        %ne3A_225 = arith.xori %lt3A_222, %lt3A_224 : i1
        %and3A_226 = arith.andi %ne3A_225, %ne3A_220 : i1
        %add3A_227 = arith.addi %rem3A_218, %select_n3A_217 : i32
        %select_n3A_228 = arith.select %and3A_226, %add3A_227, %rem3A_218 : i32
        %dma_wait3A_229 = arith.constant 0 : i32
        %dma_wait3A_230 = arith.constant 0 : i32
        %dma_wait3A_231 = tpu.memref_slice %arg9[%select_n3A_228, %dma_wait3A_229, %dma_wait3A_230] : memref<2x128x128xf32, #tpu.memory_space<vmem>> -> memref<1x128x128xf32, #tpu.memory_space<vmem>>
        %dma_wait3A_232 = tpu.memref_squeeze %dma_wait3A_231 : memref<1x128x128xf32, #tpu.memory_space<vmem>> -> memref<128x128xf32, #tpu.memory_space<vmem>>
        %dma_wait3A_233 = arith.constant 0 : i32
        %dma_wait3A_234 = tpu.memref_slice %arg7[%sub3A_212, %dma_wait3A_233] : memref<16x128xi32, #tpu.memory_space<vmem>> -> memref<1x128xi32, #tpu.memory_space<vmem>>
        %dma_wait3A_235 = tpu.memref_squeeze %dma_wait3A_234 : memref<1x128xi32, #tpu.memory_space<vmem>> -> memref<128xi32, #tpu.memory_space<vmem>>
        %dma_wait3A_236 = arith.constant 0 : i32
        %dma_wait3A_237 = arith.constant 0 : i32
        %dma_wait3A_238 = tpu.memref_slice %arg2[%dma_wait3A_236, %dma_wait3A_237] : memref<10000x128xf32, #tpu.memory_space<hbm>> -> memref<10000x128xf32, #tpu.memory_space<hbm>>
        %dma_wait3A_239 = tpu.memref_slice %arg11[%select_n3A_228] : memref<2x!tpu.dma_semaphore, #tpu.memory_space<semaphore_mem>> -> memref<1x!tpu.dma_semaphore, #tpu.memory_space<semaphore_mem>>
        %dma_wait3A_240 = tpu.memref_squeeze %dma_wait3A_239 : memref<1x!tpu.dma_semaphore, #tpu.memory_space<semaphore_mem>> -> memref<!tpu.dma_semaphore, #tpu.memory_space<semaphore_mem>>
        tpu.wait_indirect_dma semaphore(%dma_wait3A_240 : memref<!tpu.dma_semaphore, #tpu.memory_space<semaphore_mem>>) src(%dma_wait3A_238 : memref<10000x128xf32, #tpu.memory_space<hbm>>) dst(%dma_wait3A_232 : memref<128x128xf32, #tpu.memory_space<vmem>>)
        %dma_start3A = arith.constant 0 : i32
        %dma_start3A_241 = arith.constant 0 : i32
        %dma_start3A_242 = tpu.memref_slice %arg9[%select_n3A_228, %dma_start3A, %dma_start3A_241] : memref<2x128x128xf32, #tpu.memory_space<vmem>> -> memref<1x128x128xf32, #tpu.memory_space<vmem>>
        %dma_start3A_243 = tpu.memref_squeeze %dma_start3A_242 : memref<1x128x128xf32, #tpu.memory_space<vmem>> -> memref<128x128xf32, #tpu.memory_space<vmem>>
        %dma_start3A_244 = arith.constant 0 : i32
        %dma_start3A_245 = tpu.memref_slice %arg8[%sub3A_212, %dma_start3A_244] : memref<16x128xi32, #tpu.memory_space<vmem>> -> memref<1x128xi32, #tpu.memory_space<vmem>>
        %dma_start3A_246 = tpu.memref_squeeze %dma_start3A_245 : memref<1x128xi32, #tpu.memory_space<vmem>> -> memref<128xi32, #tpu.memory_space<vmem>>
        %dma_start3A_247 = arith.constant 0 : i32
        %dma_start3A_248 = arith.constant 0 : i32
        %dma_start3A_249 = tpu.memref_slice %arg10[%dma_start3A_247, %dma_start3A_248] : memref<11776x128xf32, #tpu.memory_space<vmem_shared>> -> memref<11776x128xf32, #tpu.memory_space<vmem_shared>>
        %dma_start3A_250 = tpu.memref_slice %arg12[%select_n3A_228] : memref<2x!tpu.dma_semaphore, #tpu.memory_space<semaphore_mem>> -> memref<1x!tpu.dma_semaphore, #tpu.memory_space<semaphore_mem>>
        %dma_start3A_251 = tpu.memref_squeeze %dma_start3A_250 : memref<1x!tpu.dma_semaphore, #tpu.memory_space<semaphore_mem>> -> memref<!tpu.dma_semaphore, #tpu.memory_space<semaphore_mem>>
        tpu.enqueue_indirect_dma source(%dma_start3A_243 : memref<128x128xf32, #tpu.memory_space<vmem>>) target(%dma_start3A_249 : memref<11776x128xf32, #tpu.memory_space<vmem_shared>>) offsets(%dma_start3A_246 : memref<128xi32, #tpu.memory_space<vmem>>) semaphore(%dma_start3A_251 : memref<!tpu.dma_semaphore, #tpu.memory_space<semaphore_mem>>) {add = true}
      } else {
      }
    }
    %scan3A_8 = arith.constant 17 : i32
    %dma_wait3A = arith.constant 0 : i32
    %dma_wait3A_9 = arith.constant 14 : i32
    %dma_wait3A_10 = arith.constant 0 : i32
    %dma_wait3A_11 = arith.constant 0 : i32
    %dma_wait3A_12 = arith.constant 0 : i32
    %dma_wait3A_13 = tpu.memref_slice %arg9[%dma_wait3A, %dma_wait3A_11, %dma_wait3A_12] : memref<2x128x128xf32, #tpu.memory_space<vmem>> -> memref<1x128x128xf32, #tpu.memory_space<vmem>>
    %dma_wait3A_14 = tpu.memref_squeeze %dma_wait3A_13 : memref<1x128x128xf32, #tpu.memory_space<vmem>> -> memref<128x128xf32, #tpu.memory_space<vmem>>
    %dma_wait3A_15 = arith.constant 0 : i32
    %dma_wait3A_16 = tpu.memref_slice %arg8[%dma_wait3A_9, %dma_wait3A_15] : memref<16x128xi32, #tpu.memory_space<vmem>> -> memref<1x128xi32, #tpu.memory_space<vmem>>
    %dma_wait3A_17 = tpu.memref_squeeze %dma_wait3A_16 : memref<1x128xi32, #tpu.memory_space<vmem>> -> memref<128xi32, #tpu.memory_space<vmem>>
    %dma_wait3A_18 = arith.constant 0 : i32
    %dma_wait3A_19 = arith.constant 0 : i32
    %dma_wait3A_20 = tpu.memref_slice %arg10[%dma_wait3A_18, %dma_wait3A_19] : memref<11776x128xf32, #tpu.memory_space<vmem_shared>> -> memref<11776x128xf32, #tpu.memory_space<vmem_shared>>
    %dma_wait3A_21 = tpu.memref_slice %arg12[%dma_wait3A_10] : memref<2x!tpu.dma_semaphore, #tpu.memory_space<semaphore_mem>> -> memref<1x!tpu.dma_semaphore, #tpu.memory_space<semaphore_mem>>
    %dma_wait3A_22 = tpu.memref_squeeze %dma_wait3A_21 : memref<1x!tpu.dma_semaphore, #tpu.memory_space<semaphore_mem>> -> memref<!tpu.dma_semaphore, #tpu.memory_space<semaphore_mem>>
    tpu.wait_indirect_dma semaphore(%dma_wait3A_22 : memref<!tpu.dma_semaphore, #tpu.memory_space<semaphore_mem>>) src(%dma_wait3A_14 : memref<128x128xf32, #tpu.memory_space<vmem>>) dst(%dma_wait3A_20 : memref<11776x128xf32, #tpu.memory_space<vmem_shared>>)
    %dma_wait3A_23 = arith.constant 1 : i32
    %dma_wait3A_24 = arith.constant 15 : i32
    %dma_wait3A_25 = arith.constant 1 : i32
    %dma_wait3A_26 = arith.constant 0 : i32
    %dma_wait3A_27 = arith.constant 0 : i32
    %dma_wait3A_28 = tpu.memref_slice %arg9[%dma_wait3A_23, %dma_wait3A_26, %dma_wait3A_27] : memref<2x128x128xf32, #tpu.memory_space<vmem>> -> memref<1x128x128xf32, #tpu.memory_space<vmem>>
    %dma_wait3A_29 = tpu.memref_squeeze %dma_wait3A_28 : memref<1x128x128xf32, #tpu.memory_space<vmem>> -> memref<128x128xf32, #tpu.memory_space<vmem>>
    %dma_wait3A_30 = arith.constant 0 : i32
    %dma_wait3A_31 = tpu.memref_slice %arg8[%dma_wait3A_24, %dma_wait3A_30] : memref<16x128xi32, #tpu.memory_space<vmem>> -> memref<1x128xi32, #tpu.memory_space<vmem>>
    %dma_wait3A_32 = tpu.memref_squeeze %dma_wait3A_31 : memref<1x128xi32, #tpu.memory_space<vmem>> -> memref<128xi32, #tpu.memory_space<vmem>>
    %dma_wait3A_33 = arith.constant 0 : i32
    %dma_wait3A_34 = arith.constant 0 : i32
    %dma_wait3A_35 = tpu.memref_slice %arg10[%dma_wait3A_33, %dma_wait3A_34] : memref<11776x128xf32, #tpu.memory_space<vmem_shared>> -> memref<11776x128xf32, #tpu.memory_space<vmem_shared>>
    %dma_wait3A_36 = tpu.memref_slice %arg12[%dma_wait3A_25] : memref<2x!tpu.dma_semaphore, #tpu.memory_space<semaphore_mem>> -> memref<1x!tpu.dma_semaphore, #tpu.memory_space<semaphore_mem>>
    %dma_wait3A_37 = tpu.memref_squeeze %dma_wait3A_36 : memref<1x!tpu.dma_semaphore, #tpu.memory_space<semaphore_mem>> -> memref<!tpu.dma_semaphore, #tpu.memory_space<semaphore_mem>>
    tpu.wait_indirect_dma semaphore(%dma_wait3A_37 : memref<!tpu.dma_semaphore, #tpu.memory_space<semaphore_mem>>) src(%dma_wait3A_29 : memref<128x128xf32, #tpu.memory_space<vmem>>) dst(%dma_wait3A_35 : memref<11776x128xf32, #tpu.memory_space<vmem_shared>>)
    %run_scoped3A_38 = arith.constant 1 : i32
    "tpu.region"() ({
      %run_scoped3A_195 = tpu.sem_alloc : memref<!tpu.dma_semaphore, #tpu.memory_space<semaphore_mem>>
      %dma_start3A = arith.constant 0 : i32
      %dma_start3A_196 = arith.constant 0 : i32
      %dma_start3A_197 = tpu.memref_slice %arg3[%add3A, %run_scoped3A_38, %dma_start3A, %dma_start3A_196] : memref<32x5x16x128xi32, #tpu.memory_space<hbm>> -> memref<1x1x16x128xi32, #tpu.memory_space<hbm>>
      %dma_start3A_198 = tpu.memref_squeeze %dma_start3A_197 : memref<1x1x16x128xi32, #tpu.memory_space<hbm>> -> memref<16x128xi32, #tpu.memory_space<hbm>>
      %dma_start3A_199 = arith.constant 0 : i32
      %dma_start3A_200 = arith.constant 0 : i32
      %dma_start3A_201 = tpu.memref_slice %arg3[%add3A, %run_scoped3A_38, %dma_start3A_199, %dma_start3A_200] : memref<32x5x16x128xi32, #tpu.memory_space<hbm>> -> memref<1x1x16x128xi32, #tpu.memory_space<hbm>>
      %dma_start3A_202 = tpu.memref_squeeze %dma_start3A_201 : memref<1x1x16x128xi32, #tpu.memory_space<hbm>> -> memref<16x128xi32, #tpu.memory_space<hbm>>
      tpu.enqueue_dma source(%dma_start3A_202 : memref<16x128xi32, #tpu.memory_space<hbm>>) target(%arg7 : memref<16x128xi32, #tpu.memory_space<vmem>>) target_semaphore(%run_scoped3A_195 : memref<!tpu.dma_semaphore, #tpu.memory_space<semaphore_mem>>)
      %dma_wait3A_203 = arith.constant 0 : i32
      %dma_wait3A_204 = arith.constant 0 : i32
      %dma_wait3A_205 = tpu.memref_slice %arg3[%add3A, %run_scoped3A_38, %dma_wait3A_203, %dma_wait3A_204] : memref<32x5x16x128xi32, #tpu.memory_space<hbm>> -> memref<1x1x16x128xi32, #tpu.memory_space<hbm>>
      %dma_wait3A_206 = tpu.memref_squeeze %dma_wait3A_205 : memref<1x1x16x128xi32, #tpu.memory_space<hbm>> -> memref<16x128xi32, #tpu.memory_space<hbm>>
      %dma_wait3A_207 = arith.constant 0 : i32
      %dma_wait3A_208 = arith.constant 0 : i32
      %dma_wait3A_209 = tpu.memref_slice %arg3[%add3A, %run_scoped3A_38, %dma_wait3A_207, %dma_wait3A_208] : memref<32x5x16x128xi32, #tpu.memory_space<hbm>> -> memref<1x1x16x128xi32, #tpu.memory_space<hbm>>
      %dma_wait3A_210 = tpu.memref_squeeze %dma_wait3A_209 : memref<1x1x16x128xi32, #tpu.memory_space<hbm>> -> memref<16x128xi32, #tpu.memory_space<hbm>>
      tpu.wait_dma2 semaphore(%run_scoped3A_195 : memref<!tpu.dma_semaphore, #tpu.memory_space<semaphore_mem>>) src(%dma_wait3A_210 : memref<16x128xi32, #tpu.memory_space<hbm>>) dst(%arg7 : memref<16x128xi32, #tpu.memory_space<vmem>>)
      tpu.yield
    }) : () -> ()
    %run_scoped3A_39 = arith.constant 1 : i32
    "tpu.region"() ({
      %run_scoped3A_195 = tpu.sem_alloc : memref<!tpu.dma_semaphore, #tpu.memory_space<semaphore_mem>>
      %dma_start3A = arith.constant 0 : i32
      %dma_start3A_196 = arith.constant 0 : i32
      %dma_start3A_197 = tpu.memref_slice %arg4[%add3A, %run_scoped3A_39, %dma_start3A, %dma_start3A_196] : memref<32x5x16x128xi32, #tpu.memory_space<hbm>> -> memref<1x1x16x128xi32, #tpu.memory_space<hbm>>
      %dma_start3A_198 = tpu.memref_squeeze %dma_start3A_197 : memref<1x1x16x128xi32, #tpu.memory_space<hbm>> -> memref<16x128xi32, #tpu.memory_space<hbm>>
      %dma_start3A_199 = arith.constant 0 : i32
      %dma_start3A_200 = arith.constant 0 : i32
      %dma_start3A_201 = tpu.memref_slice %arg4[%add3A, %run_scoped3A_39, %dma_start3A_199, %dma_start3A_200] : memref<32x5x16x128xi32, #tpu.memory_space<hbm>> -> memref<1x1x16x128xi32, #tpu.memory_space<hbm>>
      %dma_start3A_202 = tpu.memref_squeeze %dma_start3A_201 : memref<1x1x16x128xi32, #tpu.memory_space<hbm>> -> memref<16x128xi32, #tpu.memory_space<hbm>>
      tpu.enqueue_dma source(%dma_start3A_202 : memref<16x128xi32, #tpu.memory_space<hbm>>) target(%arg8 : memref<16x128xi32, #tpu.memory_space<vmem>>) target_semaphore(%run_scoped3A_195 : memref<!tpu.dma_semaphore, #tpu.memory_space<semaphore_mem>>)
      %dma_wait3A_203 = arith.constant 0 : i32
      %dma_wait3A_204 = arith.constant 0 : i32
      %dma_wait3A_205 = tpu.memref_slice %arg4[%add3A, %run_scoped3A_39, %dma_wait3A_203, %dma_wait3A_204] : memref<32x5x16x128xi32, #tpu.memory_space<hbm>> -> memref<1x1x16x128xi32, #tpu.memory_space<hbm>>
      %dma_wait3A_206 = tpu.memref_squeeze %dma_wait3A_205 : memref<1x1x16x128xi32, #tpu.memory_space<hbm>> -> memref<16x128xi32, #tpu.memory_space<hbm>>
      %dma_wait3A_207 = arith.constant 0 : i32
      %dma_wait3A_208 = arith.constant 0 : i32
      %dma_wait3A_209 = tpu.memref_slice %arg4[%add3A, %run_scoped3A_39, %dma_wait3A_207, %dma_wait3A_208] : memref<32x5x16x128xi32, #tpu.memory_space<hbm>> -> memref<1x1x16x128xi32, #tpu.memory_space<hbm>>
      %dma_wait3A_210 = tpu.memref_squeeze %dma_wait3A_209 : memref<1x1x16x128xi32, #tpu.memory_space<hbm>> -> memref<16x128xi32, #tpu.memory_space<hbm>>
      tpu.wait_dma2 semaphore(%run_scoped3A_195 : memref<!tpu.dma_semaphore, #tpu.memory_space<semaphore_mem>>) src(%dma_wait3A_210 : memref<16x128xi32, #tpu.memory_space<hbm>>) dst(%arg8 : memref<16x128xi32, #tpu.memory_space<vmem>>)
      tpu.yield
    }) : () -> ()
    %scan3A_40 = arith.constant 0 : i32
    %scan3A_41 = arith.constant 0 : i32
    %scan3A_42 = arith.constant 17 : i32
    %scan3A_43 = arith.addi %scan3A_41, %scan3A_42 : i32
    %scan3A_44 = arith.constant 1 : i32
    scf.for %scan3A_195 = %scan3A_41 to %scan3A_43 step %scan3A_44  : i32 {
      %jit3A = arith.constant 2 : i32
      %eq3A = arith.constant 0 : i32
      %eq3A_196 = arith.cmpi eq, %jit3A, %eq3A : i32
      %jit3A_197 = arith.constant 1 : i32
      %select_n3A = arith.select %eq3A_196, %jit3A_197, %jit3A : i32
      %rem3A = arith.remsi %scan3A_195, %select_n3A : i32
      %ne3A = arith.constant 0 : i32
      %ne3A_198 = arith.cmpi ne, %rem3A, %ne3A : i32
      %lt3A = arith.constant 0 : i32
      %lt3A_199 = arith.cmpi slt, %rem3A, %lt3A : i32
      %lt3A_200 = arith.constant 0 : i32
      %lt3A_201 = arith.cmpi slt, %select_n3A, %lt3A_200 : i32
      %ne3A_202 = arith.xori %lt3A_199, %lt3A_201 : i1
      %and3A = arith.andi %ne3A_202, %ne3A_198 : i1
      %add3A_203 = arith.addi %rem3A, %select_n3A : i32
      %select_n3A_204 = arith.select %and3A, %add3A_203, %rem3A : i32
      %lt3A_205 = arith.constant 16 : i32
      %lt3A_206 = arith.cmpi slt, %scan3A_195, %lt3A_205 : i32
      %convert_element_type3A = arith.extui %lt3A_206 : i1 to i32
      %cond3A = arith.constant 0 : i32
      %cond3A_207 = arith.cmpi ne, %convert_element_type3A, %cond3A : i32
      scf.if %cond3A_207 {
        %ge3A_212 = arith.constant 2 : i32
        %ge3A_213 = arith.cmpi sge, %scan3A_195, %ge3A_212 : i32
        %convert_element_type3A_214 = arith.extui %ge3A_213 : i1 to i32
        %cond3A_215 = arith.constant 0 : i32
        %cond3A_216 = arith.cmpi ne, %convert_element_type3A_214, %cond3A_215 : i32
        scf.if %cond3A_216 {
          %sub3A = arith.constant 2 : i32
          %sub3A_228 = arith.subi %scan3A_195, %sub3A : i32
          %dma_wait3A_229 = arith.constant 0 : i32
          %dma_wait3A_230 = arith.constant 0 : i32
          %dma_wait3A_231 = tpu.memref_slice %arg9[%select_n3A_204, %dma_wait3A_229, %dma_wait3A_230] : memref<2x128x128xf32, #tpu.memory_space<vmem>> -> memref<1x128x128xf32, #tpu.memory_space<vmem>>
          %dma_wait3A_232 = tpu.memref_squeeze %dma_wait3A_231 : memref<1x128x128xf32, #tpu.memory_space<vmem>> -> memref<128x128xf32, #tpu.memory_space<vmem>>
          %dma_wait3A_233 = arith.constant 0 : i32
          %dma_wait3A_234 = tpu.memref_slice %arg8[%sub3A_228, %dma_wait3A_233] : memref<16x128xi32, #tpu.memory_space<vmem>> -> memref<1x128xi32, #tpu.memory_space<vmem>>
          %dma_wait3A_235 = tpu.memref_squeeze %dma_wait3A_234 : memref<1x128xi32, #tpu.memory_space<vmem>> -> memref<128xi32, #tpu.memory_space<vmem>>
          %dma_wait3A_236 = arith.constant 0 : i32
          %dma_wait3A_237 = arith.constant 0 : i32
          %dma_wait3A_238 = tpu.memref_slice %arg10[%dma_wait3A_236, %dma_wait3A_237] : memref<11776x128xf32, #tpu.memory_space<vmem_shared>> -> memref<11776x128xf32, #tpu.memory_space<vmem_shared>>
          %dma_wait3A_239 = tpu.memref_slice %arg12[%select_n3A_204] : memref<2x!tpu.dma_semaphore, #tpu.memory_space<semaphore_mem>> -> memref<1x!tpu.dma_semaphore, #tpu.memory_space<semaphore_mem>>
          %dma_wait3A_240 = tpu.memref_squeeze %dma_wait3A_239 : memref<1x!tpu.dma_semaphore, #tpu.memory_space<semaphore_mem>> -> memref<!tpu.dma_semaphore, #tpu.memory_space<semaphore_mem>>
          tpu.wait_indirect_dma semaphore(%dma_wait3A_240 : memref<!tpu.dma_semaphore, #tpu.memory_space<semaphore_mem>>) src(%dma_wait3A_232 : memref<128x128xf32, #tpu.memory_space<vmem>>) dst(%dma_wait3A_238 : memref<11776x128xf32, #tpu.memory_space<vmem_shared>>)
        } else {
        }
        %dma_start3A = arith.constant 0 : i32
        %dma_start3A_217 = arith.constant 0 : i32
        %dma_start3A_218 = tpu.memref_slice %arg9[%select_n3A_204, %dma_start3A, %dma_start3A_217] : memref<2x128x128xf32, #tpu.memory_space<vmem>> -> memref<1x128x128xf32, #tpu.memory_space<vmem>>
        %dma_start3A_219 = tpu.memref_squeeze %dma_start3A_218 : memref<1x128x128xf32, #tpu.memory_space<vmem>> -> memref<128x128xf32, #tpu.memory_space<vmem>>
        %dma_start3A_220 = arith.constant 0 : i32
        %dma_start3A_221 = tpu.memref_slice %arg7[%scan3A_195, %dma_start3A_220] : memref<16x128xi32, #tpu.memory_space<vmem>> -> memref<1x128xi32, #tpu.memory_space<vmem>>
        %dma_start3A_222 = tpu.memref_squeeze %dma_start3A_221 : memref<1x128xi32, #tpu.memory_space<vmem>> -> memref<128xi32, #tpu.memory_space<vmem>>
        %dma_start3A_223 = arith.constant 0 : i32
        %dma_start3A_224 = arith.constant 0 : i32
        %dma_start3A_225 = tpu.memref_slice %arg2[%dma_start3A_223, %dma_start3A_224] : memref<10000x128xf32, #tpu.memory_space<hbm>> -> memref<10000x128xf32, #tpu.memory_space<hbm>>
        %dma_start3A_226 = tpu.memref_slice %arg11[%select_n3A_204] : memref<2x!tpu.dma_semaphore, #tpu.memory_space<semaphore_mem>> -> memref<1x!tpu.dma_semaphore, #tpu.memory_space<semaphore_mem>>
        %dma_start3A_227 = tpu.memref_squeeze %dma_start3A_226 : memref<1x!tpu.dma_semaphore, #tpu.memory_space<semaphore_mem>> -> memref<!tpu.dma_semaphore, #tpu.memory_space<semaphore_mem>>
        tpu.enqueue_indirect_dma source(%dma_start3A_225 : memref<10000x128xf32, #tpu.memory_space<hbm>>) target(%dma_start3A_219 : memref<128x128xf32, #tpu.memory_space<vmem>>) offsets(%dma_start3A_222 : memref<128xi32, #tpu.memory_space<vmem>>) semaphore(%dma_start3A_227 : memref<!tpu.dma_semaphore, #tpu.memory_space<semaphore_mem>>)
      } else {
      }
      %ge3A = arith.constant 1 : i32
      %ge3A_208 = arith.cmpi sge, %scan3A_195, %ge3A : i32
      %convert_element_type3A_209 = arith.extui %ge3A_208 : i1 to i32
      %cond3A_210 = arith.constant 0 : i32
      %cond3A_211 = arith.cmpi ne, %convert_element_type3A_209, %cond3A_210 : i32
      scf.if %cond3A_211 {
        %sub3A = arith.constant 1 : i32
        %sub3A_212 = arith.subi %scan3A_195, %sub3A : i32
        %jit3A_213 = arith.constant 2 : i32
        %eq3A_214 = arith.constant 0 : i32
        %eq3A_215 = arith.cmpi eq, %jit3A_213, %eq3A_214 : i32
        %jit3A_216 = arith.constant 1 : i32
        %select_n3A_217 = arith.select %eq3A_215, %jit3A_216, %jit3A_213 : i32
        %rem3A_218 = arith.remsi %sub3A_212, %select_n3A_217 : i32
        %ne3A_219 = arith.constant 0 : i32
        %ne3A_220 = arith.cmpi ne, %rem3A_218, %ne3A_219 : i32
        %lt3A_221 = arith.constant 0 : i32
        %lt3A_222 = arith.cmpi slt, %rem3A_218, %lt3A_221 : i32
        %lt3A_223 = arith.constant 0 : i32
        %lt3A_224 = arith.cmpi slt, %select_n3A_217, %lt3A_223 : i32
        %ne3A_225 = arith.xori %lt3A_222, %lt3A_224 : i1
        %and3A_226 = arith.andi %ne3A_225, %ne3A_220 : i1
        %add3A_227 = arith.addi %rem3A_218, %select_n3A_217 : i32
        %select_n3A_228 = arith.select %and3A_226, %add3A_227, %rem3A_218 : i32
        %dma_wait3A_229 = arith.constant 0 : i32
        %dma_wait3A_230 = arith.constant 0 : i32
        %dma_wait3A_231 = tpu.memref_slice %arg9[%select_n3A_228, %dma_wait3A_229, %dma_wait3A_230] : memref<2x128x128xf32, #tpu.memory_space<vmem>> -> memref<1x128x128xf32, #tpu.memory_space<vmem>>
        %dma_wait3A_232 = tpu.memref_squeeze %dma_wait3A_231 : memref<1x128x128xf32, #tpu.memory_space<vmem>> -> memref<128x128xf32, #tpu.memory_space<vmem>>
        %dma_wait3A_233 = arith.constant 0 : i32
        %dma_wait3A_234 = tpu.memref_slice %arg7[%sub3A_212, %dma_wait3A_233] : memref<16x128xi32, #tpu.memory_space<vmem>> -> memref<1x128xi32, #tpu.memory_space<vmem>>
        %dma_wait3A_235 = tpu.memref_squeeze %dma_wait3A_234 : memref<1x128xi32, #tpu.memory_space<vmem>> -> memref<128xi32, #tpu.memory_space<vmem>>
        %dma_wait3A_236 = arith.constant 0 : i32
        %dma_wait3A_237 = arith.constant 0 : i32
        %dma_wait3A_238 = tpu.memref_slice %arg2[%dma_wait3A_236, %dma_wait3A_237] : memref<10000x128xf32, #tpu.memory_space<hbm>> -> memref<10000x128xf32, #tpu.memory_space<hbm>>
        %dma_wait3A_239 = tpu.memref_slice %arg11[%select_n3A_228] : memref<2x!tpu.dma_semaphore, #tpu.memory_space<semaphore_mem>> -> memref<1x!tpu.dma_semaphore, #tpu.memory_space<semaphore_mem>>
        %dma_wait3A_240 = tpu.memref_squeeze %dma_wait3A_239 : memref<1x!tpu.dma_semaphore, #tpu.memory_space<semaphore_mem>> -> memref<!tpu.dma_semaphore, #tpu.memory_space<semaphore_mem>>
        tpu.wait_indirect_dma semaphore(%dma_wait3A_240 : memref<!tpu.dma_semaphore, #tpu.memory_space<semaphore_mem>>) src(%dma_wait3A_238 : memref<10000x128xf32, #tpu.memory_space<hbm>>) dst(%dma_wait3A_232 : memref<128x128xf32, #tpu.memory_space<vmem>>)
        %dma_start3A = arith.constant 0 : i32
        %dma_start3A_241 = arith.constant 0 : i32
        %dma_start3A_242 = tpu.memref_slice %arg9[%select_n3A_228, %dma_start3A, %dma_start3A_241] : memref<2x128x128xf32, #tpu.memory_space<vmem>> -> memref<1x128x128xf32, #tpu.memory_space<vmem>>
        %dma_start3A_243 = tpu.memref_squeeze %dma_start3A_242 : memref<1x128x128xf32, #tpu.memory_space<vmem>> -> memref<128x128xf32, #tpu.memory_space<vmem>>
        %dma_start3A_244 = arith.constant 0 : i32
        %dma_start3A_245 = tpu.memref_slice %arg8[%sub3A_212, %dma_start3A_244] : memref<16x128xi32, #tpu.memory_space<vmem>> -> memref<1x128xi32, #tpu.memory_space<vmem>>
        %dma_start3A_246 = tpu.memref_squeeze %dma_start3A_245 : memref<1x128xi32, #tpu.memory_space<vmem>> -> memref<128xi32, #tpu.memory_space<vmem>>
        %dma_start3A_247 = arith.constant 0 : i32
        %dma_start3A_248 = arith.constant 0 : i32
        %dma_start3A_249 = tpu.memref_slice %arg10[%dma_start3A_247, %dma_start3A_248] : memref<11776x128xf32, #tpu.memory_space<vmem_shared>> -> memref<11776x128xf32, #tpu.memory_space<vmem_shared>>
        %dma_start3A_250 = tpu.memref_slice %arg12[%select_n3A_228] : memref<2x!tpu.dma_semaphore, #tpu.memory_space<semaphore_mem>> -> memref<1x!tpu.dma_semaphore, #tpu.memory_space<semaphore_mem>>
        %dma_start3A_251 = tpu.memref_squeeze %dma_start3A_250 : memref<1x!tpu.dma_semaphore, #tpu.memory_space<semaphore_mem>> -> memref<!tpu.dma_semaphore, #tpu.memory_space<semaphore_mem>>
        tpu.enqueue_indirect_dma source(%dma_start3A_243 : memref<128x128xf32, #tpu.memory_space<vmem>>) target(%dma_start3A_249 : memref<11776x128xf32, #tpu.memory_space<vmem_shared>>) offsets(%dma_start3A_246 : memref<128xi32, #tpu.memory_space<vmem>>) semaphore(%dma_start3A_251 : memref<!tpu.dma_semaphore, #tpu.memory_space<semaphore_mem>>) {add = true}
      } else {
      }
    }
    %scan3A_45 = arith.constant 17 : i32
    %dma_wait3A_46 = arith.constant 0 : i32
    %dma_wait3A_47 = arith.constant 14 : i32
    %dma_wait3A_48 = arith.constant 0 : i32
    %dma_wait3A_49 = arith.constant 0 : i32
    %dma_wait3A_50 = arith.constant 0 : i32
    %dma_wait3A_51 = tpu.memref_slice %arg9[%dma_wait3A_46, %dma_wait3A_49, %dma_wait3A_50] : memref<2x128x128xf32, #tpu.memory_space<vmem>> -> memref<1x128x128xf32, #tpu.memory_space<vmem>>
    %dma_wait3A_52 = tpu.memref_squeeze %dma_wait3A_51 : memref<1x128x128xf32, #tpu.memory_space<vmem>> -> memref<128x128xf32, #tpu.memory_space<vmem>>
    %dma_wait3A_53 = arith.constant 0 : i32
    %dma_wait3A_54 = tpu.memref_slice %arg8[%dma_wait3A_47, %dma_wait3A_53] : memref<16x128xi32, #tpu.memory_space<vmem>> -> memref<1x128xi32, #tpu.memory_space<vmem>>
    %dma_wait3A_55 = tpu.memref_squeeze %dma_wait3A_54 : memref<1x128xi32, #tpu.memory_space<vmem>> -> memref<128xi32, #tpu.memory_space<vmem>>
    %dma_wait3A_56 = arith.constant 0 : i32
    %dma_wait3A_57 = arith.constant 0 : i32
    %dma_wait3A_58 = tpu.memref_slice %arg10[%dma_wait3A_56, %dma_wait3A_57] : memref<11776x128xf32, #tpu.memory_space<vmem_shared>> -> memref<11776x128xf32, #tpu.memory_space<vmem_shared>>
    %dma_wait3A_59 = tpu.memref_slice %arg12[%dma_wait3A_48] : memref<2x!tpu.dma_semaphore, #tpu.memory_space<semaphore_mem>> -> memref<1x!tpu.dma_semaphore, #tpu.memory_space<semaphore_mem>>
    %dma_wait3A_60 = tpu.memref_squeeze %dma_wait3A_59 : memref<1x!tpu.dma_semaphore, #tpu.memory_space<semaphore_mem>> -> memref<!tpu.dma_semaphore, #tpu.memory_space<semaphore_mem>>
    tpu.wait_indirect_dma semaphore(%dma_wait3A_60 : memref<!tpu.dma_semaphore, #tpu.memory_space<semaphore_mem>>) src(%dma_wait3A_52 : memref<128x128xf32, #tpu.memory_space<vmem>>) dst(%dma_wait3A_58 : memref<11776x128xf32, #tpu.memory_space<vmem_shared>>)
    %dma_wait3A_61 = arith.constant 1 : i32
    %dma_wait3A_62 = arith.constant 15 : i32
    %dma_wait3A_63 = arith.constant 1 : i32
    %dma_wait3A_64 = arith.constant 0 : i32
    %dma_wait3A_65 = arith.constant 0 : i32
    %dma_wait3A_66 = tpu.memref_slice %arg9[%dma_wait3A_61, %dma_wait3A_64, %dma_wait3A_65] : memref<2x128x128xf32, #tpu.memory_space<vmem>> -> memref<1x128x128xf32, #tpu.memory_space<vmem>>
    %dma_wait3A_67 = tpu.memref_squeeze %dma_wait3A_66 : memref<1x128x128xf32, #tpu.memory_space<vmem>> -> memref<128x128xf32, #tpu.memory_space<vmem>>
    %dma_wait3A_68 = arith.constant 0 : i32
    %dma_wait3A_69 = tpu.memref_slice %arg8[%dma_wait3A_62, %dma_wait3A_68] : memref<16x128xi32, #tpu.memory_space<vmem>> -> memref<1x128xi32, #tpu.memory_space<vmem>>
    %dma_wait3A_70 = tpu.memref_squeeze %dma_wait3A_69 : memref<1x128xi32, #tpu.memory_space<vmem>> -> memref<128xi32, #tpu.memory_space<vmem>>
    %dma_wait3A_71 = arith.constant 0 : i32
    %dma_wait3A_72 = arith.constant 0 : i32
    %dma_wait3A_73 = tpu.memref_slice %arg10[%dma_wait3A_71, %dma_wait3A_72] : memref<11776x128xf32, #tpu.memory_space<vmem_shared>> -> memref<11776x128xf32, #tpu.memory_space<vmem_shared>>
    %dma_wait3A_74 = tpu.memref_slice %arg12[%dma_wait3A_63] : memref<2x!tpu.dma_semaphore, #tpu.memory_space<semaphore_mem>> -> memref<1x!tpu.dma_semaphore, #tpu.memory_space<semaphore_mem>>
    %dma_wait3A_75 = tpu.memref_squeeze %dma_wait3A_74 : memref<1x!tpu.dma_semaphore, #tpu.memory_space<semaphore_mem>> -> memref<!tpu.dma_semaphore, #tpu.memory_space<semaphore_mem>>
    tpu.wait_indirect_dma semaphore(%dma_wait3A_75 : memref<!tpu.dma_semaphore, #tpu.memory_space<semaphore_mem>>) src(%dma_wait3A_67 : memref<128x128xf32, #tpu.memory_space<vmem>>) dst(%dma_wait3A_73 : memref<11776x128xf32, #tpu.memory_space<vmem_shared>>)
    %run_scoped3A_76 = arith.constant 2 : i32
    "tpu.region"() ({
      %run_scoped3A_195 = tpu.sem_alloc : memref<!tpu.dma_semaphore, #tpu.memory_space<semaphore_mem>>
      %dma_start3A = arith.constant 0 : i32
      %dma_start3A_196 = arith.constant 0 : i32
      %dma_start3A_197 = tpu.memref_slice %arg3[%add3A, %run_scoped3A_76, %dma_start3A, %dma_start3A_196] : memref<32x5x16x128xi32, #tpu.memory_space<hbm>> -> memref<1x1x16x128xi32, #tpu.memory_space<hbm>>
      %dma_start3A_198 = tpu.memref_squeeze %dma_start3A_197 : memref<1x1x16x128xi32, #tpu.memory_space<hbm>> -> memref<16x128xi32, #tpu.memory_space<hbm>>
      %dma_start3A_199 = arith.constant 0 : i32
      %dma_start3A_200 = arith.constant 0 : i32
      %dma_start3A_201 = tpu.memref_slice %arg3[%add3A, %run_scoped3A_76, %dma_start3A_199, %dma_start3A_200] : memref<32x5x16x128xi32, #tpu.memory_space<hbm>> -> memref<1x1x16x128xi32, #tpu.memory_space<hbm>>
      %dma_start3A_202 = tpu.memref_squeeze %dma_start3A_201 : memref<1x1x16x128xi32, #tpu.memory_space<hbm>> -> memref<16x128xi32, #tpu.memory_space<hbm>>
      tpu.enqueue_dma source(%dma_start3A_202 : memref<16x128xi32, #tpu.memory_space<hbm>>) target(%arg7 : memref<16x128xi32, #tpu.memory_space<vmem>>) target_semaphore(%run_scoped3A_195 : memref<!tpu.dma_semaphore, #tpu.memory_space<semaphore_mem>>)
      %dma_wait3A_203 = arith.constant 0 : i32
      %dma_wait3A_204 = arith.constant 0 : i32
      %dma_wait3A_205 = tpu.memref_slice %arg3[%add3A, %run_scoped3A_76, %dma_wait3A_203, %dma_wait3A_204] : memref<32x5x16x128xi32, #tpu.memory_space<hbm>> -> memref<1x1x16x128xi32, #tpu.memory_space<hbm>>
      %dma_wait3A_206 = tpu.memref_squeeze %dma_wait3A_205 : memref<1x1x16x128xi32, #tpu.memory_space<hbm>> -> memref<16x128xi32, #tpu.memory_space<hbm>>
      %dma_wait3A_207 = arith.constant 0 : i32
      %dma_wait3A_208 = arith.constant 0 : i32
      %dma_wait3A_209 = tpu.memref_slice %arg3[%add3A, %run_scoped3A_76, %dma_wait3A_207, %dma_wait3A_208] : memref<32x5x16x128xi32, #tpu.memory_space<hbm>> -> memref<1x1x16x128xi32, #tpu.memory_space<hbm>>
      %dma_wait3A_210 = tpu.memref_squeeze %dma_wait3A_209 : memref<1x1x16x128xi32, #tpu.memory_space<hbm>> -> memref<16x128xi32, #tpu.memory_space<hbm>>
      tpu.wait_dma2 semaphore(%run_scoped3A_195 : memref<!tpu.dma_semaphore, #tpu.memory_space<semaphore_mem>>) src(%dma_wait3A_210 : memref<16x128xi32, #tpu.memory_space<hbm>>) dst(%arg7 : memref<16x128xi32, #tpu.memory_space<vmem>>)
      tpu.yield
    }) : () -> ()
    %run_scoped3A_77 = arith.constant 2 : i32
    "tpu.region"() ({
      %run_scoped3A_195 = tpu.sem_alloc : memref<!tpu.dma_semaphore, #tpu.memory_space<semaphore_mem>>
      %dma_start3A = arith.constant 0 : i32
      %dma_start3A_196 = arith.constant 0 : i32
      %dma_start3A_197 = tpu.memref_slice %arg4[%add3A, %run_scoped3A_77, %dma_start3A, %dma_start3A_196] : memref<32x5x16x128xi32, #tpu.memory_space<hbm>> -> memref<1x1x16x128xi32, #tpu.memory_space<hbm>>
      %dma_start3A_198 = tpu.memref_squeeze %dma_start3A_197 : memref<1x1x16x128xi32, #tpu.memory_space<hbm>> -> memref<16x128xi32, #tpu.memory_space<hbm>>
      %dma_start3A_199 = arith.constant 0 : i32
      %dma_start3A_200 = arith.constant 0 : i32
      %dma_start3A_201 = tpu.memref_slice %arg4[%add3A, %run_scoped3A_77, %dma_start3A_199, %dma_start3A_200] : memref<32x5x16x128xi32, #tpu.memory_space<hbm>> -> memref<1x1x16x128xi32, #tpu.memory_space<hbm>>
      %dma_start3A_202 = tpu.memref_squeeze %dma_start3A_201 : memref<1x1x16x128xi32, #tpu.memory_space<hbm>> -> memref<16x128xi32, #tpu.memory_space<hbm>>
      tpu.enqueue_dma source(%dma_start3A_202 : memref<16x128xi32, #tpu.memory_space<hbm>>) target(%arg8 : memref<16x128xi32, #tpu.memory_space<vmem>>) target_semaphore(%run_scoped3A_195 : memref<!tpu.dma_semaphore, #tpu.memory_space<semaphore_mem>>)
      %dma_wait3A_203 = arith.constant 0 : i32
      %dma_wait3A_204 = arith.constant 0 : i32
      %dma_wait3A_205 = tpu.memref_slice %arg4[%add3A, %run_scoped3A_77, %dma_wait3A_203, %dma_wait3A_204] : memref<32x5x16x128xi32, #tpu.memory_space<hbm>> -> memref<1x1x16x128xi32, #tpu.memory_space<hbm>>
      %dma_wait3A_206 = tpu.memref_squeeze %dma_wait3A_205 : memref<1x1x16x128xi32, #tpu.memory_space<hbm>> -> memref<16x128xi32, #tpu.memory_space<hbm>>
      %dma_wait3A_207 = arith.constant 0 : i32
      %dma_wait3A_208 = arith.constant 0 : i32
      %dma_wait3A_209 = tpu.memref_slice %arg4[%add3A, %run_scoped3A_77, %dma_wait3A_207, %dma_wait3A_208] : memref<32x5x16x128xi32, #tpu.memory_space<hbm>> -> memref<1x1x16x128xi32, #tpu.memory_space<hbm>>
      %dma_wait3A_210 = tpu.memref_squeeze %dma_wait3A_209 : memref<1x1x16x128xi32, #tpu.memory_space<hbm>> -> memref<16x128xi32, #tpu.memory_space<hbm>>
      tpu.wait_dma2 semaphore(%run_scoped3A_195 : memref<!tpu.dma_semaphore, #tpu.memory_space<semaphore_mem>>) src(%dma_wait3A_210 : memref<16x128xi32, #tpu.memory_space<hbm>>) dst(%arg8 : memref<16x128xi32, #tpu.memory_space<vmem>>)
      tpu.yield
    }) : () -> ()
    %scan3A_78 = arith.constant 0 : i32
    %scan3A_79 = arith.constant 0 : i32
    %scan3A_80 = arith.constant 17 : i32
    %scan3A_81 = arith.addi %scan3A_79, %scan3A_80 : i32
    %scan3A_82 = arith.constant 1 : i32
    scf.for %scan3A_195 = %scan3A_79 to %scan3A_81 step %scan3A_82  : i32 {
      %jit3A = arith.constant 2 : i32
      %eq3A = arith.constant 0 : i32
      %eq3A_196 = arith.cmpi eq, %jit3A, %eq3A : i32
      %jit3A_197 = arith.constant 1 : i32
      %select_n3A = arith.select %eq3A_196, %jit3A_197, %jit3A : i32
      %rem3A = arith.remsi %scan3A_195, %select_n3A : i32
      %ne3A = arith.constant 0 : i32
      %ne3A_198 = arith.cmpi ne, %rem3A, %ne3A : i32
      %lt3A = arith.constant 0 : i32
      %lt3A_199 = arith.cmpi slt, %rem3A, %lt3A : i32
      %lt3A_200 = arith.constant 0 : i32
      %lt3A_201 = arith.cmpi slt, %select_n3A, %lt3A_200 : i32
      %ne3A_202 = arith.xori %lt3A_199, %lt3A_201 : i1
      %and3A = arith.andi %ne3A_202, %ne3A_198 : i1
      %add3A_203 = arith.addi %rem3A, %select_n3A : i32
      %select_n3A_204 = arith.select %and3A, %add3A_203, %rem3A : i32
      %lt3A_205 = arith.constant 16 : i32
      %lt3A_206 = arith.cmpi slt, %scan3A_195, %lt3A_205 : i32
      %convert_element_type3A = arith.extui %lt3A_206 : i1 to i32
      %cond3A = arith.constant 0 : i32
      %cond3A_207 = arith.cmpi ne, %convert_element_type3A, %cond3A : i32
      scf.if %cond3A_207 {
        %ge3A_212 = arith.constant 2 : i32
        %ge3A_213 = arith.cmpi sge, %scan3A_195, %ge3A_212 : i32
        %convert_element_type3A_214 = arith.extui %ge3A_213 : i1 to i32
        %cond3A_215 = arith.constant 0 : i32
        %cond3A_216 = arith.cmpi ne, %convert_element_type3A_214, %cond3A_215 : i32
        scf.if %cond3A_216 {
          %sub3A = arith.constant 2 : i32
          %sub3A_228 = arith.subi %scan3A_195, %sub3A : i32
          %dma_wait3A_229 = arith.constant 0 : i32
          %dma_wait3A_230 = arith.constant 0 : i32
          %dma_wait3A_231 = tpu.memref_slice %arg9[%select_n3A_204, %dma_wait3A_229, %dma_wait3A_230] : memref<2x128x128xf32, #tpu.memory_space<vmem>> -> memref<1x128x128xf32, #tpu.memory_space<vmem>>
          %dma_wait3A_232 = tpu.memref_squeeze %dma_wait3A_231 : memref<1x128x128xf32, #tpu.memory_space<vmem>> -> memref<128x128xf32, #tpu.memory_space<vmem>>
          %dma_wait3A_233 = arith.constant 0 : i32
          %dma_wait3A_234 = tpu.memref_slice %arg8[%sub3A_228, %dma_wait3A_233] : memref<16x128xi32, #tpu.memory_space<vmem>> -> memref<1x128xi32, #tpu.memory_space<vmem>>
          %dma_wait3A_235 = tpu.memref_squeeze %dma_wait3A_234 : memref<1x128xi32, #tpu.memory_space<vmem>> -> memref<128xi32, #tpu.memory_space<vmem>>
          %dma_wait3A_236 = arith.constant 0 : i32
          %dma_wait3A_237 = arith.constant 0 : i32
          %dma_wait3A_238 = tpu.memref_slice %arg10[%dma_wait3A_236, %dma_wait3A_237] : memref<11776x128xf32, #tpu.memory_space<vmem_shared>> -> memref<11776x128xf32, #tpu.memory_space<vmem_shared>>
          %dma_wait3A_239 = tpu.memref_slice %arg12[%select_n3A_204] : memref<2x!tpu.dma_semaphore, #tpu.memory_space<semaphore_mem>> -> memref<1x!tpu.dma_semaphore, #tpu.memory_space<semaphore_mem>>
          %dma_wait3A_240 = tpu.memref_squeeze %dma_wait3A_239 : memref<1x!tpu.dma_semaphore, #tpu.memory_space<semaphore_mem>> -> memref<!tpu.dma_semaphore, #tpu.memory_space<semaphore_mem>>
          tpu.wait_indirect_dma semaphore(%dma_wait3A_240 : memref<!tpu.dma_semaphore, #tpu.memory_space<semaphore_mem>>) src(%dma_wait3A_232 : memref<128x128xf32, #tpu.memory_space<vmem>>) dst(%dma_wait3A_238 : memref<11776x128xf32, #tpu.memory_space<vmem_shared>>)
        } else {
        }
        %dma_start3A = arith.constant 0 : i32
        %dma_start3A_217 = arith.constant 0 : i32
        %dma_start3A_218 = tpu.memref_slice %arg9[%select_n3A_204, %dma_start3A, %dma_start3A_217] : memref<2x128x128xf32, #tpu.memory_space<vmem>> -> memref<1x128x128xf32, #tpu.memory_space<vmem>>
        %dma_start3A_219 = tpu.memref_squeeze %dma_start3A_218 : memref<1x128x128xf32, #tpu.memory_space<vmem>> -> memref<128x128xf32, #tpu.memory_space<vmem>>
        %dma_start3A_220 = arith.constant 0 : i32
        %dma_start3A_221 = tpu.memref_slice %arg7[%scan3A_195, %dma_start3A_220] : memref<16x128xi32, #tpu.memory_space<vmem>> -> memref<1x128xi32, #tpu.memory_space<vmem>>
        %dma_start3A_222 = tpu.memref_squeeze %dma_start3A_221 : memref<1x128xi32, #tpu.memory_space<vmem>> -> memref<128xi32, #tpu.memory_space<vmem>>
        %dma_start3A_223 = arith.constant 0 : i32
        %dma_start3A_224 = arith.constant 0 : i32
        %dma_start3A_225 = tpu.memref_slice %arg2[%dma_start3A_223, %dma_start3A_224] : memref<10000x128xf32, #tpu.memory_space<hbm>> -> memref<10000x128xf32, #tpu.memory_space<hbm>>
        %dma_start3A_226 = tpu.memref_slice %arg11[%select_n3A_204] : memref<2x!tpu.dma_semaphore, #tpu.memory_space<semaphore_mem>> -> memref<1x!tpu.dma_semaphore, #tpu.memory_space<semaphore_mem>>
        %dma_start3A_227 = tpu.memref_squeeze %dma_start3A_226 : memref<1x!tpu.dma_semaphore, #tpu.memory_space<semaphore_mem>> -> memref<!tpu.dma_semaphore, #tpu.memory_space<semaphore_mem>>
        tpu.enqueue_indirect_dma source(%dma_start3A_225 : memref<10000x128xf32, #tpu.memory_space<hbm>>) target(%dma_start3A_219 : memref<128x128xf32, #tpu.memory_space<vmem>>) offsets(%dma_start3A_222 : memref<128xi32, #tpu.memory_space<vmem>>) semaphore(%dma_start3A_227 : memref<!tpu.dma_semaphore, #tpu.memory_space<semaphore_mem>>)
      } else {
      }
      %ge3A = arith.constant 1 : i32
      %ge3A_208 = arith.cmpi sge, %scan3A_195, %ge3A : i32
      %convert_element_type3A_209 = arith.extui %ge3A_208 : i1 to i32
      %cond3A_210 = arith.constant 0 : i32
      %cond3A_211 = arith.cmpi ne, %convert_element_type3A_209, %cond3A_210 : i32
      scf.if %cond3A_211 {
        %sub3A = arith.constant 1 : i32
        %sub3A_212 = arith.subi %scan3A_195, %sub3A : i32
        %jit3A_213 = arith.constant 2 : i32
        %eq3A_214 = arith.constant 0 : i32
        %eq3A_215 = arith.cmpi eq, %jit3A_213, %eq3A_214 : i32
        %jit3A_216 = arith.constant 1 : i32
        %select_n3A_217 = arith.select %eq3A_215, %jit3A_216, %jit3A_213 : i32
        %rem3A_218 = arith.remsi %sub3A_212, %select_n3A_217 : i32
        %ne3A_219 = arith.constant 0 : i32
        %ne3A_220 = arith.cmpi ne, %rem3A_218, %ne3A_219 : i32
        %lt3A_221 = arith.constant 0 : i32
        %lt3A_222 = arith.cmpi slt, %rem3A_218, %lt3A_221 : i32
        %lt3A_223 = arith.constant 0 : i32
        %lt3A_224 = arith.cmpi slt, %select_n3A_217, %lt3A_223 : i32
        %ne3A_225 = arith.xori %lt3A_222, %lt3A_224 : i1
        %and3A_226 = arith.andi %ne3A_225, %ne3A_220 : i1
        %add3A_227 = arith.addi %rem3A_218, %select_n3A_217 : i32
        %select_n3A_228 = arith.select %and3A_226, %add3A_227, %rem3A_218 : i32
        %dma_wait3A_229 = arith.constant 0 : i32
        %dma_wait3A_230 = arith.constant 0 : i32
        %dma_wait3A_231 = tpu.memref_slice %arg9[%select_n3A_228, %dma_wait3A_229, %dma_wait3A_230] : memref<2x128x128xf32, #tpu.memory_space<vmem>> -> memref<1x128x128xf32, #tpu.memory_space<vmem>>
        %dma_wait3A_232 = tpu.memref_squeeze %dma_wait3A_231 : memref<1x128x128xf32, #tpu.memory_space<vmem>> -> memref<128x128xf32, #tpu.memory_space<vmem>>
        %dma_wait3A_233 = arith.constant 0 : i32
        %dma_wait3A_234 = tpu.memref_slice %arg7[%sub3A_212, %dma_wait3A_233] : memref<16x128xi32, #tpu.memory_space<vmem>> -> memref<1x128xi32, #tpu.memory_space<vmem>>
        %dma_wait3A_235 = tpu.memref_squeeze %dma_wait3A_234 : memref<1x128xi32, #tpu.memory_space<vmem>> -> memref<128xi32, #tpu.memory_space<vmem>>
        %dma_wait3A_236 = arith.constant 0 : i32
        %dma_wait3A_237 = arith.constant 0 : i32
        %dma_wait3A_238 = tpu.memref_slice %arg2[%dma_wait3A_236, %dma_wait3A_237] : memref<10000x128xf32, #tpu.memory_space<hbm>> -> memref<10000x128xf32, #tpu.memory_space<hbm>>
        %dma_wait3A_239 = tpu.memref_slice %arg11[%select_n3A_228] : memref<2x!tpu.dma_semaphore, #tpu.memory_space<semaphore_mem>> -> memref<1x!tpu.dma_semaphore, #tpu.memory_space<semaphore_mem>>
        %dma_wait3A_240 = tpu.memref_squeeze %dma_wait3A_239 : memref<1x!tpu.dma_semaphore, #tpu.memory_space<semaphore_mem>> -> memref<!tpu.dma_semaphore, #tpu.memory_space<semaphore_mem>>
        tpu.wait_indirect_dma semaphore(%dma_wait3A_240 : memref<!tpu.dma_semaphore, #tpu.memory_space<semaphore_mem>>) src(%dma_wait3A_238 : memref<10000x128xf32, #tpu.memory_space<hbm>>) dst(%dma_wait3A_232 : memref<128x128xf32, #tpu.memory_space<vmem>>)
        %dma_start3A = arith.constant 0 : i32
        %dma_start3A_241 = arith.constant 0 : i32
        %dma_start3A_242 = tpu.memref_slice %arg9[%select_n3A_228, %dma_start3A, %dma_start3A_241] : memref<2x128x128xf32, #tpu.memory_space<vmem>> -> memref<1x128x128xf32, #tpu.memory_space<vmem>>
        %dma_start3A_243 = tpu.memref_squeeze %dma_start3A_242 : memref<1x128x128xf32, #tpu.memory_space<vmem>> -> memref<128x128xf32, #tpu.memory_space<vmem>>
        %dma_start3A_244 = arith.constant 0 : i32
        %dma_start3A_245 = tpu.memref_slice %arg8[%sub3A_212, %dma_start3A_244] : memref<16x128xi32, #tpu.memory_space<vmem>> -> memref<1x128xi32, #tpu.memory_space<vmem>>
        %dma_start3A_246 = tpu.memref_squeeze %dma_start3A_245 : memref<1x128xi32, #tpu.memory_space<vmem>> -> memref<128xi32, #tpu.memory_space<vmem>>
        %dma_start3A_247 = arith.constant 0 : i32
        %dma_start3A_248 = arith.constant 0 : i32
        %dma_start3A_249 = tpu.memref_slice %arg10[%dma_start3A_247, %dma_start3A_248] : memref<11776x128xf32, #tpu.memory_space<vmem_shared>> -> memref<11776x128xf32, #tpu.memory_space<vmem_shared>>
        %dma_start3A_250 = tpu.memref_slice %arg12[%select_n3A_228] : memref<2x!tpu.dma_semaphore, #tpu.memory_space<semaphore_mem>> -> memref<1x!tpu.dma_semaphore, #tpu.memory_space<semaphore_mem>>
        %dma_start3A_251 = tpu.memref_squeeze %dma_start3A_250 : memref<1x!tpu.dma_semaphore, #tpu.memory_space<semaphore_mem>> -> memref<!tpu.dma_semaphore, #tpu.memory_space<semaphore_mem>>
        tpu.enqueue_indirect_dma source(%dma_start3A_243 : memref<128x128xf32, #tpu.memory_space<vmem>>) target(%dma_start3A_249 : memref<11776x128xf32, #tpu.memory_space<vmem_shared>>) offsets(%dma_start3A_246 : memref<128xi32, #tpu.memory_space<vmem>>) semaphore(%dma_start3A_251 : memref<!tpu.dma_semaphore, #tpu.memory_space<semaphore_mem>>) {add = true}
      } else {
      }
    }
    %scan3A_83 = arith.constant 17 : i32
    %dma_wait3A_84 = arith.constant 0 : i32
    %dma_wait3A_85 = arith.constant 14 : i32
    %dma_wait3A_86 = arith.constant 0 : i32
    %dma_wait3A_87 = arith.constant 0 : i32
    %dma_wait3A_88 = arith.constant 0 : i32
    %dma_wait3A_89 = tpu.memref_slice %arg9[%dma_wait3A_84, %dma_wait3A_87, %dma_wait3A_88] : memref<2x128x128xf32, #tpu.memory_space<vmem>> -> memref<1x128x128xf32, #tpu.memory_space<vmem>>
    %dma_wait3A_90 = tpu.memref_squeeze %dma_wait3A_89 : memref<1x128x128xf32, #tpu.memory_space<vmem>> -> memref<128x128xf32, #tpu.memory_space<vmem>>
    %dma_wait3A_91 = arith.constant 0 : i32
    %dma_wait3A_92 = tpu.memref_slice %arg8[%dma_wait3A_85, %dma_wait3A_91] : memref<16x128xi32, #tpu.memory_space<vmem>> -> memref<1x128xi32, #tpu.memory_space<vmem>>
    %dma_wait3A_93 = tpu.memref_squeeze %dma_wait3A_92 : memref<1x128xi32, #tpu.memory_space<vmem>> -> memref<128xi32, #tpu.memory_space<vmem>>
    %dma_wait3A_94 = arith.constant 0 : i32
    %dma_wait3A_95 = arith.constant 0 : i32
    %dma_wait3A_96 = tpu.memref_slice %arg10[%dma_wait3A_94, %dma_wait3A_95] : memref<11776x128xf32, #tpu.memory_space<vmem_shared>> -> memref<11776x128xf32, #tpu.memory_space<vmem_shared>>
    %dma_wait3A_97 = tpu.memref_slice %arg12[%dma_wait3A_86] : memref<2x!tpu.dma_semaphore, #tpu.memory_space<semaphore_mem>> -> memref<1x!tpu.dma_semaphore, #tpu.memory_space<semaphore_mem>>
    %dma_wait3A_98 = tpu.memref_squeeze %dma_wait3A_97 : memref<1x!tpu.dma_semaphore, #tpu.memory_space<semaphore_mem>> -> memref<!tpu.dma_semaphore, #tpu.memory_space<semaphore_mem>>
    tpu.wait_indirect_dma semaphore(%dma_wait3A_98 : memref<!tpu.dma_semaphore, #tpu.memory_space<semaphore_mem>>) src(%dma_wait3A_90 : memref<128x128xf32, #tpu.memory_space<vmem>>) dst(%dma_wait3A_96 : memref<11776x128xf32, #tpu.memory_space<vmem_shared>>)
    %dma_wait3A_99 = arith.constant 1 : i32
    %dma_wait3A_100 = arith.constant 15 : i32
    %dma_wait3A_101 = arith.constant 1 : i32
    %dma_wait3A_102 = arith.constant 0 : i32
    %dma_wait3A_103 = arith.constant 0 : i32
    %dma_wait3A_104 = tpu.memref_slice %arg9[%dma_wait3A_99, %dma_wait3A_102, %dma_wait3A_103] : memref<2x128x128xf32, #tpu.memory_space<vmem>> -> memref<1x128x128xf32, #tpu.memory_space<vmem>>
    %dma_wait3A_105 = tpu.memref_squeeze %dma_wait3A_104 : memref<1x128x128xf32, #tpu.memory_space<vmem>> -> memref<128x128xf32, #tpu.memory_space<vmem>>
    %dma_wait3A_106 = arith.constant 0 : i32
    %dma_wait3A_107 = tpu.memref_slice %arg8[%dma_wait3A_100, %dma_wait3A_106] : memref<16x128xi32, #tpu.memory_space<vmem>> -> memref<1x128xi32, #tpu.memory_space<vmem>>
    %dma_wait3A_108 = tpu.memref_squeeze %dma_wait3A_107 : memref<1x128xi32, #tpu.memory_space<vmem>> -> memref<128xi32, #tpu.memory_space<vmem>>
    %dma_wait3A_109 = arith.constant 0 : i32
    %dma_wait3A_110 = arith.constant 0 : i32
    %dma_wait3A_111 = tpu.memref_slice %arg10[%dma_wait3A_109, %dma_wait3A_110] : memref<11776x128xf32, #tpu.memory_space<vmem_shared>> -> memref<11776x128xf32, #tpu.memory_space<vmem_shared>>
    %dma_wait3A_112 = tpu.memref_slice %arg12[%dma_wait3A_101] : memref<2x!tpu.dma_semaphore, #tpu.memory_space<semaphore_mem>> -> memref<1x!tpu.dma_semaphore, #tpu.memory_space<semaphore_mem>>
    %dma_wait3A_113 = tpu.memref_squeeze %dma_wait3A_112 : memref<1x!tpu.dma_semaphore, #tpu.memory_space<semaphore_mem>> -> memref<!tpu.dma_semaphore, #tpu.memory_space<semaphore_mem>>
    tpu.wait_indirect_dma semaphore(%dma_wait3A_113 : memref<!tpu.dma_semaphore, #tpu.memory_space<semaphore_mem>>) src(%dma_wait3A_105 : memref<128x128xf32, #tpu.memory_space<vmem>>) dst(%dma_wait3A_111 : memref<11776x128xf32, #tpu.memory_space<vmem_shared>>)
    %run_scoped3A_114 = arith.constant 3 : i32
    "tpu.region"() ({
      %run_scoped3A_195 = tpu.sem_alloc : memref<!tpu.dma_semaphore, #tpu.memory_space<semaphore_mem>>
      %dma_start3A = arith.constant 0 : i32
      %dma_start3A_196 = arith.constant 0 : i32
      %dma_start3A_197 = tpu.memref_slice %arg3[%add3A, %run_scoped3A_114, %dma_start3A, %dma_start3A_196] : memref<32x5x16x128xi32, #tpu.memory_space<hbm>> -> memref<1x1x16x128xi32, #tpu.memory_space<hbm>>
      %dma_start3A_198 = tpu.memref_squeeze %dma_start3A_197 : memref<1x1x16x128xi32, #tpu.memory_space<hbm>> -> memref<16x128xi32, #tpu.memory_space<hbm>>
      %dma_start3A_199 = arith.constant 0 : i32
      %dma_start3A_200 = arith.constant 0 : i32
      %dma_start3A_201 = tpu.memref_slice %arg3[%add3A, %run_scoped3A_114, %dma_start3A_199, %dma_start3A_200] : memref<32x5x16x128xi32, #tpu.memory_space<hbm>> -> memref<1x1x16x128xi32, #tpu.memory_space<hbm>>
      %dma_start3A_202 = tpu.memref_squeeze %dma_start3A_201 : memref<1x1x16x128xi32, #tpu.memory_space<hbm>> -> memref<16x128xi32, #tpu.memory_space<hbm>>
      tpu.enqueue_dma source(%dma_start3A_202 : memref<16x128xi32, #tpu.memory_space<hbm>>) target(%arg7 : memref<16x128xi32, #tpu.memory_space<vmem>>) target_semaphore(%run_scoped3A_195 : memref<!tpu.dma_semaphore, #tpu.memory_space<semaphore_mem>>)
      %dma_wait3A_203 = arith.constant 0 : i32
      %dma_wait3A_204 = arith.constant 0 : i32
      %dma_wait3A_205 = tpu.memref_slice %arg3[%add3A, %run_scoped3A_114, %dma_wait3A_203, %dma_wait3A_204] : memref<32x5x16x128xi32, #tpu.memory_space<hbm>> -> memref<1x1x16x128xi32, #tpu.memory_space<hbm>>
      %dma_wait3A_206 = tpu.memref_squeeze %dma_wait3A_205 : memref<1x1x16x128xi32, #tpu.memory_space<hbm>> -> memref<16x128xi32, #tpu.memory_space<hbm>>
      %dma_wait3A_207 = arith.constant 0 : i32
      %dma_wait3A_208 = arith.constant 0 : i32
      %dma_wait3A_209 = tpu.memref_slice %arg3[%add3A, %run_scoped3A_114, %dma_wait3A_207, %dma_wait3A_208] : memref<32x5x16x128xi32, #tpu.memory_space<hbm>> -> memref<1x1x16x128xi32, #tpu.memory_space<hbm>>
      %dma_wait3A_210 = tpu.memref_squeeze %dma_wait3A_209 : memref<1x1x16x128xi32, #tpu.memory_space<hbm>> -> memref<16x128xi32, #tpu.memory_space<hbm>>
      tpu.wait_dma2 semaphore(%run_scoped3A_195 : memref<!tpu.dma_semaphore, #tpu.memory_space<semaphore_mem>>) src(%dma_wait3A_210 : memref<16x128xi32, #tpu.memory_space<hbm>>) dst(%arg7 : memref<16x128xi32, #tpu.memory_space<vmem>>)
      tpu.yield
    }) : () -> ()
    %run_scoped3A_115 = arith.constant 3 : i32
    "tpu.region"() ({
      %run_scoped3A_195 = tpu.sem_alloc : memref<!tpu.dma_semaphore, #tpu.memory_space<semaphore_mem>>
      %dma_start3A = arith.constant 0 : i32
      %dma_start3A_196 = arith.constant 0 : i32
      %dma_start3A_197 = tpu.memref_slice %arg4[%add3A, %run_scoped3A_115, %dma_start3A, %dma_start3A_196] : memref<32x5x16x128xi32, #tpu.memory_space<hbm>> -> memref<1x1x16x128xi32, #tpu.memory_space<hbm>>
      %dma_start3A_198 = tpu.memref_squeeze %dma_start3A_197 : memref<1x1x16x128xi32, #tpu.memory_space<hbm>> -> memref<16x128xi32, #tpu.memory_space<hbm>>
      %dma_start3A_199 = arith.constant 0 : i32
      %dma_start3A_200 = arith.constant 0 : i32
      %dma_start3A_201 = tpu.memref_slice %arg4[%add3A, %run_scoped3A_115, %dma_start3A_199, %dma_start3A_200] : memref<32x5x16x128xi32, #tpu.memory_space<hbm>> -> memref<1x1x16x128xi32, #tpu.memory_space<hbm>>
      %dma_start3A_202 = tpu.memref_squeeze %dma_start3A_201 : memref<1x1x16x128xi32, #tpu.memory_space<hbm>> -> memref<16x128xi32, #tpu.memory_space<hbm>>
      tpu.enqueue_dma source(%dma_start3A_202 : memref<16x128xi32, #tpu.memory_space<hbm>>) target(%arg8 : memref<16x128xi32, #tpu.memory_space<vmem>>) target_semaphore(%run_scoped3A_195 : memref<!tpu.dma_semaphore, #tpu.memory_space<semaphore_mem>>)
      %dma_wait3A_203 = arith.constant 0 : i32
      %dma_wait3A_204 = arith.constant 0 : i32
      %dma_wait3A_205 = tpu.memref_slice %arg4[%add3A, %run_scoped3A_115, %dma_wait3A_203, %dma_wait3A_204] : memref<32x5x16x128xi32, #tpu.memory_space<hbm>> -> memref<1x1x16x128xi32, #tpu.memory_space<hbm>>
      %dma_wait3A_206 = tpu.memref_squeeze %dma_wait3A_205 : memref<1x1x16x128xi32, #tpu.memory_space<hbm>> -> memref<16x128xi32, #tpu.memory_space<hbm>>
      %dma_wait3A_207 = arith.constant 0 : i32
      %dma_wait3A_208 = arith.constant 0 : i32
      %dma_wait3A_209 = tpu.memref_slice %arg4[%add3A, %run_scoped3A_115, %dma_wait3A_207, %dma_wait3A_208] : memref<32x5x16x128xi32, #tpu.memory_space<hbm>> -> memref<1x1x16x128xi32, #tpu.memory_space<hbm>>
      %dma_wait3A_210 = tpu.memref_squeeze %dma_wait3A_209 : memref<1x1x16x128xi32, #tpu.memory_space<hbm>> -> memref<16x128xi32, #tpu.memory_space<hbm>>
      tpu.wait_dma2 semaphore(%run_scoped3A_195 : memref<!tpu.dma_semaphore, #tpu.memory_space<semaphore_mem>>) src(%dma_wait3A_210 : memref<16x128xi32, #tpu.memory_space<hbm>>) dst(%arg8 : memref<16x128xi32, #tpu.memory_space<vmem>>)
      tpu.yield
    }) : () -> ()
    %scan3A_116 = arith.constant 0 : i32
    %scan3A_117 = arith.constant 0 : i32
    %scan3A_118 = arith.constant 17 : i32
    %scan3A_119 = arith.addi %scan3A_117, %scan3A_118 : i32
    %scan3A_120 = arith.constant 1 : i32
    scf.for %scan3A_195 = %scan3A_117 to %scan3A_119 step %scan3A_120  : i32 {
      %jit3A = arith.constant 2 : i32
      %eq3A = arith.constant 0 : i32
      %eq3A_196 = arith.cmpi eq, %jit3A, %eq3A : i32
      %jit3A_197 = arith.constant 1 : i32
      %select_n3A = arith.select %eq3A_196, %jit3A_197, %jit3A : i32
      %rem3A = arith.remsi %scan3A_195, %select_n3A : i32
      %ne3A = arith.constant 0 : i32
      %ne3A_198 = arith.cmpi ne, %rem3A, %ne3A : i32
      %lt3A = arith.constant 0 : i32
      %lt3A_199 = arith.cmpi slt, %rem3A, %lt3A : i32
      %lt3A_200 = arith.constant 0 : i32
      %lt3A_201 = arith.cmpi slt, %select_n3A, %lt3A_200 : i32
      %ne3A_202 = arith.xori %lt3A_199, %lt3A_201 : i1
      %and3A = arith.andi %ne3A_202, %ne3A_198 : i1
      %add3A_203 = arith.addi %rem3A, %select_n3A : i32
      %select_n3A_204 = arith.select %and3A, %add3A_203, %rem3A : i32
      %lt3A_205 = arith.constant 16 : i32
      %lt3A_206 = arith.cmpi slt, %scan3A_195, %lt3A_205 : i32
      %convert_element_type3A = arith.extui %lt3A_206 : i1 to i32
      %cond3A = arith.constant 0 : i32
      %cond3A_207 = arith.cmpi ne, %convert_element_type3A, %cond3A : i32
      scf.if %cond3A_207 {
        %ge3A_212 = arith.constant 2 : i32
        %ge3A_213 = arith.cmpi sge, %scan3A_195, %ge3A_212 : i32
        %convert_element_type3A_214 = arith.extui %ge3A_213 : i1 to i32
        %cond3A_215 = arith.constant 0 : i32
        %cond3A_216 = arith.cmpi ne, %convert_element_type3A_214, %cond3A_215 : i32
        scf.if %cond3A_216 {
          %sub3A = arith.constant 2 : i32
          %sub3A_228 = arith.subi %scan3A_195, %sub3A : i32
          %dma_wait3A_229 = arith.constant 0 : i32
          %dma_wait3A_230 = arith.constant 0 : i32
          %dma_wait3A_231 = tpu.memref_slice %arg9[%select_n3A_204, %dma_wait3A_229, %dma_wait3A_230] : memref<2x128x128xf32, #tpu.memory_space<vmem>> -> memref<1x128x128xf32, #tpu.memory_space<vmem>>
          %dma_wait3A_232 = tpu.memref_squeeze %dma_wait3A_231 : memref<1x128x128xf32, #tpu.memory_space<vmem>> -> memref<128x128xf32, #tpu.memory_space<vmem>>
          %dma_wait3A_233 = arith.constant 0 : i32
          %dma_wait3A_234 = tpu.memref_slice %arg8[%sub3A_228, %dma_wait3A_233] : memref<16x128xi32, #tpu.memory_space<vmem>> -> memref<1x128xi32, #tpu.memory_space<vmem>>
          %dma_wait3A_235 = tpu.memref_squeeze %dma_wait3A_234 : memref<1x128xi32, #tpu.memory_space<vmem>> -> memref<128xi32, #tpu.memory_space<vmem>>
          %dma_wait3A_236 = arith.constant 0 : i32
          %dma_wait3A_237 = arith.constant 0 : i32
          %dma_wait3A_238 = tpu.memref_slice %arg10[%dma_wait3A_236, %dma_wait3A_237] : memref<11776x128xf32, #tpu.memory_space<vmem_shared>> -> memref<11776x128xf32, #tpu.memory_space<vmem_shared>>
          %dma_wait3A_239 = tpu.memref_slice %arg12[%select_n3A_204] : memref<2x!tpu.dma_semaphore, #tpu.memory_space<semaphore_mem>> -> memref<1x!tpu.dma_semaphore, #tpu.memory_space<semaphore_mem>>
          %dma_wait3A_240 = tpu.memref_squeeze %dma_wait3A_239 : memref<1x!tpu.dma_semaphore, #tpu.memory_space<semaphore_mem>> -> memref<!tpu.dma_semaphore, #tpu.memory_space<semaphore_mem>>
          tpu.wait_indirect_dma semaphore(%dma_wait3A_240 : memref<!tpu.dma_semaphore, #tpu.memory_space<semaphore_mem>>) src(%dma_wait3A_232 : memref<128x128xf32, #tpu.memory_space<vmem>>) dst(%dma_wait3A_238 : memref<11776x128xf32, #tpu.memory_space<vmem_shared>>)
        } else {
        }
        %dma_start3A = arith.constant 0 : i32
        %dma_start3A_217 = arith.constant 0 : i32
        %dma_start3A_218 = tpu.memref_slice %arg9[%select_n3A_204, %dma_start3A, %dma_start3A_217] : memref<2x128x128xf32, #tpu.memory_space<vmem>> -> memref<1x128x128xf32, #tpu.memory_space<vmem>>
        %dma_start3A_219 = tpu.memref_squeeze %dma_start3A_218 : memref<1x128x128xf32, #tpu.memory_space<vmem>> -> memref<128x128xf32, #tpu.memory_space<vmem>>
        %dma_start3A_220 = arith.constant 0 : i32
        %dma_start3A_221 = tpu.memref_slice %arg7[%scan3A_195, %dma_start3A_220] : memref<16x128xi32, #tpu.memory_space<vmem>> -> memref<1x128xi32, #tpu.memory_space<vmem>>
        %dma_start3A_222 = tpu.memref_squeeze %dma_start3A_221 : memref<1x128xi32, #tpu.memory_space<vmem>> -> memref<128xi32, #tpu.memory_space<vmem>>
        %dma_start3A_223 = arith.constant 0 : i32
        %dma_start3A_224 = arith.constant 0 : i32
        %dma_start3A_225 = tpu.memref_slice %arg2[%dma_start3A_223, %dma_start3A_224] : memref<10000x128xf32, #tpu.memory_space<hbm>> -> memref<10000x128xf32, #tpu.memory_space<hbm>>
        %dma_start3A_226 = tpu.memref_slice %arg11[%select_n3A_204] : memref<2x!tpu.dma_semaphore, #tpu.memory_space<semaphore_mem>> -> memref<1x!tpu.dma_semaphore, #tpu.memory_space<semaphore_mem>>
        %dma_start3A_227 = tpu.memref_squeeze %dma_start3A_226 : memref<1x!tpu.dma_semaphore, #tpu.memory_space<semaphore_mem>> -> memref<!tpu.dma_semaphore, #tpu.memory_space<semaphore_mem>>
        tpu.enqueue_indirect_dma source(%dma_start3A_225 : memref<10000x128xf32, #tpu.memory_space<hbm>>) target(%dma_start3A_219 : memref<128x128xf32, #tpu.memory_space<vmem>>) offsets(%dma_start3A_222 : memref<128xi32, #tpu.memory_space<vmem>>) semaphore(%dma_start3A_227 : memref<!tpu.dma_semaphore, #tpu.memory_space<semaphore_mem>>)
      } else {
      }
      %ge3A = arith.constant 1 : i32
      %ge3A_208 = arith.cmpi sge, %scan3A_195, %ge3A : i32
      %convert_element_type3A_209 = arith.extui %ge3A_208 : i1 to i32
      %cond3A_210 = arith.constant 0 : i32
      %cond3A_211 = arith.cmpi ne, %convert_element_type3A_209, %cond3A_210 : i32
      scf.if %cond3A_211 {
        %sub3A = arith.constant 1 : i32
        %sub3A_212 = arith.subi %scan3A_195, %sub3A : i32
        %jit3A_213 = arith.constant 2 : i32
        %eq3A_214 = arith.constant 0 : i32
        %eq3A_215 = arith.cmpi eq, %jit3A_213, %eq3A_214 : i32
        %jit3A_216 = arith.constant 1 : i32
        %select_n3A_217 = arith.select %eq3A_215, %jit3A_216, %jit3A_213 : i32
        %rem3A_218 = arith.remsi %sub3A_212, %select_n3A_217 : i32
        %ne3A_219 = arith.constant 0 : i32
        %ne3A_220 = arith.cmpi ne, %rem3A_218, %ne3A_219 : i32
        %lt3A_221 = arith.constant 0 : i32
        %lt3A_222 = arith.cmpi slt, %rem3A_218, %lt3A_221 : i32
        %lt3A_223 = arith.constant 0 : i32
        %lt3A_224 = arith.cmpi slt, %select_n3A_217, %lt3A_223 : i32
        %ne3A_225 = arith.xori %lt3A_222, %lt3A_224 : i1
        %and3A_226 = arith.andi %ne3A_225, %ne3A_220 : i1
        %add3A_227 = arith.addi %rem3A_218, %select_n3A_217 : i32
        %select_n3A_228 = arith.select %and3A_226, %add3A_227, %rem3A_218 : i32
        %dma_wait3A_229 = arith.constant 0 : i32
        %dma_wait3A_230 = arith.constant 0 : i32
        %dma_wait3A_231 = tpu.memref_slice %arg9[%select_n3A_228, %dma_wait3A_229, %dma_wait3A_230] : memref<2x128x128xf32, #tpu.memory_space<vmem>> -> memref<1x128x128xf32, #tpu.memory_space<vmem>>
        %dma_wait3A_232 = tpu.memref_squeeze %dma_wait3A_231 : memref<1x128x128xf32, #tpu.memory_space<vmem>> -> memref<128x128xf32, #tpu.memory_space<vmem>>
        %dma_wait3A_233 = arith.constant 0 : i32
        %dma_wait3A_234 = tpu.memref_slice %arg7[%sub3A_212, %dma_wait3A_233] : memref<16x128xi32, #tpu.memory_space<vmem>> -> memref<1x128xi32, #tpu.memory_space<vmem>>
        %dma_wait3A_235 = tpu.memref_squeeze %dma_wait3A_234 : memref<1x128xi32, #tpu.memory_space<vmem>> -> memref<128xi32, #tpu.memory_space<vmem>>
        %dma_wait3A_236 = arith.constant 0 : i32
        %dma_wait3A_237 = arith.constant 0 : i32
        %dma_wait3A_238 = tpu.memref_slice %arg2[%dma_wait3A_236, %dma_wait3A_237] : memref<10000x128xf32, #tpu.memory_space<hbm>> -> memref<10000x128xf32, #tpu.memory_space<hbm>>
        %dma_wait3A_239 = tpu.memref_slice %arg11[%select_n3A_228] : memref<2x!tpu.dma_semaphore, #tpu.memory_space<semaphore_mem>> -> memref<1x!tpu.dma_semaphore, #tpu.memory_space<semaphore_mem>>
        %dma_wait3A_240 = tpu.memref_squeeze %dma_wait3A_239 : memref<1x!tpu.dma_semaphore, #tpu.memory_space<semaphore_mem>> -> memref<!tpu.dma_semaphore, #tpu.memory_space<semaphore_mem>>
        tpu.wait_indirect_dma semaphore(%dma_wait3A_240 : memref<!tpu.dma_semaphore, #tpu.memory_space<semaphore_mem>>) src(%dma_wait3A_238 : memref<10000x128xf32, #tpu.memory_space<hbm>>) dst(%dma_wait3A_232 : memref<128x128xf32, #tpu.memory_space<vmem>>)
        %dma_start3A = arith.constant 0 : i32
        %dma_start3A_241 = arith.constant 0 : i32
        %dma_start3A_242 = tpu.memref_slice %arg9[%select_n3A_228, %dma_start3A, %dma_start3A_241] : memref<2x128x128xf32, #tpu.memory_space<vmem>> -> memref<1x128x128xf32, #tpu.memory_space<vmem>>
        %dma_start3A_243 = tpu.memref_squeeze %dma_start3A_242 : memref<1x128x128xf32, #tpu.memory_space<vmem>> -> memref<128x128xf32, #tpu.memory_space<vmem>>
        %dma_start3A_244 = arith.constant 0 : i32
        %dma_start3A_245 = tpu.memref_slice %arg8[%sub3A_212, %dma_start3A_244] : memref<16x128xi32, #tpu.memory_space<vmem>> -> memref<1x128xi32, #tpu.memory_space<vmem>>
        %dma_start3A_246 = tpu.memref_squeeze %dma_start3A_245 : memref<1x128xi32, #tpu.memory_space<vmem>> -> memref<128xi32, #tpu.memory_space<vmem>>
        %dma_start3A_247 = arith.constant 0 : i32
        %dma_start3A_248 = arith.constant 0 : i32
        %dma_start3A_249 = tpu.memref_slice %arg10[%dma_start3A_247, %dma_start3A_248] : memref<11776x128xf32, #tpu.memory_space<vmem_shared>> -> memref<11776x128xf32, #tpu.memory_space<vmem_shared>>
        %dma_start3A_250 = tpu.memref_slice %arg12[%select_n3A_228] : memref<2x!tpu.dma_semaphore, #tpu.memory_space<semaphore_mem>> -> memref<1x!tpu.dma_semaphore, #tpu.memory_space<semaphore_mem>>
        %dma_start3A_251 = tpu.memref_squeeze %dma_start3A_250 : memref<1x!tpu.dma_semaphore, #tpu.memory_space<semaphore_mem>> -> memref<!tpu.dma_semaphore, #tpu.memory_space<semaphore_mem>>
        tpu.enqueue_indirect_dma source(%dma_start3A_243 : memref<128x128xf32, #tpu.memory_space<vmem>>) target(%dma_start3A_249 : memref<11776x128xf32, #tpu.memory_space<vmem_shared>>) offsets(%dma_start3A_246 : memref<128xi32, #tpu.memory_space<vmem>>) semaphore(%dma_start3A_251 : memref<!tpu.dma_semaphore, #tpu.memory_space<semaphore_mem>>) {add = true}
      } else {
      }
    }
    %scan3A_121 = arith.constant 17 : i32
    %dma_wait3A_122 = arith.constant 0 : i32
    %dma_wait3A_123 = arith.constant 14 : i32
    %dma_wait3A_124 = arith.constant 0 : i32
    %dma_wait3A_125 = arith.constant 0 : i32
    %dma_wait3A_126 = arith.constant 0 : i32
    %dma_wait3A_127 = tpu.memref_slice %arg9[%dma_wait3A_122, %dma_wait3A_125, %dma_wait3A_126] : memref<2x128x128xf32, #tpu.memory_space<vmem>> -> memref<1x128x128xf32, #tpu.memory_space<vmem>>
    %dma_wait3A_128 = tpu.memref_squeeze %dma_wait3A_127 : memref<1x128x128xf32, #tpu.memory_space<vmem>> -> memref<128x128xf32, #tpu.memory_space<vmem>>
    %dma_wait3A_129 = arith.constant 0 : i32
    %dma_wait3A_130 = tpu.memref_slice %arg8[%dma_wait3A_123, %dma_wait3A_129] : memref<16x128xi32, #tpu.memory_space<vmem>> -> memref<1x128xi32, #tpu.memory_space<vmem>>
    %dma_wait3A_131 = tpu.memref_squeeze %dma_wait3A_130 : memref<1x128xi32, #tpu.memory_space<vmem>> -> memref<128xi32, #tpu.memory_space<vmem>>
    %dma_wait3A_132 = arith.constant 0 : i32
    %dma_wait3A_133 = arith.constant 0 : i32
    %dma_wait3A_134 = tpu.memref_slice %arg10[%dma_wait3A_132, %dma_wait3A_133] : memref<11776x128xf32, #tpu.memory_space<vmem_shared>> -> memref<11776x128xf32, #tpu.memory_space<vmem_shared>>
    %dma_wait3A_135 = tpu.memref_slice %arg12[%dma_wait3A_124] : memref<2x!tpu.dma_semaphore, #tpu.memory_space<semaphore_mem>> -> memref<1x!tpu.dma_semaphore, #tpu.memory_space<semaphore_mem>>
    %dma_wait3A_136 = tpu.memref_squeeze %dma_wait3A_135 : memref<1x!tpu.dma_semaphore, #tpu.memory_space<semaphore_mem>> -> memref<!tpu.dma_semaphore, #tpu.memory_space<semaphore_mem>>
    tpu.wait_indirect_dma semaphore(%dma_wait3A_136 : memref<!tpu.dma_semaphore, #tpu.memory_space<semaphore_mem>>) src(%dma_wait3A_128 : memref<128x128xf32, #tpu.memory_space<vmem>>) dst(%dma_wait3A_134 : memref<11776x128xf32, #tpu.memory_space<vmem_shared>>)
    %dma_wait3A_137 = arith.constant 1 : i32
    %dma_wait3A_138 = arith.constant 15 : i32
    %dma_wait3A_139 = arith.constant 1 : i32
    %dma_wait3A_140 = arith.constant 0 : i32
    %dma_wait3A_141 = arith.constant 0 : i32
    %dma_wait3A_142 = tpu.memref_slice %arg9[%dma_wait3A_137, %dma_wait3A_140, %dma_wait3A_141] : memref<2x128x128xf32, #tpu.memory_space<vmem>> -> memref<1x128x128xf32, #tpu.memory_space<vmem>>
    %dma_wait3A_143 = tpu.memref_squeeze %dma_wait3A_142 : memref<1x128x128xf32, #tpu.memory_space<vmem>> -> memref<128x128xf32, #tpu.memory_space<vmem>>
    %dma_wait3A_144 = arith.constant 0 : i32
    %dma_wait3A_145 = tpu.memref_slice %arg8[%dma_wait3A_138, %dma_wait3A_144] : memref<16x128xi32, #tpu.memory_space<vmem>> -> memref<1x128xi32, #tpu.memory_space<vmem>>
    %dma_wait3A_146 = tpu.memref_squeeze %dma_wait3A_145 : memref<1x128xi32, #tpu.memory_space<vmem>> -> memref<128xi32, #tpu.memory_space<vmem>>
    %dma_wait3A_147 = arith.constant 0 : i32
    %dma_wait3A_148 = arith.constant 0 : i32
    %dma_wait3A_149 = tpu.memref_slice %arg10[%dma_wait3A_147, %dma_wait3A_148] : memref<11776x128xf32, #tpu.memory_space<vmem_shared>> -> memref<11776x128xf32, #tpu.memory_space<vmem_shared>>
    %dma_wait3A_150 = tpu.memref_slice %arg12[%dma_wait3A_139] : memref<2x!tpu.dma_semaphore, #tpu.memory_space<semaphore_mem>> -> memref<1x!tpu.dma_semaphore, #tpu.memory_space<semaphore_mem>>
    %dma_wait3A_151 = tpu.memref_squeeze %dma_wait3A_150 : memref<1x!tpu.dma_semaphore, #tpu.memory_space<semaphore_mem>> -> memref<!tpu.dma_semaphore, #tpu.memory_space<semaphore_mem>>
    tpu.wait_indirect_dma semaphore(%dma_wait3A_151 : memref<!tpu.dma_semaphore, #tpu.memory_space<semaphore_mem>>) src(%dma_wait3A_143 : memref<128x128xf32, #tpu.memory_space<vmem>>) dst(%dma_wait3A_149 : memref<11776x128xf32, #tpu.memory_space<vmem_shared>>)
    %run_scoped3A_152 = arith.constant 4 : i32
    "tpu.region"() ({
      %run_scoped3A_195 = tpu.sem_alloc : memref<!tpu.dma_semaphore, #tpu.memory_space<semaphore_mem>>
      %dma_start3A = arith.constant 0 : i32
      %dma_start3A_196 = arith.constant 0 : i32
      %dma_start3A_197 = tpu.memref_slice %arg3[%add3A, %run_scoped3A_152, %dma_start3A, %dma_start3A_196] : memref<32x5x16x128xi32, #tpu.memory_space<hbm>> -> memref<1x1x16x128xi32, #tpu.memory_space<hbm>>
      %dma_start3A_198 = tpu.memref_squeeze %dma_start3A_197 : memref<1x1x16x128xi32, #tpu.memory_space<hbm>> -> memref<16x128xi32, #tpu.memory_space<hbm>>
      %dma_start3A_199 = arith.constant 0 : i32
      %dma_start3A_200 = arith.constant 0 : i32
      %dma_start3A_201 = tpu.memref_slice %arg3[%add3A, %run_scoped3A_152, %dma_start3A_199, %dma_start3A_200] : memref<32x5x16x128xi32, #tpu.memory_space<hbm>> -> memref<1x1x16x128xi32, #tpu.memory_space<hbm>>
      %dma_start3A_202 = tpu.memref_squeeze %dma_start3A_201 : memref<1x1x16x128xi32, #tpu.memory_space<hbm>> -> memref<16x128xi32, #tpu.memory_space<hbm>>
      tpu.enqueue_dma source(%dma_start3A_202 : memref<16x128xi32, #tpu.memory_space<hbm>>) target(%arg7 : memref<16x128xi32, #tpu.memory_space<vmem>>) target_semaphore(%run_scoped3A_195 : memref<!tpu.dma_semaphore, #tpu.memory_space<semaphore_mem>>)
      %dma_wait3A_203 = arith.constant 0 : i32
      %dma_wait3A_204 = arith.constant 0 : i32
      %dma_wait3A_205 = tpu.memref_slice %arg3[%add3A, %run_scoped3A_152, %dma_wait3A_203, %dma_wait3A_204] : memref<32x5x16x128xi32, #tpu.memory_space<hbm>> -> memref<1x1x16x128xi32, #tpu.memory_space<hbm>>
      %dma_wait3A_206 = tpu.memref_squeeze %dma_wait3A_205 : memref<1x1x16x128xi32, #tpu.memory_space<hbm>> -> memref<16x128xi32, #tpu.memory_space<hbm>>
      %dma_wait3A_207 = arith.constant 0 : i32
      %dma_wait3A_208 = arith.constant 0 : i32
      %dma_wait3A_209 = tpu.memref_slice %arg3[%add3A, %run_scoped3A_152, %dma_wait3A_207, %dma_wait3A_208] : memref<32x5x16x128xi32, #tpu.memory_space<hbm>> -> memref<1x1x16x128xi32, #tpu.memory_space<hbm>>
      %dma_wait3A_210 = tpu.memref_squeeze %dma_wait3A_209 : memref<1x1x16x128xi32, #tpu.memory_space<hbm>> -> memref<16x128xi32, #tpu.memory_space<hbm>>
      tpu.wait_dma2 semaphore(%run_scoped3A_195 : memref<!tpu.dma_semaphore, #tpu.memory_space<semaphore_mem>>) src(%dma_wait3A_210 : memref<16x128xi32, #tpu.memory_space<hbm>>) dst(%arg7 : memref<16x128xi32, #tpu.memory_space<vmem>>)
      tpu.yield
    }) : () -> ()
    %run_scoped3A_153 = arith.constant 4 : i32
    "tpu.region"() ({
      %run_scoped3A_195 = tpu.sem_alloc : memref<!tpu.dma_semaphore, #tpu.memory_space<semaphore_mem>>
      %dma_start3A = arith.constant 0 : i32
      %dma_start3A_196 = arith.constant 0 : i32
      %dma_start3A_197 = tpu.memref_slice %arg4[%add3A, %run_scoped3A_153, %dma_start3A, %dma_start3A_196] : memref<32x5x16x128xi32, #tpu.memory_space<hbm>> -> memref<1x1x16x128xi32, #tpu.memory_space<hbm>>
      %dma_start3A_198 = tpu.memref_squeeze %dma_start3A_197 : memref<1x1x16x128xi32, #tpu.memory_space<hbm>> -> memref<16x128xi32, #tpu.memory_space<hbm>>
      %dma_start3A_199 = arith.constant 0 : i32
      %dma_start3A_200 = arith.constant 0 : i32
      %dma_start3A_201 = tpu.memref_slice %arg4[%add3A, %run_scoped3A_153, %dma_start3A_199, %dma_start3A_200] : memref<32x5x16x128xi32, #tpu.memory_space<hbm>> -> memref<1x1x16x128xi32, #tpu.memory_space<hbm>>
      %dma_start3A_202 = tpu.memref_squeeze %dma_start3A_201 : memref<1x1x16x128xi32, #tpu.memory_space<hbm>> -> memref<16x128xi32, #tpu.memory_space<hbm>>
      tpu.enqueue_dma source(%dma_start3A_202 : memref<16x128xi32, #tpu.memory_space<hbm>>) target(%arg8 : memref<16x128xi32, #tpu.memory_space<vmem>>) target_semaphore(%run_scoped3A_195 : memref<!tpu.dma_semaphore, #tpu.memory_space<semaphore_mem>>)
      %dma_wait3A_203 = arith.constant 0 : i32
      %dma_wait3A_204 = arith.constant 0 : i32
      %dma_wait3A_205 = tpu.memref_slice %arg4[%add3A, %run_scoped3A_153, %dma_wait3A_203, %dma_wait3A_204] : memref<32x5x16x128xi32, #tpu.memory_space<hbm>> -> memref<1x1x16x128xi32, #tpu.memory_space<hbm>>
      %dma_wait3A_206 = tpu.memref_squeeze %dma_wait3A_205 : memref<1x1x16x128xi32, #tpu.memory_space<hbm>> -> memref<16x128xi32, #tpu.memory_space<hbm>>
      %dma_wait3A_207 = arith.constant 0 : i32
      %dma_wait3A_208 = arith.constant 0 : i32
      %dma_wait3A_209 = tpu.memref_slice %arg4[%add3A, %run_scoped3A_153, %dma_wait3A_207, %dma_wait3A_208] : memref<32x5x16x128xi32, #tpu.memory_space<hbm>> -> memref<1x1x16x128xi32, #tpu.memory_space<hbm>>
      %dma_wait3A_210 = tpu.memref_squeeze %dma_wait3A_209 : memref<1x1x16x128xi32, #tpu.memory_space<hbm>> -> memref<16x128xi32, #tpu.memory_space<hbm>>
      tpu.wait_dma2 semaphore(%run_scoped3A_195 : memref<!tpu.dma_semaphore, #tpu.memory_space<semaphore_mem>>) src(%dma_wait3A_210 : memref<16x128xi32, #tpu.memory_space<hbm>>) dst(%arg8 : memref<16x128xi32, #tpu.memory_space<vmem>>)
      tpu.yield
    }) : () -> ()
    %scan3A_154 = arith.constant 0 : i32
    %scan3A_155 = arith.constant 0 : i32
    %scan3A_156 = arith.constant 17 : i32
    %scan3A_157 = arith.addi %scan3A_155, %scan3A_156 : i32
    %scan3A_158 = arith.constant 1 : i32
    scf.for %scan3A_195 = %scan3A_155 to %scan3A_157 step %scan3A_158  : i32 {
      %jit3A = arith.constant 2 : i32
      %eq3A = arith.constant 0 : i32
      %eq3A_196 = arith.cmpi eq, %jit3A, %eq3A : i32
      %jit3A_197 = arith.constant 1 : i32
      %select_n3A = arith.select %eq3A_196, %jit3A_197, %jit3A : i32
      %rem3A = arith.remsi %scan3A_195, %select_n3A : i32
      %ne3A = arith.constant 0 : i32
      %ne3A_198 = arith.cmpi ne, %rem3A, %ne3A : i32
      %lt3A = arith.constant 0 : i32
      %lt3A_199 = arith.cmpi slt, %rem3A, %lt3A : i32
      %lt3A_200 = arith.constant 0 : i32
      %lt3A_201 = arith.cmpi slt, %select_n3A, %lt3A_200 : i32
      %ne3A_202 = arith.xori %lt3A_199, %lt3A_201 : i1
      %and3A = arith.andi %ne3A_202, %ne3A_198 : i1
      %add3A_203 = arith.addi %rem3A, %select_n3A : i32
      %select_n3A_204 = arith.select %and3A, %add3A_203, %rem3A : i32
      %lt3A_205 = arith.constant 16 : i32
      %lt3A_206 = arith.cmpi slt, %scan3A_195, %lt3A_205 : i32
      %convert_element_type3A = arith.extui %lt3A_206 : i1 to i32
      %cond3A = arith.constant 0 : i32
      %cond3A_207 = arith.cmpi ne, %convert_element_type3A, %cond3A : i32
      scf.if %cond3A_207 {
        %ge3A_212 = arith.constant 2 : i32
        %ge3A_213 = arith.cmpi sge, %scan3A_195, %ge3A_212 : i32
        %convert_element_type3A_214 = arith.extui %ge3A_213 : i1 to i32
        %cond3A_215 = arith.constant 0 : i32
        %cond3A_216 = arith.cmpi ne, %convert_element_type3A_214, %cond3A_215 : i32
        scf.if %cond3A_216 {
          %sub3A = arith.constant 2 : i32
          %sub3A_228 = arith.subi %scan3A_195, %sub3A : i32
          %dma_wait3A_229 = arith.constant 0 : i32
          %dma_wait3A_230 = arith.constant 0 : i32
          %dma_wait3A_231 = tpu.memref_slice %arg9[%select_n3A_204, %dma_wait3A_229, %dma_wait3A_230] : memref<2x128x128xf32, #tpu.memory_space<vmem>> -> memref<1x128x128xf32, #tpu.memory_space<vmem>>
          %dma_wait3A_232 = tpu.memref_squeeze %dma_wait3A_231 : memref<1x128x128xf32, #tpu.memory_space<vmem>> -> memref<128x128xf32, #tpu.memory_space<vmem>>
          %dma_wait3A_233 = arith.constant 0 : i32
          %dma_wait3A_234 = tpu.memref_slice %arg8[%sub3A_228, %dma_wait3A_233] : memref<16x128xi32, #tpu.memory_space<vmem>> -> memref<1x128xi32, #tpu.memory_space<vmem>>
          %dma_wait3A_235 = tpu.memref_squeeze %dma_wait3A_234 : memref<1x128xi32, #tpu.memory_space<vmem>> -> memref<128xi32, #tpu.memory_space<vmem>>
          %dma_wait3A_236 = arith.constant 0 : i32
          %dma_wait3A_237 = arith.constant 0 : i32
          %dma_wait3A_238 = tpu.memref_slice %arg10[%dma_wait3A_236, %dma_wait3A_237] : memref<11776x128xf32, #tpu.memory_space<vmem_shared>> -> memref<11776x128xf32, #tpu.memory_space<vmem_shared>>
          %dma_wait3A_239 = tpu.memref_slice %arg12[%select_n3A_204] : memref<2x!tpu.dma_semaphore, #tpu.memory_space<semaphore_mem>> -> memref<1x!tpu.dma_semaphore, #tpu.memory_space<semaphore_mem>>
          %dma_wait3A_240 = tpu.memref_squeeze %dma_wait3A_239 : memref<1x!tpu.dma_semaphore, #tpu.memory_space<semaphore_mem>> -> memref<!tpu.dma_semaphore, #tpu.memory_space<semaphore_mem>>
          tpu.wait_indirect_dma semaphore(%dma_wait3A_240 : memref<!tpu.dma_semaphore, #tpu.memory_space<semaphore_mem>>) src(%dma_wait3A_232 : memref<128x128xf32, #tpu.memory_space<vmem>>) dst(%dma_wait3A_238 : memref<11776x128xf32, #tpu.memory_space<vmem_shared>>)
        } else {
        }
        %dma_start3A = arith.constant 0 : i32
        %dma_start3A_217 = arith.constant 0 : i32
        %dma_start3A_218 = tpu.memref_slice %arg9[%select_n3A_204, %dma_start3A, %dma_start3A_217] : memref<2x128x128xf32, #tpu.memory_space<vmem>> -> memref<1x128x128xf32, #tpu.memory_space<vmem>>
        %dma_start3A_219 = tpu.memref_squeeze %dma_start3A_218 : memref<1x128x128xf32, #tpu.memory_space<vmem>> -> memref<128x128xf32, #tpu.memory_space<vmem>>
        %dma_start3A_220 = arith.constant 0 : i32
        %dma_start3A_221 = tpu.memref_slice %arg7[%scan3A_195, %dma_start3A_220] : memref<16x128xi32, #tpu.memory_space<vmem>> -> memref<1x128xi32, #tpu.memory_space<vmem>>
        %dma_start3A_222 = tpu.memref_squeeze %dma_start3A_221 : memref<1x128xi32, #tpu.memory_space<vmem>> -> memref<128xi32, #tpu.memory_space<vmem>>
        %dma_start3A_223 = arith.constant 0 : i32
        %dma_start3A_224 = arith.constant 0 : i32
        %dma_start3A_225 = tpu.memref_slice %arg2[%dma_start3A_223, %dma_start3A_224] : memref<10000x128xf32, #tpu.memory_space<hbm>> -> memref<10000x128xf32, #tpu.memory_space<hbm>>
        %dma_start3A_226 = tpu.memref_slice %arg11[%select_n3A_204] : memref<2x!tpu.dma_semaphore, #tpu.memory_space<semaphore_mem>> -> memref<1x!tpu.dma_semaphore, #tpu.memory_space<semaphore_mem>>
        %dma_start3A_227 = tpu.memref_squeeze %dma_start3A_226 : memref<1x!tpu.dma_semaphore, #tpu.memory_space<semaphore_mem>> -> memref<!tpu.dma_semaphore, #tpu.memory_space<semaphore_mem>>
        tpu.enqueue_indirect_dma source(%dma_start3A_225 : memref<10000x128xf32, #tpu.memory_space<hbm>>) target(%dma_start3A_219 : memref<128x128xf32, #tpu.memory_space<vmem>>) offsets(%dma_start3A_222 : memref<128xi32, #tpu.memory_space<vmem>>) semaphore(%dma_start3A_227 : memref<!tpu.dma_semaphore, #tpu.memory_space<semaphore_mem>>)
      } else {
      }
      %ge3A = arith.constant 1 : i32
      %ge3A_208 = arith.cmpi sge, %scan3A_195, %ge3A : i32
      %convert_element_type3A_209 = arith.extui %ge3A_208 : i1 to i32
      %cond3A_210 = arith.constant 0 : i32
      %cond3A_211 = arith.cmpi ne, %convert_element_type3A_209, %cond3A_210 : i32
      scf.if %cond3A_211 {
        %sub3A = arith.constant 1 : i32
        %sub3A_212 = arith.subi %scan3A_195, %sub3A : i32
        %jit3A_213 = arith.constant 2 : i32
        %eq3A_214 = arith.constant 0 : i32
        %eq3A_215 = arith.cmpi eq, %jit3A_213, %eq3A_214 : i32
        %jit3A_216 = arith.constant 1 : i32
        %select_n3A_217 = arith.select %eq3A_215, %jit3A_216, %jit3A_213 : i32
        %rem3A_218 = arith.remsi %sub3A_212, %select_n3A_217 : i32
        %ne3A_219 = arith.constant 0 : i32
        %ne3A_220 = arith.cmpi ne, %rem3A_218, %ne3A_219 : i32
        %lt3A_221 = arith.constant 0 : i32
        %lt3A_222 = arith.cmpi slt, %rem3A_218, %lt3A_221 : i32
        %lt3A_223 = arith.constant 0 : i32
        %lt3A_224 = arith.cmpi slt, %select_n3A_217, %lt3A_223 : i32
        %ne3A_225 = arith.xori %lt3A_222, %lt3A_224 : i1
        %and3A_226 = arith.andi %ne3A_225, %ne3A_220 : i1
        %add3A_227 = arith.addi %rem3A_218, %select_n3A_217 : i32
        %select_n3A_228 = arith.select %and3A_226, %add3A_227, %rem3A_218 : i32
        %dma_wait3A_229 = arith.constant 0 : i32
        %dma_wait3A_230 = arith.constant 0 : i32
        %dma_wait3A_231 = tpu.memref_slice %arg9[%select_n3A_228, %dma_wait3A_229, %dma_wait3A_230] : memref<2x128x128xf32, #tpu.memory_space<vmem>> -> memref<1x128x128xf32, #tpu.memory_space<vmem>>
        %dma_wait3A_232 = tpu.memref_squeeze %dma_wait3A_231 : memref<1x128x128xf32, #tpu.memory_space<vmem>> -> memref<128x128xf32, #tpu.memory_space<vmem>>
        %dma_wait3A_233 = arith.constant 0 : i32
        %dma_wait3A_234 = tpu.memref_slice %arg7[%sub3A_212, %dma_wait3A_233] : memref<16x128xi32, #tpu.memory_space<vmem>> -> memref<1x128xi32, #tpu.memory_space<vmem>>
        %dma_wait3A_235 = tpu.memref_squeeze %dma_wait3A_234 : memref<1x128xi32, #tpu.memory_space<vmem>> -> memref<128xi32, #tpu.memory_space<vmem>>
        %dma_wait3A_236 = arith.constant 0 : i32
        %dma_wait3A_237 = arith.constant 0 : i32
        %dma_wait3A_238 = tpu.memref_slice %arg2[%dma_wait3A_236, %dma_wait3A_237] : memref<10000x128xf32, #tpu.memory_space<hbm>> -> memref<10000x128xf32, #tpu.memory_space<hbm>>
        %dma_wait3A_239 = tpu.memref_slice %arg11[%select_n3A_228] : memref<2x!tpu.dma_semaphore, #tpu.memory_space<semaphore_mem>> -> memref<1x!tpu.dma_semaphore, #tpu.memory_space<semaphore_mem>>
        %dma_wait3A_240 = tpu.memref_squeeze %dma_wait3A_239 : memref<1x!tpu.dma_semaphore, #tpu.memory_space<semaphore_mem>> -> memref<!tpu.dma_semaphore, #tpu.memory_space<semaphore_mem>>
        tpu.wait_indirect_dma semaphore(%dma_wait3A_240 : memref<!tpu.dma_semaphore, #tpu.memory_space<semaphore_mem>>) src(%dma_wait3A_238 : memref<10000x128xf32, #tpu.memory_space<hbm>>) dst(%dma_wait3A_232 : memref<128x128xf32, #tpu.memory_space<vmem>>)
        %dma_start3A = arith.constant 0 : i32
        %dma_start3A_241 = arith.constant 0 : i32
        %dma_start3A_242 = tpu.memref_slice %arg9[%select_n3A_228, %dma_start3A, %dma_start3A_241] : memref<2x128x128xf32, #tpu.memory_space<vmem>> -> memref<1x128x128xf32, #tpu.memory_space<vmem>>
        %dma_start3A_243 = tpu.memref_squeeze %dma_start3A_242 : memref<1x128x128xf32, #tpu.memory_space<vmem>> -> memref<128x128xf32, #tpu.memory_space<vmem>>
        %dma_start3A_244 = arith.constant 0 : i32
        %dma_start3A_245 = tpu.memref_slice %arg8[%sub3A_212, %dma_start3A_244] : memref<16x128xi32, #tpu.memory_space<vmem>> -> memref<1x128xi32, #tpu.memory_space<vmem>>
        %dma_start3A_246 = tpu.memref_squeeze %dma_start3A_245 : memref<1x128xi32, #tpu.memory_space<vmem>> -> memref<128xi32, #tpu.memory_space<vmem>>
        %dma_start3A_247 = arith.constant 0 : i32
        %dma_start3A_248 = arith.constant 0 : i32
        %dma_start3A_249 = tpu.memref_slice %arg10[%dma_start3A_247, %dma_start3A_248] : memref<11776x128xf32, #tpu.memory_space<vmem_shared>> -> memref<11776x128xf32, #tpu.memory_space<vmem_shared>>
        %dma_start3A_250 = tpu.memref_slice %arg12[%select_n3A_228] : memref<2x!tpu.dma_semaphore, #tpu.memory_space<semaphore_mem>> -> memref<1x!tpu.dma_semaphore, #tpu.memory_space<semaphore_mem>>
        %dma_start3A_251 = tpu.memref_squeeze %dma_start3A_250 : memref<1x!tpu.dma_semaphore, #tpu.memory_space<semaphore_mem>> -> memref<!tpu.dma_semaphore, #tpu.memory_space<semaphore_mem>>
        tpu.enqueue_indirect_dma source(%dma_start3A_243 : memref<128x128xf32, #tpu.memory_space<vmem>>) target(%dma_start3A_249 : memref<11776x128xf32, #tpu.memory_space<vmem_shared>>) offsets(%dma_start3A_246 : memref<128xi32, #tpu.memory_space<vmem>>) semaphore(%dma_start3A_251 : memref<!tpu.dma_semaphore, #tpu.memory_space<semaphore_mem>>) {add = true}
      } else {
      }
    }
    %scan3A_159 = arith.constant 17 : i32
    %dma_wait3A_160 = arith.constant 0 : i32
    %dma_wait3A_161 = arith.constant 14 : i32
    %dma_wait3A_162 = arith.constant 0 : i32
    %dma_wait3A_163 = arith.constant 0 : i32
    %dma_wait3A_164 = arith.constant 0 : i32
    %dma_wait3A_165 = tpu.memref_slice %arg9[%dma_wait3A_160, %dma_wait3A_163, %dma_wait3A_164] : memref<2x128x128xf32, #tpu.memory_space<vmem>> -> memref<1x128x128xf32, #tpu.memory_space<vmem>>
    %dma_wait3A_166 = tpu.memref_squeeze %dma_wait3A_165 : memref<1x128x128xf32, #tpu.memory_space<vmem>> -> memref<128x128xf32, #tpu.memory_space<vmem>>
    %dma_wait3A_167 = arith.constant 0 : i32
    %dma_wait3A_168 = tpu.memref_slice %arg8[%dma_wait3A_161, %dma_wait3A_167] : memref<16x128xi32, #tpu.memory_space<vmem>> -> memref<1x128xi32, #tpu.memory_space<vmem>>
    %dma_wait3A_169 = tpu.memref_squeeze %dma_wait3A_168 : memref<1x128xi32, #tpu.memory_space<vmem>> -> memref<128xi32, #tpu.memory_space<vmem>>
    %dma_wait3A_170 = arith.constant 0 : i32
    %dma_wait3A_171 = arith.constant 0 : i32
    %dma_wait3A_172 = tpu.memref_slice %arg10[%dma_wait3A_170, %dma_wait3A_171] : memref<11776x128xf32, #tpu.memory_space<vmem_shared>> -> memref<11776x128xf32, #tpu.memory_space<vmem_shared>>
    %dma_wait3A_173 = tpu.memref_slice %arg12[%dma_wait3A_162] : memref<2x!tpu.dma_semaphore, #tpu.memory_space<semaphore_mem>> -> memref<1x!tpu.dma_semaphore, #tpu.memory_space<semaphore_mem>>
    %dma_wait3A_174 = tpu.memref_squeeze %dma_wait3A_173 : memref<1x!tpu.dma_semaphore, #tpu.memory_space<semaphore_mem>> -> memref<!tpu.dma_semaphore, #tpu.memory_space<semaphore_mem>>
    tpu.wait_indirect_dma semaphore(%dma_wait3A_174 : memref<!tpu.dma_semaphore, #tpu.memory_space<semaphore_mem>>) src(%dma_wait3A_166 : memref<128x128xf32, #tpu.memory_space<vmem>>) dst(%dma_wait3A_172 : memref<11776x128xf32, #tpu.memory_space<vmem_shared>>)
    %dma_wait3A_175 = arith.constant 1 : i32
    %dma_wait3A_176 = arith.constant 15 : i32
    %dma_wait3A_177 = arith.constant 1 : i32
    %dma_wait3A_178 = arith.constant 0 : i32
    %dma_wait3A_179 = arith.constant 0 : i32
    %dma_wait3A_180 = tpu.memref_slice %arg9[%dma_wait3A_175, %dma_wait3A_178, %dma_wait3A_179] : memref<2x128x128xf32, #tpu.memory_space<vmem>> -> memref<1x128x128xf32, #tpu.memory_space<vmem>>
    %dma_wait3A_181 = tpu.memref_squeeze %dma_wait3A_180 : memref<1x128x128xf32, #tpu.memory_space<vmem>> -> memref<128x128xf32, #tpu.memory_space<vmem>>
    %dma_wait3A_182 = arith.constant 0 : i32
    %dma_wait3A_183 = tpu.memref_slice %arg8[%dma_wait3A_176, %dma_wait3A_182] : memref<16x128xi32, #tpu.memory_space<vmem>> -> memref<1x128xi32, #tpu.memory_space<vmem>>
    %dma_wait3A_184 = tpu.memref_squeeze %dma_wait3A_183 : memref<1x128xi32, #tpu.memory_space<vmem>> -> memref<128xi32, #tpu.memory_space<vmem>>
    %dma_wait3A_185 = arith.constant 0 : i32
    %dma_wait3A_186 = arith.constant 0 : i32
    %dma_wait3A_187 = tpu.memref_slice %arg10[%dma_wait3A_185, %dma_wait3A_186] : memref<11776x128xf32, #tpu.memory_space<vmem_shared>> -> memref<11776x128xf32, #tpu.memory_space<vmem_shared>>
    %dma_wait3A_188 = tpu.memref_slice %arg12[%dma_wait3A_177] : memref<2x!tpu.dma_semaphore, #tpu.memory_space<semaphore_mem>> -> memref<1x!tpu.dma_semaphore, #tpu.memory_space<semaphore_mem>>
    %dma_wait3A_189 = tpu.memref_squeeze %dma_wait3A_188 : memref<1x!tpu.dma_semaphore, #tpu.memory_space<semaphore_mem>> -> memref<!tpu.dma_semaphore, #tpu.memory_space<semaphore_mem>>
    tpu.wait_indirect_dma semaphore(%dma_wait3A_189 : memref<!tpu.dma_semaphore, #tpu.memory_space<semaphore_mem>>) src(%dma_wait3A_181 : memref<128x128xf32, #tpu.memory_space<vmem>>) dst(%dma_wait3A_187 : memref<11776x128xf32, #tpu.memory_space<vmem_shared>>)
    %barrier3A_190 = arith.constant 0 : index
    tpu.barrier barrier_id(%barrier3A_190)
    %mul3A_191 = arith.constant 632 : i32
    %mul3A_192 = arith.muli %arg1, %mul3A_191 : i32
    %min3A = arith.constant 9368 : i32
    %min3A_193 = arith.minsi %mul3A_192, %min3A : i32
    %multiple_of3A_194 = tpu.assume_multiple %min3A_193, 8 : i32
    "tpu.region"() ({
      %run_scoped3A_195 = tpu.sem_alloc : memref<!tpu.dma_semaphore, #tpu.memory_space<semaphore_mem>>
      %dma_start3A = arith.constant 0 : i32
      %dma_start3A_196 = tpu.memref_slice %arg6[%arg0, %multiple_of3A_194, %dma_start3A] : memref<2x10000x128xf32, #tpu.memory_space<hbm>> -> memref<1x632x128xf32, #tpu.memory_space<hbm>>
      %dma_start3A_197 = tpu.memref_squeeze %dma_start3A_196 : memref<1x632x128xf32, #tpu.memory_space<hbm>> -> memref<632x128xf32, #tpu.memory_space<hbm>>
      %dma_start3A_198 = arith.constant 0 : i32
      %dma_start3A_199 = tpu.memref_slice %arg10[%multiple_of3A_194, %dma_start3A_198] : memref<11776x128xf32, #tpu.memory_space<vmem_shared>> -> memref<632x128xf32, #tpu.memory_space<vmem_shared>>
      tpu.enqueue_dma source(%dma_start3A_199 : memref<632x128xf32, #tpu.memory_space<vmem_shared>>) target(%dma_start3A_197 : memref<632x128xf32, #tpu.memory_space<hbm>>) target_semaphore(%run_scoped3A_195 : memref<!tpu.dma_semaphore, #tpu.memory_space<semaphore_mem>>)
      %dma_wait3A_200 = arith.constant 0 : i32
      %dma_wait3A_201 = tpu.memref_slice %arg6[%arg0, %multiple_of3A_194, %dma_wait3A_200] : memref<2x10000x128xf32, #tpu.memory_space<hbm>> -> memref<1x632x128xf32, #tpu.memory_space<hbm>>
      %dma_wait3A_202 = tpu.memref_squeeze %dma_wait3A_201 : memref<1x632x128xf32, #tpu.memory_space<hbm>> -> memref<632x128xf32, #tpu.memory_space<hbm>>
      %dma_wait3A_203 = arith.constant 0 : i32
      %dma_wait3A_204 = tpu.memref_slice %arg10[%multiple_of3A_194, %dma_wait3A_203] : memref<11776x128xf32, #tpu.memory_space<vmem_shared>> -> memref<632x128xf32, #tpu.memory_space<vmem_shared>>
      tpu.wait_dma2 semaphore(%run_scoped3A_195 : memref<!tpu.dma_semaphore, #tpu.memory_space<semaphore_mem>>) src(%dma_wait3A_204 : memref<632x128xf32, #tpu.memory_space<vmem_shared>>) dst(%dma_wait3A_202 : memref<632x128xf32, #tpu.memory_space<hbm>>)
      tpu.yield
    }) : () -> ()
    return
  }
}

module attributes {stable_mosaic.version = 14 : i64} {
  func.func @_tc1_body(%arg0: memref<2x10000x128xf32, #tpu.memory_space<vmem>>, %arg1: memref<10000x128xf32, #tpu.memory_space<vmem>>, %arg2: memref<256x128xf32, #tpu.memory_space<vmem>>, %arg3: memref<128xf32, #tpu.memory_space<vmem>>, %arg4: memref<128xf32, #tpu.memory_space<vmem>>, %arg5: memref<128x256xf32, #tpu.memory_space<vmem>>, %arg6: memref<256xf32, #tpu.memory_space<vmem>>, %arg7: memref<256xf32, #tpu.memory_space<vmem>>, %arg8: memref<256x128xf32, #tpu.memory_space<vmem>>, %arg9: memref<128xf32, #tpu.memory_space<vmem>>, %arg10: memref<128xf32, #tpu.memory_space<vmem>>, %arg11: memref<1xf32, #tpu.memory_space<vmem>>, %arg12: memref<10000x128xf32, #tpu.memory_space<vmem>>, %arg13: memref<10000x128xf32, #tpu.memory_space<vmem>>) attributes {dimension_semantics = [], scalar_prefetch = 0 : i64, scratch_operands = 0 : i64, tpu.core_type = #tpu.core_type<tc>} {
    %get3A = arith.constant 0 : index
    %get3A_0 = arith.constant 0 : index
    %get3A_1 = arith.constant 0 : index
    %get3A_2 = vector.load %arg0[%get3A, %get3A_0, %get3A_1] : memref<2x10000x128xf32, #tpu.memory_space<vmem>>, vector<1x10000x128xf32>
    %get3A_3 = vector.shape_cast %get3A_2 : vector<1x10000x128xf32> to vector<10000x128xf32>
    %get3A_4 = arith.constant 1 : index
    %get3A_5 = arith.constant 0 : index
    %get3A_6 = arith.constant 0 : index
    %get3A_7 = vector.load %arg0[%get3A_4, %get3A_5, %get3A_6] : memref<2x10000x128xf32, #tpu.memory_space<vmem>>, vector<1x10000x128xf32>
    %get3A_8 = vector.shape_cast %get3A_7 : vector<1x10000x128xf32> to vector<10000x128xf32>
    %add3A = arith.addf %get3A_3, %get3A_8 : vector<10000x128xf32>
    %get3A_9 = arith.constant 0 : index
    %get3A_10 = arith.constant 0 : index
    %get3A_11 = vector.load %arg1[%get3A_9, %get3A_10] : memref<10000x128xf32, #tpu.memory_space<vmem>>, vector<10000x128xf32>
    %get3A_12 = arith.constant 0 : index
    %get3A_13 = arith.constant 0 : index
    %get3A_14 = vector.load %arg2[%get3A_12, %get3A_13] : memref<256x128xf32, #tpu.memory_space<vmem>>, vector<256x128xf32>
    %slice3A = vector.extract_strided_slice %get3A_14 {offsets = [0, 0], sizes = [128, 128], strides = [1, 1]} : vector<256x128xf32> to vector<128x128xf32>
    %dot_general3A = arith.constant dense<0.000000e+00> : vector<10000x128xf32>
    %dot_general3A_15 = tpu.matmul %add3A, %slice3A, %dot_general3A {dimension_numbers = #tpu.dot_dimension_numbers<[1], [0], [0], [1], [0, 0, 1, 1], [], []>, transpose_lhs_hint = false} : vector<10000x128xf32>, vector<128x128xf32>, vector<10000x128xf32> -> vector<10000x128xf32>
    %slice3A_16 = vector.extract_strided_slice %get3A_14 {offsets = [128, 0], sizes = [128, 128], strides = [1, 1]} : vector<256x128xf32> to vector<128x128xf32>
    %dot_general3A_17 = arith.constant dense<0.000000e+00> : vector<10000x128xf32>
    %dot_general3A_18 = tpu.matmul %get3A_11, %slice3A_16, %dot_general3A_17 {dimension_numbers = #tpu.dot_dimension_numbers<[1], [0], [0], [1], [0, 0, 1, 1], [], []>, transpose_lhs_hint = false} : vector<10000x128xf32>, vector<128x128xf32>, vector<10000x128xf32> -> vector<10000x128xf32>
    %add3A_19 = arith.addf %dot_general3A_15, %dot_general3A_18 : vector<10000x128xf32>
    %get3A_20 = arith.constant 0 : index
    %get3A_21 = vector.load %arg3[%get3A_20] : memref<128xf32, #tpu.memory_space<vmem>>, vector<128xf32>
    %get3A_22 = arith.constant 0 : index
    %get3A_23 = vector.load %arg4[%get3A_22] : memref<128xf32, #tpu.memory_space<vmem>>, vector<128xf32>
    %reduce_sum3A = arith.constant dense<0.000000e+00> : vector<128xf32>
    %reduce_sum3A_24 = vector.multi_reduction <add>, %add3A_19, %reduce_sum3A [0] : vector<10000x128xf32> to vector<128xf32>
    %div3A = arith.constant 1.000000e+04 : f32
    %div3A_25 = vector.broadcast %div3A : f32 to vector<128xf32>
    %div3A_26 = arith.divf %reduce_sum3A_24, %div3A_25 : vector<128xf32>
    %broadcast_in_dim3A = vector.shape_cast %div3A_26 : vector<128xf32> to vector<1x128xf32>
    %sub3A = vector.broadcast %broadcast_in_dim3A : vector<1x128xf32> to vector<10000x128xf32>
    %sub3A_27 = arith.subf %add3A_19, %sub3A : vector<10000x128xf32>
    %square3A = arith.mulf %sub3A_27, %sub3A_27 : vector<10000x128xf32>
    %reduce_sum3A_28 = arith.constant dense<0.000000e+00> : vector<128xf32>
    %reduce_sum3A_29 = vector.multi_reduction <add>, %square3A, %reduce_sum3A_28 [0] : vector<10000x128xf32> to vector<128xf32>
    %div3A_30 = arith.constant 1.000000e+04 : f32
    %div3A_31 = vector.broadcast %div3A_30 : f32 to vector<128xf32>
    %div3A_32 = arith.divf %reduce_sum3A_29, %div3A_31 : vector<128xf32>
    %broadcast_in_dim3A_33 = vector.shape_cast %div3A_26 : vector<128xf32> to vector<1x128xf32>
    %sub3A_34 = vector.broadcast %broadcast_in_dim3A_33 : vector<1x128xf32> to vector<10000x128xf32>
    %sub3A_35 = arith.subf %add3A_19, %sub3A_34 : vector<10000x128xf32>
    %broadcast_in_dim3A_36 = vector.shape_cast %get3A_21 : vector<128xf32> to vector<1x128xf32>
    %mul3A = vector.broadcast %broadcast_in_dim3A_36 : vector<1x128xf32> to vector<10000x128xf32>
    %mul3A_37 = arith.mulf %mul3A, %sub3A_35 : vector<10000x128xf32>
    %add3A_38 = arith.constant 9.99999974E-6 : f32
    %add3A_39 = vector.broadcast %add3A_38 : f32 to vector<128xf32>
    %add3A_40 = arith.addf %div3A_32, %add3A_39 : vector<128xf32>
    %sqrt3A = math.sqrt %add3A_40 : vector<128xf32>
    %broadcast_in_dim3A_41 = vector.shape_cast %sqrt3A : vector<128xf32> to vector<1x128xf32>
    %div3A_42 = vector.broadcast %broadcast_in_dim3A_41 : vector<1x128xf32> to vector<10000x128xf32>
    %div3A_43 = arith.divf %mul3A_37, %div3A_42 : vector<10000x128xf32>
    %broadcast_in_dim3A_44 = vector.shape_cast %get3A_23 : vector<128xf32> to vector<1x128xf32>
    %add3A_45 = vector.broadcast %broadcast_in_dim3A_44 : vector<1x128xf32> to vector<10000x128xf32>
    %add3A_46 = arith.addf %div3A_43, %add3A_45 : vector<10000x128xf32>
    %max3A = arith.constant 0.000000e+00 : f32
    %max3A_47 = vector.broadcast %max3A : f32 to vector<10000x128xf32>
    %max3A_48 = arith.maximumf %add3A_46, %max3A_47 : vector<10000x128xf32>
    %swap3A = arith.constant 0 : index
    %swap3A_49 = arith.constant 0 : index
    %swap3A_50 = vector.load %arg12[%swap3A, %swap3A_49] : memref<10000x128xf32, #tpu.memory_space<vmem>>, vector<10000x128xf32>
    tpu.vector_store %arg12[%swap3A, %swap3A_49], %max3A_48 {strides = array<i32>} : memref<10000x128xf32, #tpu.memory_space<vmem>>, vector<10000x128xf32>,
    %get3A_51 = arith.constant 0 : index
    %get3A_52 = vector.load %arg11[%get3A_51] : memref<1xf32, #tpu.memory_space<vmem>>, vector<1xf32>
    %get3A_53 = vector.extract %get3A_52[0] : f32 from vector<1xf32>
    %add3A_54 = arith.constant 1.000000e+00 : f32
    %add3A_55 = arith.addf %add3A_54, %get3A_53 : f32
    %mul3A_56 = vector.broadcast %add3A_55 : f32 to vector<10000x128xf32>
    %mul3A_57 = arith.mulf %mul3A_56, %get3A_11 : vector<10000x128xf32>
    %add3A_58 = arith.addf %mul3A_57, %add3A : vector<10000x128xf32>
    %get3A_59 = arith.constant 0 : index
    %get3A_60 = arith.constant 0 : index
    %get3A_61 = vector.load %arg5[%get3A_59, %get3A_60] : memref<128x256xf32, #tpu.memory_space<vmem>>, vector<128x256xf32>
    %dot_general3A_62 = arith.constant dense<0.000000e+00> : vector<10000x256xf32>
    %dot_general3A_63 = tpu.matmul %add3A_58, %get3A_61, %dot_general3A_62 {dimension_numbers = #tpu.dot_dimension_numbers<[1], [0], [0], [1], [0, 0, 1, 1], [], []>, transpose_lhs_hint = false} : vector<10000x128xf32>, vector<128x256xf32>, vector<10000x256xf32> -> vector<10000x256xf32>
    %get3A_64 = arith.constant 0 : index
    %get3A_65 = vector.load %arg6[%get3A_64] : memref<256xf32, #tpu.memory_space<vmem>>, vector<256xf32>
    %get3A_66 = arith.constant 0 : index
    %get3A_67 = vector.load %arg7[%get3A_66] : memref<256xf32, #tpu.memory_space<vmem>>, vector<256xf32>
    %reduce_sum3A_68 = arith.constant dense<0.000000e+00> : vector<256xf32>
    %reduce_sum3A_69 = vector.multi_reduction <add>, %dot_general3A_63, %reduce_sum3A_68 [0] : vector<10000x256xf32> to vector<256xf32>
    %div3A_70 = arith.constant 1.000000e+04 : f32
    %div3A_71 = vector.broadcast %div3A_70 : f32 to vector<256xf32>
    %div3A_72 = arith.divf %reduce_sum3A_69, %div3A_71 : vector<256xf32>
    %broadcast_in_dim3A_73 = vector.shape_cast %div3A_72 : vector<256xf32> to vector<1x256xf32>
    %sub3A_74 = vector.broadcast %broadcast_in_dim3A_73 : vector<1x256xf32> to vector<10000x256xf32>
    %sub3A_75 = arith.subf %dot_general3A_63, %sub3A_74 : vector<10000x256xf32>
    %square3A_76 = arith.mulf %sub3A_75, %sub3A_75 : vector<10000x256xf32>
    %reduce_sum3A_77 = arith.constant dense<0.000000e+00> : vector<256xf32>
    %reduce_sum3A_78 = vector.multi_reduction <add>, %square3A_76, %reduce_sum3A_77 [0] : vector<10000x256xf32> to vector<256xf32>
    %div3A_79 = arith.constant 1.000000e+04 : f32
    %div3A_80 = vector.broadcast %div3A_79 : f32 to vector<256xf32>
    %div3A_81 = arith.divf %reduce_sum3A_78, %div3A_80 : vector<256xf32>
    %broadcast_in_dim3A_82 = vector.shape_cast %div3A_72 : vector<256xf32> to vector<1x256xf32>
    %sub3A_83 = vector.broadcast %broadcast_in_dim3A_82 : vector<1x256xf32> to vector<10000x256xf32>
    %sub3A_84 = arith.subf %dot_general3A_63, %sub3A_83 : vector<10000x256xf32>
    %broadcast_in_dim3A_85 = vector.shape_cast %get3A_65 : vector<256xf32> to vector<1x256xf32>
    %mul3A_86 = vector.broadcast %broadcast_in_dim3A_85 : vector<1x256xf32> to vector<10000x256xf32>
    %mul3A_87 = arith.mulf %mul3A_86, %sub3A_84 : vector<10000x256xf32>
    %add3A_88 = arith.constant 9.99999974E-6 : f32
    %add3A_89 = vector.broadcast %add3A_88 : f32 to vector<256xf32>
    %add3A_90 = arith.addf %div3A_81, %add3A_89 : vector<256xf32>
    %sqrt3A_91 = math.sqrt %add3A_90 : vector<256xf32>
    %broadcast_in_dim3A_92 = vector.shape_cast %sqrt3A_91 : vector<256xf32> to vector<1x256xf32>
    %div3A_93 = vector.broadcast %broadcast_in_dim3A_92 : vector<1x256xf32> to vector<10000x256xf32>
    %div3A_94 = arith.divf %mul3A_87, %div3A_93 : vector<10000x256xf32>
    %broadcast_in_dim3A_95 = vector.shape_cast %get3A_67 : vector<256xf32> to vector<1x256xf32>
    %add3A_96 = vector.broadcast %broadcast_in_dim3A_95 : vector<1x256xf32> to vector<10000x256xf32>
    %add3A_97 = arith.addf %div3A_94, %add3A_96 : vector<10000x256xf32>
    %max3A_98 = arith.constant 0.000000e+00 : f32
    %max3A_99 = vector.broadcast %max3A_98 : f32 to vector<10000x256xf32>
    %max3A_100 = arith.maximumf %add3A_97, %max3A_99 : vector<10000x256xf32>
    %get3A_101 = arith.constant 0 : index
    %get3A_102 = arith.constant 0 : index
    %get3A_103 = vector.load %arg8[%get3A_101, %get3A_102] : memref<256x128xf32, #tpu.memory_space<vmem>>, vector<256x128xf32>
    %dot_general3A_104 = arith.constant dense<0.000000e+00> : vector<10000x128xf32>
    %dot_general3A_105 = tpu.matmul %max3A_100, %get3A_103, %dot_general3A_104 {dimension_numbers = #tpu.dot_dimension_numbers<[1], [0], [0], [1], [0, 0, 1, 1], [], []>, transpose_lhs_hint = false} : vector<10000x256xf32>, vector<256x128xf32>, vector<10000x128xf32> -> vector<10000x128xf32>
    %get3A_106 = arith.constant 0 : index
    %get3A_107 = vector.load %arg9[%get3A_106] : memref<128xf32, #tpu.memory_space<vmem>>, vector<128xf32>
    %get3A_108 = arith.constant 0 : index
    %get3A_109 = vector.load %arg10[%get3A_108] : memref<128xf32, #tpu.memory_space<vmem>>, vector<128xf32>
    %reduce_sum3A_110 = arith.constant dense<0.000000e+00> : vector<128xf32>
    %reduce_sum3A_111 = vector.multi_reduction <add>, %dot_general3A_105, %reduce_sum3A_110 [0] : vector<10000x128xf32> to vector<128xf32>
    %div3A_112 = arith.constant 1.000000e+04 : f32
    %div3A_113 = vector.broadcast %div3A_112 : f32 to vector<128xf32>
    %div3A_114 = arith.divf %reduce_sum3A_111, %div3A_113 : vector<128xf32>
    %broadcast_in_dim3A_115 = vector.shape_cast %div3A_114 : vector<128xf32> to vector<1x128xf32>
    %sub3A_116 = vector.broadcast %broadcast_in_dim3A_115 : vector<1x128xf32> to vector<10000x128xf32>
    %sub3A_117 = arith.subf %dot_general3A_105, %sub3A_116 : vector<10000x128xf32>
    %square3A_118 = arith.mulf %sub3A_117, %sub3A_117 : vector<10000x128xf32>
    %reduce_sum3A_119 = arith.constant dense<0.000000e+00> : vector<128xf32>
    %reduce_sum3A_120 = vector.multi_reduction <add>, %square3A_118, %reduce_sum3A_119 [0] : vector<10000x128xf32> to vector<128xf32>
    %div3A_121 = arith.constant 1.000000e+04 : f32
    %div3A_122 = vector.broadcast %div3A_121 : f32 to vector<128xf32>
    %div3A_123 = arith.divf %reduce_sum3A_120, %div3A_122 : vector<128xf32>
    %broadcast_in_dim3A_124 = vector.shape_cast %div3A_114 : vector<128xf32> to vector<1x128xf32>
    %sub3A_125 = vector.broadcast %broadcast_in_dim3A_124 : vector<1x128xf32> to vector<10000x128xf32>
    %sub3A_126 = arith.subf %dot_general3A_105, %sub3A_125 : vector<10000x128xf32>
    %broadcast_in_dim3A_127 = vector.shape_cast %get3A_107 : vector<128xf32> to vector<1x128xf32>
    %mul3A_128 = vector.broadcast %broadcast_in_dim3A_127 : vector<1x128xf32> to vector<10000x128xf32>
    %mul3A_129 = arith.mulf %mul3A_128, %sub3A_126 : vector<10000x128xf32>
    %add3A_130 = arith.constant 9.99999974E-6 : f32
    %add3A_131 = vector.broadcast %add3A_130 : f32 to vector<128xf32>
    %add3A_132 = arith.addf %div3A_123, %add3A_131 : vector<128xf32>
    %sqrt3A_133 = math.sqrt %add3A_132 : vector<128xf32>
    %broadcast_in_dim3A_134 = vector.shape_cast %sqrt3A_133 : vector<128xf32> to vector<1x128xf32>
    %div3A_135 = vector.broadcast %broadcast_in_dim3A_134 : vector<1x128xf32> to vector<10000x128xf32>
    %div3A_136 = arith.divf %mul3A_129, %div3A_135 : vector<10000x128xf32>
    %broadcast_in_dim3A_137 = vector.shape_cast %get3A_109 : vector<128xf32> to vector<1x128xf32>
    %add3A_138 = vector.broadcast %broadcast_in_dim3A_137 : vector<1x128xf32> to vector<10000x128xf32>
    %add3A_139 = arith.addf %div3A_136, %add3A_138 : vector<10000x128xf32>
    %max3A_140 = arith.constant 0.000000e+00 : f32
    %max3A_141 = vector.broadcast %max3A_140 : f32 to vector<10000x128xf32>
    %max3A_142 = arith.maximumf %add3A_139, %max3A_141 : vector<10000x128xf32>
    %swap3A_143 = arith.constant 0 : index
    %swap3A_144 = arith.constant 0 : index
    %swap3A_145 = vector.load %arg13[%swap3A_143, %swap3A_144] : memref<10000x128xf32, #tpu.memory_space<vmem>>, vector<10000x128xf32>
    tpu.vector_store %arg13[%swap3A_143, %swap3A_144], %max3A_142 {strides = array<i32>} : memref<10000x128xf32, #tpu.memory_space<vmem>>, vector<10000x128xf32>,
    return
  }
}

module attributes {stable_mosaic.version = 14 : i64} {
  func.func @_tc2_body(%arg0: memref<2x10000x128xf32, #tpu.memory_space<vmem>>, %arg1: memref<10000x128xf32, #tpu.memory_space<vmem>>, %arg2: memref<128x256xf32, #tpu.memory_space<vmem>>, %arg3: memref<256xf32, #tpu.memory_space<vmem>>, %arg4: memref<256xf32, #tpu.memory_space<vmem>>, %arg5: memref<256x128xf32, #tpu.memory_space<vmem>>, %arg6: memref<128xf32, #tpu.memory_space<vmem>>, %arg7: memref<128xf32, #tpu.memory_space<vmem>>, %arg8: memref<1xf32, #tpu.memory_space<vmem>>, %arg9: memref<10000x128xf32, #tpu.memory_space<vmem>>) attributes {dimension_semantics = [], scalar_prefetch = 0 : i64, scratch_operands = 0 : i64, tpu.core_type = #tpu.core_type<tc>} {
    %get3A = arith.constant 0 : index
    %get3A_0 = vector.load %arg8[%get3A] : memref<1xf32, #tpu.memory_space<vmem>>, vector<1xf32>
    %get3A_1 = vector.extract %get3A_0[0] : f32 from vector<1xf32>
    %add3A = arith.constant 1.000000e+00 : f32
    %add3A_2 = arith.addf %add3A, %get3A_1 : f32
    %get3A_3 = arith.constant 0 : index
    %get3A_4 = arith.constant 0 : index
    %get3A_5 = vector.load %arg1[%get3A_3, %get3A_4] : memref<10000x128xf32, #tpu.memory_space<vmem>>, vector<10000x128xf32>
    %mul3A = vector.broadcast %add3A_2 : f32 to vector<10000x128xf32>
    %mul3A_6 = arith.mulf %mul3A, %get3A_5 : vector<10000x128xf32>
    %get3A_7 = arith.constant 0 : index
    %get3A_8 = arith.constant 0 : index
    %get3A_9 = arith.constant 0 : index
    %get3A_10 = vector.load %arg0[%get3A_7, %get3A_8, %get3A_9] : memref<2x10000x128xf32, #tpu.memory_space<vmem>>, vector<1x10000x128xf32>
    %get3A_11 = vector.shape_cast %get3A_10 : vector<1x10000x128xf32> to vector<10000x128xf32>
    %get3A_12 = arith.constant 1 : index
    %get3A_13 = arith.constant 0 : index
    %get3A_14 = arith.constant 0 : index
    %get3A_15 = vector.load %arg0[%get3A_12, %get3A_13, %get3A_14] : memref<2x10000x128xf32, #tpu.memory_space<vmem>>, vector<1x10000x128xf32>
    %get3A_16 = vector.shape_cast %get3A_15 : vector<1x10000x128xf32> to vector<10000x128xf32>
    %add3A_17 = arith.addf %get3A_11, %get3A_16 : vector<10000x128xf32>
    %add3A_18 = arith.addf %mul3A_6, %add3A_17 : vector<10000x128xf32>
    %get3A_19 = arith.constant 0 : index
    %get3A_20 = arith.constant 0 : index
    %get3A_21 = vector.load %arg2[%get3A_19, %get3A_20] : memref<128x256xf32, #tpu.memory_space<vmem>>, vector<128x256xf32>
    %dot_general3A = arith.constant dense<0.000000e+00> : vector<10000x256xf32>
    %dot_general3A_22 = tpu.matmul %add3A_18, %get3A_21, %dot_general3A {dimension_numbers = #tpu.dot_dimension_numbers<[1], [0], [0], [1], [0, 0, 1, 1], [], []>, transpose_lhs_hint = false} : vector<10000x128xf32>, vector<128x256xf32>, vector<10000x256xf32> -> vector<10000x256xf32>
    %get3A_23 = arith.constant 0 : index
    %get3A_24 = vector.load %arg3[%get3A_23] : memref<256xf32, #tpu.memory_space<vmem>>, vector<256xf32>
    %get3A_25 = arith.constant 0 : index
    %get3A_26 = vector.load %arg4[%get3A_25] : memref<256xf32, #tpu.memory_space<vmem>>, vector<256xf32>
    %reduce_sum3A = arith.constant dense<0.000000e+00> : vector<256xf32>
    %reduce_sum3A_27 = vector.multi_reduction <add>, %dot_general3A_22, %reduce_sum3A [0] : vector<10000x256xf32> to vector<256xf32>
    %div3A = arith.constant 1.000000e+04 : f32
    %div3A_28 = vector.broadcast %div3A : f32 to vector<256xf32>
    %div3A_29 = arith.divf %reduce_sum3A_27, %div3A_28 : vector<256xf32>
    %broadcast_in_dim3A = vector.shape_cast %div3A_29 : vector<256xf32> to vector<1x256xf32>
    %sub3A = vector.broadcast %broadcast_in_dim3A : vector<1x256xf32> to vector<10000x256xf32>
    %sub3A_30 = arith.subf %dot_general3A_22, %sub3A : vector<10000x256xf32>
    %square3A = arith.mulf %sub3A_30, %sub3A_30 : vector<10000x256xf32>
    %reduce_sum3A_31 = arith.constant dense<0.000000e+00> : vector<256xf32>
    %reduce_sum3A_32 = vector.multi_reduction <add>, %square3A, %reduce_sum3A_31 [0] : vector<10000x256xf32> to vector<256xf32>
    %div3A_33 = arith.constant 1.000000e+04 : f32
    %div3A_34 = vector.broadcast %div3A_33 : f32 to vector<256xf32>
    %div3A_35 = arith.divf %reduce_sum3A_32, %div3A_34 : vector<256xf32>
    %broadcast_in_dim3A_36 = vector.shape_cast %div3A_29 : vector<256xf32> to vector<1x256xf32>
    %sub3A_37 = vector.broadcast %broadcast_in_dim3A_36 : vector<1x256xf32> to vector<10000x256xf32>
    %sub3A_38 = arith.subf %dot_general3A_22, %sub3A_37 : vector<10000x256xf32>
    %broadcast_in_dim3A_39 = vector.shape_cast %get3A_24 : vector<256xf32> to vector<1x256xf32>
    %mul3A_40 = vector.broadcast %broadcast_in_dim3A_39 : vector<1x256xf32> to vector<10000x256xf32>
    %mul3A_41 = arith.mulf %mul3A_40, %sub3A_38 : vector<10000x256xf32>
    %add3A_42 = arith.constant 9.99999974E-6 : f32
    %add3A_43 = vector.broadcast %add3A_42 : f32 to vector<256xf32>
    %add3A_44 = arith.addf %div3A_35, %add3A_43 : vector<256xf32>
    %sqrt3A = math.sqrt %add3A_44 : vector<256xf32>
    %broadcast_in_dim3A_45 = vector.shape_cast %sqrt3A : vector<256xf32> to vector<1x256xf32>
    %div3A_46 = vector.broadcast %broadcast_in_dim3A_45 : vector<1x256xf32> to vector<10000x256xf32>
    %div3A_47 = arith.divf %mul3A_41, %div3A_46 : vector<10000x256xf32>
    %broadcast_in_dim3A_48 = vector.shape_cast %get3A_26 : vector<256xf32> to vector<1x256xf32>
    %add3A_49 = vector.broadcast %broadcast_in_dim3A_48 : vector<1x256xf32> to vector<10000x256xf32>
    %add3A_50 = arith.addf %div3A_47, %add3A_49 : vector<10000x256xf32>
    %max3A = arith.constant 0.000000e+00 : f32
    %max3A_51 = vector.broadcast %max3A : f32 to vector<10000x256xf32>
    %max3A_52 = arith.maximumf %add3A_50, %max3A_51 : vector<10000x256xf32>
    %get3A_53 = arith.constant 0 : index
    %get3A_54 = arith.constant 0 : index
    %get3A_55 = vector.load %arg5[%get3A_53, %get3A_54] : memref<256x128xf32, #tpu.memory_space<vmem>>, vector<256x128xf32>
    %dot_general3A_56 = arith.constant dense<0.000000e+00> : vector<10000x128xf32>
    %dot_general3A_57 = tpu.matmul %max3A_52, %get3A_55, %dot_general3A_56 {dimension_numbers = #tpu.dot_dimension_numbers<[1], [0], [0], [1], [0, 0, 1, 1], [], []>, transpose_lhs_hint = false} : vector<10000x256xf32>, vector<256x128xf32>, vector<10000x128xf32> -> vector<10000x128xf32>
    %get3A_58 = arith.constant 0 : index
    %get3A_59 = vector.load %arg6[%get3A_58] : memref<128xf32, #tpu.memory_space<vmem>>, vector<128xf32>
    %get3A_60 = arith.constant 0 : index
    %get3A_61 = vector.load %arg7[%get3A_60] : memref<128xf32, #tpu.memory_space<vmem>>, vector<128xf32>
    %reduce_sum3A_62 = arith.constant dense<0.000000e+00> : vector<128xf32>
    %reduce_sum3A_63 = vector.multi_reduction <add>, %dot_general3A_57, %reduce_sum3A_62 [0] : vector<10000x128xf32> to vector<128xf32>
    %div3A_64 = arith.constant 1.000000e+04 : f32
    %div3A_65 = vector.broadcast %div3A_64 : f32 to vector<128xf32>
    %div3A_66 = arith.divf %reduce_sum3A_63, %div3A_65 : vector<128xf32>
    %broadcast_in_dim3A_67 = vector.shape_cast %div3A_66 : vector<128xf32> to vector<1x128xf32>
    %sub3A_68 = vector.broadcast %broadcast_in_dim3A_67 : vector<1x128xf32> to vector<10000x128xf32>
    %sub3A_69 = arith.subf %dot_general3A_57, %sub3A_68 : vector<10000x128xf32>
    %square3A_70 = arith.mulf %sub3A_69, %sub3A_69 : vector<10000x128xf32>
    %reduce_sum3A_71 = arith.constant dense<0.000000e+00> : vector<128xf32>
    %reduce_sum3A_72 = vector.multi_reduction <add>, %square3A_70, %reduce_sum3A_71 [0] : vector<10000x128xf32> to vector<128xf32>
    %div3A_73 = arith.constant 1.000000e+04 : f32
    %div3A_74 = vector.broadcast %div3A_73 : f32 to vector<128xf32>
    %div3A_75 = arith.divf %reduce_sum3A_72, %div3A_74 : vector<128xf32>
    %broadcast_in_dim3A_76 = vector.shape_cast %div3A_66 : vector<128xf32> to vector<1x128xf32>
    %sub3A_77 = vector.broadcast %broadcast_in_dim3A_76 : vector<1x128xf32> to vector<10000x128xf32>
    %sub3A_78 = arith.subf %dot_general3A_57, %sub3A_77 : vector<10000x128xf32>
    %broadcast_in_dim3A_79 = vector.shape_cast %get3A_59 : vector<128xf32> to vector<1x128xf32>
    %mul3A_80 = vector.broadcast %broadcast_in_dim3A_79 : vector<1x128xf32> to vector<10000x128xf32>
    %mul3A_81 = arith.mulf %mul3A_80, %sub3A_78 : vector<10000x128xf32>
    %add3A_82 = arith.constant 9.99999974E-6 : f32
    %add3A_83 = vector.broadcast %add3A_82 : f32 to vector<128xf32>
    %add3A_84 = arith.addf %div3A_75, %add3A_83 : vector<128xf32>
    %sqrt3A_85 = math.sqrt %add3A_84 : vector<128xf32>
    %broadcast_in_dim3A_86 = vector.shape_cast %sqrt3A_85 : vector<128xf32> to vector<1x128xf32>
    %div3A_87 = vector.broadcast %broadcast_in_dim3A_86 : vector<1x128xf32> to vector<10000x128xf32>
    %div3A_88 = arith.divf %mul3A_81, %div3A_87 : vector<10000x128xf32>
    %broadcast_in_dim3A_89 = vector.shape_cast %get3A_61 : vector<128xf32> to vector<1x128xf32>
    %add3A_90 = vector.broadcast %broadcast_in_dim3A_89 : vector<1x128xf32> to vector<10000x128xf32>
    %add3A_91 = arith.addf %div3A_88, %add3A_90 : vector<10000x128xf32>
    %max3A_92 = arith.constant 0.000000e+00 : f32
    %max3A_93 = vector.broadcast %max3A_92 : f32 to vector<10000x128xf32>
    %max3A_94 = arith.maximumf %add3A_91, %max3A_93 : vector<10000x128xf32>
    %swap3A = arith.constant 0 : index
    %swap3A_95 = arith.constant 0 : index
    %swap3A_96 = vector.load %arg9[%swap3A, %swap3A_95] : memref<10000x128xf32, #tpu.memory_space<vmem>>, vector<10000x128xf32>
    tpu.vector_store %arg9[%swap3A, %swap3A_95], %max3A_94 {strides = array<i32>} : memref<10000x128xf32, #tpu.memory_space<vmem>>, vector<10000x128xf32>,
    return
  }
}

</mosaic_0001>

<sc_bundles>
// kernel: kernel.6.cloned.1.call-start
scs
__scs_entry_jumppad:
0x0: {  	(pc) =	sbr.rel $0x88, $3  }
0x1: {  	(tag) =	ssettag $0x0;
	lr =	simm.s32 $0x1  }
0x2: {  	[smem:$0x3F8D] =	sst lr;
	_ =	strace $0xD0000000  }
0x3: {  	_ = 	snop  }
0x4: {  	_ = 	snop  }
0x5: {  	_ = 	snop  }
0x6: {  	_ = 	snop  }
0x7: {  	_ = 	snop  }
__scs_overlays_trampoline_lowered:
0x8: {  	[smem:$0x3F9C] =	sst s0  }
0x9: {  	[smem:$0x3F9D] =	sst s1  }
0xa: {  	[smem:$0x3F9E] =	sst s2  }
0xb: {  	[smem:$0x3F9F] =	sst s3  }
0xc: {  	[smem:$0x3FA0] =	sst s4  }
0xd: {  	[smem:$0x3FA1] =	sst s5  }
0xe: {  	[smem:$0x3FA2] =	sst s6  }
0xf: {  	[smem:$0x3FA3] =	sst s7  }
0x10: {  	[smem:$0x3FA4] =	sst s8  }
0x11: {  	[smem:$0x3FA5] =	sst s9;
	s0 =	simm.s32 @!p0 $0x0  }
0x12: {  	s1 =	sld [smem:$0x3F8B];
	s0 =	simm.s32 @p0 $0x1  }
0x13: {  	[smem:$0x3FA6] =	sst s0;
	s0 =	simm.s32 @!p1 $0x0  }
0x14: {  	s2 =	sld [smem:$0x3F8A];
	s0 =	simm.s32 @p1 $0x1  }
0x15: {  	[smem:$0x3FA7] =	sst s0;
	s0 =	simm.s32 @!p2 $0x0  }
0x16: {  	s3 =	sld [smem:$0x3FDB];
	s0 =	simm.s32 @p2 $0x1  }
0x17: {  	s4 =	simm.s32 $0x1BF5;
	[smem:$0x3FA9] =	sst s0  }
0x18: {  	s0 =	sld [smem:$0x3F8C];
	_ =	swait.ge [sflag:s4], $0x0  }
0x19: {  	s7 =	sld [smem:$0x3F8D]  }
0x1a: {  	s8 =	sadd.s32 $0xFFFFE003, lr  }
0x1b: {  	s9 =	sadd.s32 $0xFFFFFEF7, lr;
	s5 =	simm.s32 $0xFFFFFFFF;
	p2 =	slt.u32 s8, $0xFFFFF086  }
0x1c: {  	p1 =	slt.u32 s9, $0xF7A;
	s5 =	simm.s32 @!p2 $0x0  }
0x1d: {  	s5 =	simm.s32 @p1 $0x1;
	p0 =	seq.s32 s7, s2  }
0x1e: {  	s7 =	smul.u32 @!p0 $0xF7A, s2;
	p2 =	seq.s32 @!p0 s5, $0x0  }
0x1f: {  	s9 =	smul.u32 $0xF7A, s1;
	s8 =	simm.s32 @!p0 $0x1BF5;
	p2 =	por !p2, p0  }
0x20: {  	[sflag:s8] =	ssyncset.s32 @!p0 $0xFFFFF086;
	s6 =	sadd.s32 @!p0 s3, s7;
	s7 =	simm.s32 @!p0 $0x108  }
0x21: {  	s3 =	sadd.s32 s3, s9;
	s6 =	sadd.s32 @!p0 $0x88, s6;
	s7 =	simm.s32 @p2 $0x1082  }
0x22: {  	[simem:s7], [sflag:s8] =	dma.local @!p0 [hbm:s6], $0xF7A  }
0x23: {  	s9 =	sor.u32 $0xD0000000, s2;
	s6 =	simm.s32 $0x108;
	_ =	swait.ge @!p0 [sflag:s8], $0x0  }
0x24: {  	s3 =	sadd.s32 $0x88, s3;
	s6 =	simm.s32 @!p1 $0x1082;
	[sflag:s4] =	ssyncset.s32 $0xFFFFF086  }
0x25: {  	[simem:s6], [sflag:s4] =	dma.local [hbm:s3], $0xF7A  }
0x26: {  	[smem:$0x3F8D] =	sst s1;
	(tag) =	ssettag s2;
	_ =	strace s9  }
0x27: {  	s1 =	sld [smem:$0x3F9D]  }
0x28: {  	s2 =	sld [smem:$0x3F9E]  }
0x29: {  	s4 =	sld [smem:$0x3FA0]  }
0x2a: {  	p0 =	seq.s32 s5, $0x0;
	s5 =	sld [smem:$0x3FA1]  }
0x2b: {  	s6 =	sld [smem:$0x3FA2]  }
0x2c: {  	s7 =	sld [smem:$0x3FA3]  }
0x2d: {  	s3 =	simm.s32 $0x108;
	s8 =	sld [smem:$0x3FA4]  }
0x2e: {  	s3 =	simm.s32 @!p0 $0x1082;
	s9 =	sld [smem:$0x3FA5]  }
0x2f: {  	lr =	sadd.s32 s0, s3;
	s0 =	sld [smem:$0x3F9C]  }
0x30: {  	s3 =	sld [smem:$0x3F9F]  }
0x31: {  	[smem:$0x3FA8] =	sst s10  }
0x32: {  	s10 =	sld [smem:$0x3FA6];
	_ =	sdelay $0x3  }
0x33: {  	p0 =	seq.s32 s10, $0x1;
	s10 =	sld [smem:$0x3FA8];
	_ =	sdelay $0x3  }
0x34: {  	[smem:$0x3FA8] =	sst s10  }
0x35: {  	s10 =	sld [smem:$0x3FA7];
	_ =	sdelay $0x3  }
0x36: {  	p1 =	seq.s32 s10, $0x1;
	s10 =	sld [smem:$0x3FA8];
	_ =	sdelay $0x3  }
0x37: {  	[smem:$0x3FA8] =	sst s10  }
0x38: {  	s10 =	sld [smem:$0x3FA9]  }
0x39: {  	_ = 	snop;
	(pc) =	sbr.ind lr, $3  }
0x3a: {  	_ = 	snop  }
0x3b: {  	_ = 	snop  }
0x3c: {  	p2 =	seq.s32 s10, $0x1;
	s10 =	sld [smem:$0x3FA8]  }
0x3d: {  	_ =	shalt  }
0x3e: {  	_ =	shalt  }
0x3f: {  	_ =	shalt  }
0x40: {  	_ =	shalt  }
0x41: {  	_ =	shalt  }
0x42: {  	_ =	shalt  }
0x43: {  	_ =	shalt  }
0x44: {  	_ =	shalt  }
0x45: {  	_ =	shalt  }
0x46: {  	_ =	shalt  }
0x47: {  	_ =	shalt  }
0x48: {  	_ =	shalt  }
0x49: {  	_ =	shalt  }
0x4a: {  	_ =	shalt  }
0x4b: {  	_ =	shalt  }
0x4c: {  	_ =	shalt  }
0x4d: {  	_ =	shalt  }
0x4e: {  	_ =	shalt  }
0x4f: {  	_ =	shalt  }
0x50: {  	_ =	shalt  }
0x51: {  	_ =	shalt  }
0x52: {  	_ =	shalt  }
0x53: {  	_ =	shalt  }
0x54: {  	_ =	shalt  }
0x55: {  	_ =	shalt  }
0x56: {  	_ =	shalt  }
0x57: {  	_ =	shalt  }
0x58: {  	_ =	shalt  }
0x59: {  	_ =	shalt  }
0x5a: {  	_ =	shalt  }
0x5b: {  	_ =	shalt  }
0x5c: {  	_ =	shalt  }
0x5d: {  	_ =	shalt  }
0x5e: {  	_ =	shalt  }
0x5f: {  	_ =	shalt  }
0x60: {  	_ =	shalt  }
0x61: {  	_ =	shalt  }
0x62: {  	_ =	shalt  }
0x63: {  	_ =	shalt  }
0x64: {  	_ =	shalt  }
0x65: {  	_ =	shalt  }
0x66: {  	_ =	shalt  }
0x67: {  	_ =	shalt  }
0x68: {  	_ =	shalt  }
0x69: {  	_ =	shalt  }
0x6a: {  	_ =	shalt  }
0x6b: {  	_ =	shalt  }
0x6c: {  	_ =	shalt  }
0x6d: {  	_ =	shalt  }
0x6e: {  	_ =	shalt  }
0x6f: {  	_ =	shalt  }
0x70: {  	_ =	shalt  }
0x71: {  	_ =	shalt  }
0x72: {  	_ =	shalt  }
0x73: {  	_ =	shalt  }
0x74: {  	_ =	shalt  }
0x75: {  	_ =	shalt  }
0x76: {  	_ =	shalt  }
0x77: {  	_ =	shalt  }
0x78: {  	_ =	shalt  }
0x79: {  	_ =	shalt  }
0x7a: {  	_ =	shalt  }
0x7b: {  	_ =	shalt  }
0x7c: {  	_ =	shalt  }
0x7d: {  	_ =	shalt  }
0x7e: {  	_ =	shalt  }
0x7f: {  	_ =	shalt  }
0x80: {  	_ =	shalt  }
0x81: {  	_ =	shalt  }
0x82: {  	_ =	shalt  }
0x83: {  	_ =	shalt  }
0x84: {  	_ =	shalt  }
0x85: {  	_ =	shalt  }
0x86: {  	_ =	shalt  }
0x87: {  	_ =	shalt  }
.Lfunc_end0:
.L_simem_size_0:
called_computation_lowered:
.L_overlay_start_0:
0x88: {  	s2 =	sld [smem:$0x3FD9]  }
0x89: {  	s3 =	sld [smem:$0x3FFE];
	_ =	sdelay $0x1  }
0x8a: {  	s1 =	srdreg.scid  }
0x8b: {  	s0 =	sand.u32 $0x1, s1  }
0x8c: {  	s14 =	sshll.u32 s0, $0xA;
	s2 =	sadd.s32 s3, s2  }
0x8d: {  	s2 =	sadd.s32 s2, s14  }
0x8e: {  	[smem:$0x3FB4] =	sst s2  }
0x8f: {  	_ = 	snop  }
0x90: {  	s2 =	sld [smem:$0x3FD0];
	_ =	sdelay $0x2  }
0x91: {  	s4 =	simm.s32 $0xA;
	s5 =	simm.s32 $0x10;
	s15 =	sld [smem:$0x3FC9]  }
0x92: {  	[smem:s5], [sflag:s4] =	dma.local [hbm:s2], $0x1  }
0x93: {  	_ =	swait.eq [sflag:s4], $0x1  }
0x94: {  	[sflag:s4] =	ssyncset.done $0x0  }
0x95: {  	s16 =	sld [smem:$0x10];
	[sflag:s4] =	ssyncadd.s32 $0xFFFFFFFF  }
0x96: {  	s17 =	sld [smem:$0x11];
	(tm) =	ssettm $0x1  }
0x97: {  	s18 =	sld [smem:$0x3FFB];
	_ =	sdelay $0x3  }
0x98: {  	_ =	strace s18  }
0x99: {  	s5 =	sld [smem:$0x3FFC];
	_ =	sdelay $0x3  }
0x9a: {  	_ =	strace s5  }
0x9b: {  	s5 =	sld [smem:$0x3FFD];
	_ =	sdelay $0x3  }
0x9c: {  	_ =	strace s5  }
0x9d: {  	_ =	strace $0x8FFFFFFF  }
0x9e: {  	s19 =	sld [smem:$0x3FDB];
	_ =	sdelay $0x1  }
0x9f: {  	s6 =	simm.s32 $_scs_section_size  }
0xa0: {  	s7 =	simm.s32 $_size__tile_overlayer_lowered;
	s8 =	simm.s32 $_tile_overlayer_lowered  }
0xa1: {  	s22 =	simm.s32 $0x1BFF;
	s21 =	sshll.u32 s8, $0x1;
	s5 =	sadd.s32 s6, s19  }
0xa2: {  	s9 =	simm.s32 $0x0;
	s20 =	sshll.u32 s7, $0x1;
	s7 =	sadd.s32 s21, s5  }
0xa3: {  	[timem:s9], [sflag:s22] =	dma.local [hbm:s7], s20  }
0xa4: {  	_ =	swait.ge [sflag:s22], s20  }
0xa5: {  	s6 =	ssub.s32 $0x0, s20;
	[sflag:s22] =	ssyncset.done $0x0  }
0xa6: {  	[sflag:s22] =	ssyncadd.s32 s6;
	_ =	sdelay $0x1  }
0xa7: {  	s23 =	simm.s32 $0x1B8B  }
0xa8: {  	_ =	swait.ge [sflag:s23], $0x1  }
0xa9: {  	[sflag:s23] =	ssyncset.done $0x0  }
0xaa: {  	s25 =	simm.s32 $0x1B8E;
	s24 =	sld [smem:$0x3FFE];
	[sflag:s23] =	ssyncadd.s32 $0xFFFFFFFF  }
0xab: {  	s26 =	simm.s32 $execute0_lowered;
	[smem:$0x3FD2] =	sst s25  }
0xac: {  	s7 =	sshll.u32 s26, $0x1;
	_ =	strace $0x80000046;
	[dreg:$0x1] =	wrdreg $0xFFFFFFFF  }
0xad: {  	s28 =	simm.s32 $_size_execute0_lowered;
	s5 =	sadd.s32 s5, s7;
	[dreg:$0x0] =	wrdreg $0x0  }
0xae: {  	s7 =	sshll.u32 s28, $0x1;
	[dreg:$0x2] =	wrdreg s5  }
0xaf: {  	[dreg:$0x3] =	wrdreg s7  }
0xb0: {  	[dreg:$0x4] =	wrdreg $0xC0  }
0xb1: {  	_ =	task [dreg:s9], $0x5FFFF  }
0xb2: {  	[dreg:$0x1] =	wrdreg $0xFFFFFFFF  }
0xb3: {  	[dreg:$0x0] =	wrdreg $0x60  }
0xb4: {  	[dreg:$0x2] =	wrdreg s15  }
0xb5: {  	[dreg:$0x3] =	wrdreg s16  }
0xb6: {  	[dreg:$0x4] =	wrdreg s17  }
0xb7: {  	[dreg:$0x5] =	wrdreg s24  }
0xb8: {  	[dreg:$0x6] =	wrdreg $0x90000  }
0xb9: {  	[dreg:$0x7] =	wrdreg $0x9  }
0xba: {  	_ =	task.clear_ibuf [dreg:s9], $0x8FFFF;
	_ =	strace $0x90000046  }
0xbb: {  	s29 =	simm.s32 $0x9;
	_ =	strace $0x80000048  }
0xbc: {  	_ =	swait.ge [sflag:s29], $0x1  }
0xbd: {  	[sflag:s29] =	ssyncadd.s32 $0xFFFFFFFF  }
0xbe: {  	_ =	strace $0x90000048  }
0xbf: {  	_ =	sfence  }
0xc0: {  	s30 =	sld [smem:$0x0];
	_ =	sdelay $0x2  }
0xc1: {  	s31 =	sshll.u32 s1, $0xD;
	s1 =	sshrl.u32 s1, $0x2  }
0xc2: {  	s3 =	sand.u32 $0x4000, s31;
	s1 =	sadd.s32 s1, s30  }
0xc3: {  	s0 =	sor.u32 s3, s0;
	s1 =	sshll.u32 s1, $0x11  }
0xc4: {  	s0 =	sor.u32 s1, s0  }
0xc5: {  	s0 =	sadd.s32 $0x8F2B, s0  }
0xc6: {  	[sflag:s0] =	ssyncadd.remote.s32 $0x1  }
0xc7: {  	_ =	sfence.sel $0xFFFF  }
0xc8: {  	[dreg:$0x0] =	wrdreg $0xFFFFFFFF;
	(pc) =	sbr.abs _section_cstart, $3  }
0xc9: {  	[dreg:$0x1] =	wrdreg $0xFFFFFFFF  }
0xca: {  	_ =	task.clear_ibuf [dreg:s9], $0x2FFFF;
	_ =	strace $0x9FFFFFFF  }
0xcb: {  	(tm) =	ssettm $0x7FFFFFFF  }
tec
execute0_lowered:
.L_overlay_start_1:
0x0: {  	(tag) =	ssettag $0x1  }
0x1: {  	s1 =	rddreg [dreg:$0x0]  }
0x2: {  	s0 =	rddreg [dreg:$0x1]  }
0x3: {  	s2 =	rddreg [dreg:$0x2]  }
0x4: {  	s5 =	rddreg [dreg:$0x3]  }
0x5: {  	s3 =	rddreg [dreg:$0x4]  }
0x6: {  	s13 =	stileid.u32;
	s6 =	srdreg.scid;
	s4 =	simm.s32 $0x0  }
0x7: {  	s28 =	simm.s32 $0x3;
	s29 =	simm.s32 $0x4;
	s7 =	smul.u32 $0x278, s13  }
0x8: {  	s30 =	simm.s32 $0x0;
	s8 =	smul.u32 $0x2E00, s13;
	s6 =	sand.u32 $0x1, s6  }
0x9: {  	[smem:$0x7FF] =	sst s4;
	s11 =	smul.u32 $0x5C000, s13;
	s18 =	sshll.u32 s13, $0x6  }
0xa: {  	s9 =	smul.u32 $0x138800, s6;
	_ =	strace $0x80000047;
	s10 =	sshll.u32 s6, $0x4  }
0xb: {  	s6 =	ssub.s32 $0x2, s6;
	s7 =	smin.u32 s7, $0x2498;
	s8 =	sadd.s32 s8, s5  }
0xc: {  	s10 =	sor.u32 s13, s10;
	s12 =	sshrl.u32 s6, $0x1;
	s17 =	sshrl.u32 s11, $0x2  }
0xd: {  	s7 =	sshll.u32 s7, $0x7;
	s10 =	smul.u32 $0x2800, s10;
	s8 =	sadd.s32 $0x3800, s8  }
0xe: {  	s11 =	sadd.s32 s17, s3;
	s9 =	sadd.s32 s9, s7;
	[dreg:$0x6] =	wrdreg s8  }
0xf: {  	s31 =	sadd.s32 s7, s3;
	s9 =	sshrl.u32 s9, $0x3;
	s10 =	sshrl.u32 s10, $0x3  }
0x10: {  	s5 =	sadd.s32 s9, s5;
	s9 =	ssub.s32 s6, s12;
	s6 =	sor.u32 $0x1C05, s18  }
0x11: {  	s19 =	sadd.s32 s0, s10;
	s20 =	sadd.s32 s2, s10;
	s21 =	sadd.s32 $0x100, s10  }
0x12: {  	s22 =	sadd.s32 $0x200, s10;
	s26 =	sadd.s32 $0x300, s10;
	[dreg:$0x7] =	wrdreg s19  }
0x13: {  	s10 =	sadd.s32 $0x400, s10;
	[dreg:$0x8] =	wrdreg s20;
	s23 =	sadd.s32 s0, s21  }
0x14: {  	s8 =	sadd.s32 s2, s21;
	s24 =	sadd.s32 s0, s22;
	s25 =	sadd.s32 s2, s22  }
0x15: {  	s13 =	sadd.s32 s0, s26;
	s14 =	sadd.s32 s2, s26;
	s15 =	sadd.s32 s0, s10  }
0x16: {  	s16 =	sadd.s32 s2, s10;
	s17 =	sadd.s32 $0x31800, s5;
	[dreg:$0x9] =	wrdreg s23  }
0x17: {  	s18 =	smax.u32 s9, $0x1;
	s19 =	sshrl.u32 s11, $0x3;
	[dreg:$0xa] =	wrdreg s8  }
0x18: {  	s20 =	simm.s32 $0x5;
	s21 =	simm.s32 $0x800;
	[dreg:$0xb] =	wrdreg s24  }
0x19: {  	s22 =	simm.s32 $0x80;
	s26 =	simm.s32 $0x1;
	[dreg:$0xc] =	wrdreg s25  }
0x1a: {  	s23 =	simm.s32 $0x1000;
	s24 =	simm.s32 $0x5000;
	s25 =	sshrl.u32 s31, $0x3  }
.LBB2_1:
0x1b: {  	s0 =	rddreg [dreg:$0x6]  }
0x1c: {  	[spmem:s19], [sflag:s6] =	dma.local [hbm:s0], $0x2E00  }
0x1d: {  	_ =	swait.ge [sflag:s20], $0x2E00  }
0x1e: {  	[sflag:s20] =	ssyncset.done $0x0  }
0x1f: {  	[sflag:s20] =	ssyncadd.s32 $0xFFFFD200  }
0x20: {  	[bflag:$0x0] =	sbarrier.arrive $0xFFFF  }
0x21: {  	s8 =	rddreg [dreg:$0x7]  }
0x22: {  	[tilespmem:s4], [sflag:$0x5] =	stream.linear.gather [hbm4b:s8+s4], $0x800, $0x38;
	v63 =	vld [tilespmem:$0x0]  }
0x23: {  	_ =	swait.ge [sflag:s20], $0x800  }
0x24: {  	[sflag:s20] =	ssyncset.done $0x0  }
0x25: {  	s9 =	rddreg [dreg:$0x8];
	[sflag:s20] =	ssyncadd.s32 $0xFFFFF800  }
0x26: {  	[tilespmem:s21], [sflag:$0x5] =	stream.linear.gather [hbm4b:s9+s4], $0x800, $0x38;
	v63 =	vld [tilespmem:$0x0]  }
0x27: {  	_ =	swait.ge [sflag:s20], $0x800  }
0x28: {  	[sflag:s20] =	ssyncset.done $0x0  }
0x29: {  	[sflag:s20] =	ssyncadd.s32 $0xFFFFF800  }
0x2a: {  	[tilespmem:s23], [sflag:$0x1] =	stream.indirect.gather [hbm4b:s1+s22], $0x80, s4, s22, $0xb8;
	v63 =	vld [tilespmem:$0x0]  }
0x2b: {  	s10 =	simm.s32 $0x2;
	s31 =	simm.s32 $0x100  }
0x2c: {  	[tilespmem:s24], [sflag:$0x2] =	stream.indirect.gather [hbm4b:s1+s22], $0x80, s22, s22, $0xb8;
	v63 =	vld [tilespmem:$0x0]  }
0x2d: {  	s7 =	simm.s32 $0x1;
	s0 =	sand.u32 $0x1, s10;
	_ =	swait.ge [sflag:s26], $0x4000  }
0x2e: {  	s12 =	sand.u32 $0x1, s7;
	s2 =	sadd.s32 $0x3, s0;
	[sflag:s26] =	ssyncset.done $0x0  }
0x2f: {  	s5 =	sshll.u32 s0, $0xE;
	s0 =	sadd.s32 $0x1, s0;
	[sflag:s26] =	ssyncadd.s32 $0xFFFFC000  }
0x30: {  	[spmem:s3] =	stream.indirect.scatter.add.f32 [tilespmem:s23], [sflag:$0x3], $0x80, s21, s22, $0xb8;
	v63 =	vld [tilespmem:$0x0]  }
0x31: {  	s7 =	sshll.u32 s12, $0xE;
	s10 =	sadd.s32 $0x1, s12;
	_ =	swait.ge [sflag:s2], $0x4000  }
0x32: {  	s11 =	sor.u32 $0x1000, s5;
	s5 =	simm.s32 $0x880;
	[sflag:s2] =	ssyncset.done $0x0  }
0x33: {  	s8 =	sadd.s32 $0x3, s12;
	s12 =	sor.u32 $0x1000, s7;
	[sflag:s2] =	ssyncadd.s32 $0xFFFFC000  }
0x34: {  	[tilespmem:s11], [sflag:s0] =	stream.indirect.gather [hbm4b:s1+s22], $0x80, s31, s22, $0xb8;
	v63 =	vld [tilespmem:$0x0]  }
0x35: {  	s2 =	simm.s32 $0x3;
	s0 =	simm.s32 $0x880;
	_ =	swait.ge [sflag:s10], $0x4000  }
.LBB2_2:
0x36: {  	[sflag:s10] =	ssyncset.done $0x0  }
0x37: {  	s0 =	sadd.s32 $0x80, s0;
	s31 =	sadd.s32 $0x80, s31;
	s9 =	smov.u32 s2  }
0x38: {  	s11 =	sand.u32 $0x1, s2;
	p0 =	sne.s32 s2, $0xF;
	[sflag:s10] =	ssyncadd.s32 $0xFFFFC000  }
0x39: {  	[spmem:s3] =	stream.indirect.scatter.add.f32 [tilespmem:s12], [sflag:s8], $0x80, s5, s22, $0xb8;
	v63 =	vld [tilespmem:$0x0]  }
0x3a: {  	s2 =	sadd.s32 $0x1, s2;
	s7 =	sadd.s32 $0x3, s11;
	s8 =	sshll.u32 s11, $0xE  }
0x3b: {  	s5 =	smov.u32 s0;
	_ =	swait.ge [sflag:s7], $0x4000  }
0x3c: {  	s10 =	sadd.s32 $0xFFFFFFFF, s9;
	s11 =	sadd.s32 $0x1, s11;
	[sflag:s7] =	ssyncset.done $0x0  }
.Ltmp0:
0x3d: {  	s9 =	sor.u32 $0x1000, s8;
	[sflag:s7] =	ssyncadd.s32 $0xFFFFC000;
	(pc) =	sbr.rel @p0 .LBB2_2-.Ltmp0, $4  }
0x3e: {  	[tilespmem:s9], [sflag:s11] =	stream.indirect.gather [hbm4b:s1+s22], $0x80, s31, s22, $0xb8;
	v63 =	vld [tilespmem:$0x0]  }
0x3f: {  	s8 =	sand.u32 $0x1, s10  }
0x40: {  	s12 =	sshll.u32 s8, $0xE;
	s10 =	sadd.s32 $0x1, s8;
	s8 =	sadd.s32 $0x3, s8  }
0x41: {  	s12 =	sor.u32 $0x1000, s12;
	_ =	swait.ge [sflag:s10], $0x4000  }
0x42: {  	[sflag:s10] =	ssyncset.done $0x0  }
0x43: {  	[sflag:s10] =	ssyncadd.s32 $0xFFFFC000  }
0x44: {  	[spmem:s3] =	stream.indirect.scatter.add.f32 [tilespmem:s12], [sflag:s8], $0x80, s5, s22, $0xb8;
	v63 =	vld [tilespmem:$0x0]  }
0x45: {  	_ =	swait.ge [sflag:s11], $0x4000  }
0x46: {  	[sflag:s11] =	ssyncset.done $0x0  }
0x47: {  	s0 =	sadd.s32 $0x80, s0;
	[sflag:s11] =	ssyncadd.s32 $0xFFFFC000  }
0x48: {  	[spmem:s3] =	stream.indirect.scatter.add.f32 [tilespmem:s9], [sflag:s7], $0x80, s0, s22, $0xb8;
	v63 =	vld [tilespmem:$0x0]  }
0x49: {  	_ =	swait.ge [sflag:s28], $0x4000  }
0x4a: {  	[sflag:s28] =	ssyncset.done $0x0  }
0x4b: {  	[sflag:s28] =	ssyncadd.s32 $0xFFFFC000  }
0x4c: {  	_ =	swait.ge [sflag:s29], $0x4000  }
0x4d: {  	[sflag:s29] =	ssyncset.done $0x0  }
0x4e: {  	s5 =	rddreg [dreg:$0x9];
	[sflag:s29] =	ssyncadd.s32 $0xFFFFC000  }
0x4f: {  	[tilespmem:s4], [sflag:$0x5] =	stream.linear.gather [hbm4b:s5+s4], $0x800, $0x38;
	v63 =	vld [tilespmem:$0x0]  }
0x50: {  	_ =	swait.ge [sflag:s20], $0x800  }
0x51: {  	[sflag:s20] =	ssyncset.done $0x0  }
0x52: {  	s7 =	rddreg [dreg:$0xa];
	[sflag:s20] =	ssyncadd.s32 $0xFFFFF800  }
0x53: {  	[tilespmem:s21], [sflag:$0x5] =	stream.linear.gather [hbm4b:s7+s4], $0x800, $0x38;
	v63 =	vld [tilespmem:$0x0]  }
0x54: {  	_ =	swait.ge [sflag:s20], $0x800  }
0x55: {  	[sflag:s20] =	ssyncset.done $0x0  }
0x56: {  	[sflag:s20] =	ssyncadd.s32 $0xFFFFF800  }
0x57: {  	[tilespmem:s23], [sflag:$0x1] =	stream.indirect.gather [hbm4b:s1+s22], $0x80, s4, s22, $0xb8;
	v63 =	vld [tilespmem:$0x0]  }
0x58: {  	s31 =	simm.s32 $0x100;
	s10 =	simm.s32 $0x1  }
0x59: {  	[tilespmem:s24], [sflag:$0x2] =	stream.indirect.gather [hbm4b:s1+s22], $0x80, s22, s22, $0xb8;
	v63 =	vld [tilespmem:$0x0]  }
0x5a: {  	s8 =	simm.s32 $0x2;
	s12 =	sand.u32 $0x1, s10;
	_ =	swait.ge [sflag:s26], $0x4000  }
0x5b: {  	s10 =	sadd.s32 $0x1, s12;
	s0 =	sand.u32 $0x1, s8;
	[sflag:s26] =	ssyncset.done $0x0  }
0x5c: {  	s8 =	sadd.s32 $0x3, s12;
	s2 =	sadd.s32 $0x3, s0;
	[sflag:s26] =	ssyncadd.s32 $0xFFFFC000  }
0x5d: {  	[spmem:s3] =	stream.indirect.scatter.add.f32 [tilespmem:s23], [sflag:$0x3], $0x80, s21, s22, $0xb8;
	v63 =	vld [tilespmem:$0x0]  }
0x5e: {  	s9 =	sshll.u32 s0, $0xE;
	s0 =	sadd.s32 $0x1, s0;
	_ =	swait.ge [sflag:s2], $0x4000  }
0x5f: {  	s11 =	sor.u32 $0x1000, s9;
	s7 =	sshll.u32 s12, $0xE;
	[sflag:s2] =	ssyncset.done $0x0  }
0x60: {  	s5 =	simm.s32 $0x880;
	s12 =	sor.u32 $0x1000, s7;
	[sflag:s2] =	ssyncadd.s32 $0xFFFFC000  }
0x61: {  	[tilespmem:s11], [sflag:s0] =	stream.indirect.gather [hbm4b:s1+s22], $0x80, s31, s22, $0xb8;
	v63 =	vld [tilespmem:$0x0]  }
0x62: {  	s2 =	simm.s32 $0x3;
	s0 =	simm.s32 $0x880;
	_ =	swait.ge [sflag:s10], $0x4000  }
.LBB2_4:
0x63: {  	[sflag:s10] =	ssyncset.done $0x0  }
0x64: {  	s0 =	sadd.s32 $0x80, s0;
	s31 =	sadd.s32 $0x80, s31;
	s9 =	smov.u32 s2  }
0x65: {  	s11 =	sand.u32 $0x1, s2;
	p0 =	sne.s32 s2, $0xF;
	[sflag:s10] =	ssyncadd.s32 $0xFFFFC000  }
0x66: {  	[spmem:s3] =	stream.indirect.scatter.add.f32 [tilespmem:s12], [sflag:s8], $0x80, s5, s22, $0xb8;
	v63 =	vld [tilespmem:$0x0]  }
0x67: {  	s2 =	sadd.s32 $0x1, s2;
	s7 =	sadd.s32 $0x3, s11;
	s8 =	sshll.u32 s11, $0xE  }
0x68: {  	s5 =	smov.u32 s0;
	_ =	swait.ge [sflag:s7], $0x4000  }
0x69: {  	s10 =	sadd.s32 $0xFFFFFFFF, s9;
	s11 =	sadd.s32 $0x1, s11;
	[sflag:s7] =	ssyncset.done $0x0  }
.Ltmp1:
0x6a: {  	s9 =	sor.u32 $0x1000, s8;
	[sflag:s7] =	ssyncadd.s32 $0xFFFFC000;
	(pc) =	sbr.rel @p0 .LBB2_4-.Ltmp1, $4  }
0x6b: {  	[tilespmem:s9], [sflag:s11] =	stream.indirect.gather [hbm4b:s1+s22], $0x80, s31, s22, $0xb8;
	v63 =	vld [tilespmem:$0x0]  }
0x6c: {  	s8 =	sand.u32 $0x1, s10  }
0x6d: {  	s12 =	sshll.u32 s8, $0xE;
	s10 =	sadd.s32 $0x1, s8;
	s8 =	sadd.s32 $0x3, s8  }
0x6e: {  	s12 =	sor.u32 $0x1000, s12;
	_ =	swait.ge [sflag:s10], $0x4000  }
0x6f: {  	[sflag:s10] =	ssyncset.done $0x0  }
0x70: {  	[sflag:s10] =	ssyncadd.s32 $0xFFFFC000  }
0x71: {  	[spmem:s3] =	stream.indirect.scatter.add.f32 [tilespmem:s12], [sflag:s8], $0x80, s5, s22, $0xb8;
	v63 =	vld [tilespmem:$0x0]  }
0x72: {  	_ =	swait.ge [sflag:s11], $0x4000  }
0x73: {  	[sflag:s11] =	ssyncset.done $0x0  }
0x74: {  	s0 =	sadd.s32 $0x80, s0;
	[sflag:s11] =	ssyncadd.s32 $0xFFFFC000  }
0x75: {  	[spmem:s3] =	stream.indirect.scatter.add.f32 [tilespmem:s9], [sflag:s7], $0x80, s0, s22, $0xb8;
	v63 =	vld [tilespmem:$0x0]  }
0x76: {  	_ =	swait.ge [sflag:s28], $0x4000  }
0x77: {  	[sflag:s28] =	ssyncset.done $0x0  }
0x78: {  	[sflag:s28] =	ssyncadd.s32 $0xFFFFC000  }
0x79: {  	_ =	swait.ge [sflag:s29], $0x4000  }
0x7a: {  	[sflag:s29] =	ssyncset.done $0x0  }
0x7b: {  	s5 =	rddreg [dreg:$0xb];
	[sflag:s29] =	ssyncadd.s32 $0xFFFFC000  }
0x7c: {  	[tilespmem:s4], [sflag:$0x5] =	stream.linear.gather [hbm4b:s5+s4], $0x800, $0x38;
	v63 =	vld [tilespmem:$0x0]  }
0x7d: {  	_ =	swait.ge [sflag:s20], $0x800  }
0x7e: {  	[sflag:s20] =	ssyncset.done $0x0  }
0x7f: {  	s7 =	rddreg [dreg:$0xc];
	[sflag:s20] =	ssyncadd.s32 $0xFFFFF800  }
0x80: {  	[tilespmem:s21], [sflag:$0x5] =	stream.linear.gather [hbm4b:s7+s4], $0x800, $0x38;
	v63 =	vld [tilespmem:$0x0]  }
0x81: {  	_ =	swait.ge [sflag:s20], $0x800  }
0x82: {  	[sflag:s20] =	ssyncset.done $0x0  }
0x83: {  	[sflag:s20] =	ssyncadd.s32 $0xFFFFF800  }
0x84: {  	[tilespmem:s23], [sflag:$0x1] =	stream.indirect.gather [hbm4b:s1+s22], $0x80, s4, s22, $0xb8;
	v63 =	vld [tilespmem:$0x0]  }
0x85: {  	s31 =	simm.s32 $0x100;
	s10 =	simm.s32 $0x1  }
0x86: {  	[tilespmem:s24], [sflag:$0x2] =	stream.indirect.gather [hbm4b:s1+s22], $0x80, s22, s22, $0xb8;
	v63 =	vld [tilespmem:$0x0]  }
0x87: {  	s8 =	simm.s32 $0x2;
	s12 =	sand.u32 $0x1, s10;
	_ =	swait.ge [sflag:s26], $0x4000  }
0x88: {  	s10 =	sadd.s32 $0x1, s12;
	s0 =	sand.u32 $0x1, s8;
	[sflag:s26] =	ssyncset.done $0x0  }
0x89: {  	s8 =	sadd.s32 $0x3, s12;
	s2 =	sadd.s32 $0x3, s0;
	[sflag:s26] =	ssyncadd.s32 $0xFFFFC000  }
0x8a: {  	[spmem:s3] =	stream.indirect.scatter.add.f32 [tilespmem:s23], [sflag:$0x3], $0x80, s21, s22, $0xb8;
	v63 =	vld [tilespmem:$0x0]  }
0x8b: {  	s9 =	sshll.u32 s0, $0xE;
	s0 =	sadd.s32 $0x1, s0;
	_ =	swait.ge [sflag:s2], $0x4000  }
0x8c: {  	s11 =	sor.u32 $0x1000, s9;
	s7 =	sshll.u32 s12, $0xE;
	[sflag:s2] =	ssyncset.done $0x0  }
0x8d: {  	s5 =	simm.s32 $0x880;
	s12 =	sor.u32 $0x1000, s7;
	[sflag:s2] =	ssyncadd.s32 $0xFFFFC000  }
0x8e: {  	[tilespmem:s11], [sflag:s0] =	stream.indirect.gather [hbm4b:s1+s22], $0x80, s31, s22, $0xb8;
	v63 =	vld [tilespmem:$0x0]  }
0x8f: {  	s2 =	simm.s32 $0x3;
	s0 =	simm.s32 $0x880;
	_ =	swait.ge [sflag:s10], $0x4000  }
.LBB2_6:
0x90: {  	[sflag:s10] =	ssyncset.done $0x0  }
0x91: {  	s0 =	sadd.s32 $0x80, s0;
	s31 =	sadd.s32 $0x80, s31;
	s9 =	smov.u32 s2  }
0x92: {  	s11 =	sand.u32 $0x1, s2;
	p0 =	sne.s32 s2, $0xF;
	[sflag:s10] =	ssyncadd.s32 $0xFFFFC000  }
0x93: {  	[spmem:s3] =	stream.indirect.scatter.add.f32 [tilespmem:s12], [sflag:s8], $0x80, s5, s22, $0xb8;
	v63 =	vld [tilespmem:$0x0]  }
0x94: {  	s2 =	sadd.s32 $0x1, s2;
	s7 =	sadd.s32 $0x3, s11;
	s8 =	sshll.u32 s11, $0xE  }
0x95: {  	s5 =	smov.u32 s0;
	_ =	swait.ge [sflag:s7], $0x4000  }
0x96: {  	s10 =	sadd.s32 $0xFFFFFFFF, s9;
	s11 =	sadd.s32 $0x1, s11;
	[sflag:s7] =	ssyncset.done $0x0  }
.Ltmp2:
0x97: {  	s9 =	sor.u32 $0x1000, s8;
	[sflag:s7] =	ssyncadd.s32 $0xFFFFC000;
	(pc) =	sbr.rel @p0 .LBB2_6-.Ltmp2, $4  }
0x98: {  	[tilespmem:s9], [sflag:s11] =	stream.indirect.gather [hbm4b:s1+s22], $0x80, s31, s22, $0xb8;
	v63 =	vld [tilespmem:$0x0]  }
0x99: {  	s8 =	sand.u32 $0x1, s10  }
0x9a: {  	s12 =	sshll.u32 s8, $0xE;
	s10 =	sadd.s32 $0x1, s8;
	s8 =	sadd.s32 $0x3, s8  }
0x9b: {  	s12 =	sor.u32 $0x1000, s12;
	_ =	swait.ge [sflag:s10], $0x4000  }
0x9c: {  	[sflag:s10] =	ssyncset.done $0x0  }
0x9d: {  	[sflag:s10] =	ssyncadd.s32 $0xFFFFC000  }
0x9e: {  	[spmem:s3] =	stream.indirect.scatter.add.f32 [tilespmem:s12], [sflag:s8], $0x80, s5, s22, $0xb8;
	v63 =	vld [tilespmem:$0x0]  }
0x9f: {  	_ =	swait.ge [sflag:s11], $0x4000  }
0xa0: {  	[sflag:s11] =	ssyncset.done $0x0  }
0xa1: {  	s0 =	sadd.s32 $0x80, s0;
	[sflag:s11] =	ssyncadd.s32 $0xFFFFC000  }
0xa2: {  	[spmem:s3] =	stream.indirect.scatter.add.f32 [tilespmem:s9], [sflag:s7], $0x80, s0, s22, $0xb8;
	v63 =	vld [tilespmem:$0x0]  }
0xa3: {  	_ =	swait.ge [sflag:s28], $0x4000  }
0xa4: {  	[sflag:s28] =	ssyncset.done $0x0  }
0xa5: {  	[sflag:s28] =	ssyncadd.s32 $0xFFFFC000  }
0xa6: {  	_ =	swait.ge [sflag:s29], $0x4000  }
0xa7: {  	[sflag:s29] =	ssyncset.done $0x0  }
0xa8: {  	[sflag:s29] =	ssyncadd.s32 $0xFFFFC000  }
0xa9: {  	[tilespmem:s4], [sflag:$0x5] =	stream.linear.gather [hbm4b:s13+s4], $0x800, $0x38;
	v63 =	vld [tilespmem:$0x0]  }
0xaa: {  	_ =	swait.ge [sflag:s20], $0x800  }
0xab: {  	[sflag:s20] =	ssyncset.done $0x0  }
0xac: {  	[sflag:s20] =	ssyncadd.s32 $0xFFFFF800  }
0xad: {  	[tilespmem:s21], [sflag:$0x5] =	stream.linear.gather [hbm4b:s14+s4], $0x800, $0x38;
	v63 =	vld [tilespmem:$0x0]  }
0xae: {  	_ =	swait.ge [sflag:s20], $0x800  }
0xaf: {  	[sflag:s20] =	ssyncset.done $0x0  }
0xb0: {  	[sflag:s20] =	ssyncadd.s32 $0xFFFFF800  }
0xb1: {  	[tilespmem:s23], [sflag:$0x1] =	stream.indirect.gather [hbm4b:s1+s22], $0x80, s4, s22, $0xb8;
	v63 =	vld [tilespmem:$0x0]  }
0xb2: {  	s31 =	simm.s32 $0x100;
	s10 =	simm.s32 $0x1  }
0xb3: {  	[tilespmem:s24], [sflag:$0x2] =	stream.indirect.gather [hbm4b:s1+s22], $0x80, s22, s22, $0xb8;
	v63 =	vld [tilespmem:$0x0]  }
0xb4: {  	s8 =	simm.s32 $0x2;
	s12 =	sand.u32 $0x1, s10;
	_ =	swait.ge [sflag:s26], $0x4000  }
0xb5: {  	s5 =	simm.s32 $0x880;
	s0 =	sand.u32 $0x1, s8;
	[sflag:s26] =	ssyncset.done $0x0  }
0xb6: {  	s10 =	sadd.s32 $0x1, s12;
	s2 =	sadd.s32 $0x3, s0;
	[sflag:s26] =	ssyncadd.s32 $0xFFFFC000  }
0xb7: {  	[spmem:s3] =	stream.indirect.scatter.add.f32 [tilespmem:s23], [sflag:$0x3], $0x80, s21, s22, $0xb8;
	v63 =	vld [tilespmem:$0x0]  }
0xb8: {  	s7 =	sshll.u32 s12, $0xE;
	s8 =	sadd.s32 $0x3, s12;
	_ =	swait.ge [sflag:s2], $0x4000  }
0xb9: {  	s9 =	sshll.u32 s0, $0xE;
	s0 =	sadd.s32 $0x1, s0;
	[sflag:s2] =	ssyncset.done $0x0  }
0xba: {  	s12 =	sor.u32 $0x1000, s7;
	s11 =	sor.u32 $0x1000, s9;
	[sflag:s2] =	ssyncadd.s32 $0xFFFFC000  }
0xbb: {  	[tilespmem:s11], [sflag:s0] =	stream.indirect.gather [hbm4b:s1+s22], $0x80, s31, s22, $0xb8;
	v63 =	vld [tilespmem:$0x0]  }
0xbc: {  	s2 =	simm.s32 $0x3;
	s0 =	simm.s32 $0x880;
	_ =	swait.ge [sflag:s10], $0x4000  }
.LBB2_8:
0xbd: {  	[sflag:s10] =	ssyncset.done $0x0  }
0xbe: {  	s0 =	sadd.s32 $0x80, s0;
	s31 =	sadd.s32 $0x80, s31;
	s9 =	smov.u32 s2  }
0xbf: {  	s11 =	sand.u32 $0x1, s2;
	p0 =	sne.s32 s2, $0xF;
	[sflag:s10] =	ssyncadd.s32 $0xFFFFC000  }
0xc0: {  	[spmem:s3] =	stream.indirect.scatter.add.f32 [tilespmem:s12], [sflag:s8], $0x80, s5, s22, $0xb8;
	v63 =	vld [tilespmem:$0x0]  }
0xc1: {  	s2 =	sadd.s32 $0x1, s2;
	s7 =	sadd.s32 $0x3, s11;
	s8 =	sshll.u32 s11, $0xE  }
0xc2: {  	s5 =	smov.u32 s0;
	_ =	swait.ge [sflag:s7], $0x4000  }
0xc3: {  	s10 =	sadd.s32 $0xFFFFFFFF, s9;
	s11 =	sadd.s32 $0x1, s11;
	[sflag:s7] =	ssyncset.done $0x0  }
.Ltmp3:
0xc4: {  	s9 =	sor.u32 $0x1000, s8;
	[sflag:s7] =	ssyncadd.s32 $0xFFFFC000;
	(pc) =	sbr.rel @p0 .LBB2_8-.Ltmp3, $4  }
0xc5: {  	[tilespmem:s9], [sflag:s11] =	stream.indirect.gather [hbm4b:s1+s22], $0x80, s31, s22, $0xb8;
	v63 =	vld [tilespmem:$0x0]  }
0xc6: {  	s8 =	sand.u32 $0x1, s10  }
0xc7: {  	s12 =	sshll.u32 s8, $0xE;
	s10 =	sadd.s32 $0x1, s8;
	s8 =	sadd.s32 $0x3, s8  }
0xc8: {  	s12 =	sor.u32 $0x1000, s12;
	_ =	swait.ge [sflag:s10], $0x4000  }
0xc9: {  	[sflag:s10] =	ssyncset.done $0x0  }
0xca: {  	[sflag:s10] =	ssyncadd.s32 $0xFFFFC000  }
0xcb: {  	[spmem:s3] =	stream.indirect.scatter.add.f32 [tilespmem:s12], [sflag:s8], $0x80, s5, s22, $0xb8;
	v63 =	vld [tilespmem:$0x0]  }
0xcc: {  	_ =	swait.ge [sflag:s11], $0x4000  }
0xcd: {  	[sflag:s11] =	ssyncset.done $0x0  }
0xce: {  	s0 =	sadd.s32 $0x80, s0;
	[sflag:s11] =	ssyncadd.s32 $0xFFFFC000  }
0xcf: {  	[spmem:s3] =	stream.indirect.scatter.add.f32 [tilespmem:s9], [sflag:s7], $0x80, s0, s22, $0xb8;
	v63 =	vld [tilespmem:$0x0]  }
0xd0: {  	_ =	swait.ge [sflag:s28], $0x4000  }
0xd1: {  	[sflag:s28] =	ssyncset.done $0x0  }
0xd2: {  	[sflag:s28] =	ssyncadd.s32 $0xFFFFC000  }
0xd3: {  	_ =	swait.ge [sflag:s29], $0x4000  }
0xd4: {  	[sflag:s29] =	ssyncset.done $0x0  }
0xd5: {  	[sflag:s29] =	ssyncadd.s32 $0xFFFFC000  }
0xd6: {  	[tilespmem:s4], [sflag:$0x5] =	stream.linear.gather [hbm4b:s15+s4], $0x800, $0x38;
	v63 =	vld [tilespmem:$0x0]  }
0xd7: {  	_ =	swait.ge [sflag:s20], $0x800  }
0xd8: {  	[sflag:s20] =	ssyncset.done $0x0  }
0xd9: {  	[sflag:s20] =	ssyncadd.s32 $0xFFFFF800  }
0xda: {  	[tilespmem:s21], [sflag:$0x5] =	stream.linear.gather [hbm4b:s16+s4], $0x800, $0x38;
	v63 =	vld [tilespmem:$0x0]  }
0xdb: {  	_ =	swait.ge [sflag:s20], $0x800  }
0xdc: {  	[sflag:s20] =	ssyncset.done $0x0  }
0xdd: {  	[sflag:s20] =	ssyncadd.s32 $0xFFFFF800  }
0xde: {  	[tilespmem:s23], [sflag:$0x1] =	stream.indirect.gather [hbm4b:s1+s22], $0x80, s4, s22, $0xb8;
	v63 =	vld [tilespmem:$0x0]  }
0xdf: {  	s31 =	simm.s32 $0x100;
	s10 =	simm.s32 $0x1  }
0xe0: {  	[tilespmem:s24], [sflag:$0x2] =	stream.indirect.gather [hbm4b:s1+s22], $0x80, s22, s22, $0xb8;
	v63 =	vld [tilespmem:$0x0]  }
0xe1: {  	s8 =	simm.s32 $0x2;
	s12 =	sand.u32 $0x1, s10;
	_ =	swait.ge [sflag:s26], $0x4000  }
0xe2: {  	s5 =	simm.s32 $0x880;
	s0 =	sand.u32 $0x1, s8;
	[sflag:s26] =	ssyncset.done $0x0  }
0xe3: {  	s10 =	sadd.s32 $0x1, s12;
	s2 =	sadd.s32 $0x3, s0;
	[sflag:s26] =	ssyncadd.s32 $0xFFFFC000  }
0xe4: {  	[spmem:s3] =	stream.indirect.scatter.add.f32 [tilespmem:s23], [sflag:$0x3], $0x80, s21, s22, $0xb8;
	v63 =	vld [tilespmem:$0x0]  }
0xe5: {  	s7 =	sshll.u32 s12, $0xE;
	s8 =	sadd.s32 $0x3, s12;
	_ =	swait.ge [sflag:s2], $0x4000  }
0xe6: {  	s9 =	sshll.u32 s0, $0xE;
	s0 =	sadd.s32 $0x1, s0;
	[sflag:s2] =	ssyncset.done $0x0  }
0xe7: {  	s12 =	sor.u32 $0x1000, s7;
	s11 =	sor.u32 $0x1000, s9;
	[sflag:s2] =	ssyncadd.s32 $0xFFFFC000  }
0xe8: {  	[tilespmem:s11], [sflag:s0] =	stream.indirect.gather [hbm4b:s1+s22], $0x80, s31, s22, $0xb8;
	v63 =	vld [tilespmem:$0x0]  }
0xe9: {  	s2 =	simm.s32 $0x3;
	s0 =	simm.s32 $0x880;
	_ =	swait.ge [sflag:s10], $0x4000  }
.LBB2_10:
0xea: {  	[sflag:s10] =	ssyncset.done $0x0  }
0xeb: {  	s0 =	sadd.s32 $0x80, s0;
	s31 =	sadd.s32 $0x80, s31;
	s9 =	smov.u32 s2  }
0xec: {  	s11 =	sand.u32 $0x1, s2;
	p0 =	sne.s32 s2, $0xF;
	[sflag:s10] =	ssyncadd.s32 $0xFFFFC000  }
0xed: {  	[spmem:s3] =	stream.indirect.scatter.add.f32 [tilespmem:s12], [sflag:s8], $0x80, s5, s22, $0xb8;
	v63 =	vld [tilespmem:$0x0]  }
0xee: {  	s2 =	sadd.s32 $0x1, s2;
	s7 =	sadd.s32 $0x3, s11;
	s8 =	sshll.u32 s11, $0xE  }
0xef: {  	s5 =	smov.u32 s0;
	_ =	swait.ge [sflag:s7], $0x4000  }
0xf0: {  	s10 =	sadd.s32 $0xFFFFFFFF, s9;
	s11 =	sadd.s32 $0x1, s11;
	[sflag:s7] =	ssyncset.done $0x0  }
.Ltmp4:
0xf1: {  	s9 =	sor.u32 $0x1000, s8;
	[sflag:s7] =	ssyncadd.s32 $0xFFFFC000;
	(pc) =	sbr.rel @p0 .LBB2_10-.Ltmp4, $4  }
0xf2: {  	[tilespmem:s9], [sflag:s11] =	stream.indirect.gather [hbm4b:s1+s22], $0x80, s31, s22, $0xb8;
	v63 =	vld [tilespmem:$0x0]  }
0xf3: {  	s8 =	sand.u32 $0x1, s10  }
0xf4: {  	s12 =	sshll.u32 s8, $0xE;
	s10 =	sadd.s32 $0x1, s8;
	s8 =	sadd.s32 $0x3, s8  }
0xf5: {  	s12 =	sor.u32 $0x1000, s12;
	_ =	swait.ge [sflag:s10], $0x4000  }
0xf6: {  	[sflag:s10] =	ssyncset.done $0x0  }
0xf7: {  	[sflag:s10] =	ssyncadd.s32 $0xFFFFC000  }
0xf8: {  	[spmem:s3] =	stream.indirect.scatter.add.f32 [tilespmem:s12], [sflag:s8], $0x80, s5, s22, $0xb8;
	v63 =	vld [tilespmem:$0x0]  }
0xf9: {  	_ =	swait.ge [sflag:s11], $0x4000  }
0xfa: {  	[sflag:s11] =	ssyncset.done $0x0  }
0xfb: {  	s0 =	sadd.s32 $0x80, s0;
	[sflag:s11] =	ssyncadd.s32 $0xFFFFC000  }
0xfc: {  	[spmem:s3] =	stream.indirect.scatter.add.f32 [tilespmem:s9], [sflag:s7], $0x80, s0, s22, $0xb8;
	v63 =	vld [tilespmem:$0x0]  }
0xfd: {  	_ =	swait.ge [sflag:s28], $0x4000  }
0xfe: {  	[sflag:s28] =	ssyncset.done $0x0  }
0xff: {  	[sflag:s28] =	ssyncadd.s32 $0xFFFFC000  }
0x100: {  	_ =	swait.ge [sflag:s29], $0x4000  }
0x101: {  	s30 =	sadd.s32 $0x1, s30;
	[sflag:s29] =	ssyncset.done $0x0  }
0x102: {  	p0 =	sne.s32 s30, s18;
	[sflag:s29] =	ssyncadd.s32 $0xFFFFC000  }
.Ltmp5:
0x103: {  	[bflag:$0x0] =	sbarrier.arrive $0xFFFF;
	(pc) =	sbr.rel @p0 .LBB2_1-.Ltmp5, $4  }
0x104: {  	[hbm:s17], [sflag:s6] =	dma.local [spmem:s25], $0x2780  }
0x105: {  	_ =	swait.ge [sflag:s20], $0x2780  }
0x106: {  	[sflag:s20] =	ssyncset.done $0x0  }
0x107: {  	[sflag:s20] =	ssyncadd.s32 $0xFFFFD880  }
0x108: {  	_ =	sfence.sel $0x180000  }
0x109: {  	[bflag:$0x0] =	sbarrier.arrive $0xFFFF  }
0x10a: {  	_ =	strace $0x90000047  }
0x10b: {  	s0 =	stileid.u32;
	[bflag:$0x2] =	sbarrier.arrive $0xFFFF  }
0x10c: {  	p0 =	sne.s32 s0, $0x0;
	s0 =	rddreg [dreg:$0x5]  }
0x10d: {  	s0 =	sadd.s32 @!p0 $0x100000, s0  }
0x10e: {  	[sflag:s0] =	ssyncadd.tile.s32 @!p0 $0x1;
	_ =	shalt  }
.Lfunc_end2:
_tile_overlayer_lowered:
.L_overlay_start_2:
0x10f: {  	(tag) =	ssettag $0x2  }
0x110: {  	s0 =	rddreg [dreg:$0x0];
	s2 =	stileid.u32  }
0x111: {  	s1 =	rddreg [dreg:$0x1];
	p0 =	sne.s32 s2, $0x0  }
0x112: {  	s3 =	rddreg [dreg:$0x2];
	[bflag:$0x3] =	sbarrier.arrive $0xFFFF;
	s2 =	simm.s32 @!p0 $0x1C05  }
0x113: {  	[timem:s3], [sflag:s2] =	dma.local @!p0 [hbm:s0], s1  }
0x114: {  	s0 =	simm.s32 @!p0 $0x5  }
0x115: {  	_ =	swait.ge @!p0 [sflag:s0], s1  }
0x116: {  	s1 =	ssub.s32 @!p0 $0x0, s1;
	[sflag:s0] =	ssyncset.done @!p0 $0x0  }
0x117: {  	[sflag:s0] =	ssyncadd.s32 @!p0 s1  }
0x118: {  	[bflag:$0x3] =	sbarrier.arrive $0xFFFF  }
0x119: {  	_ =	shalt  }

// kernel: kernel.9.cloned.1.call-start
scs
__scs_entry_jumppad:
0x0: {  	(pc) =	sbr.rel $0x88, $3  }
0x1: {  	(tag) =	ssettag $0x0;
	lr =	simm.s32 $0x1  }
0x2: {  	[smem:$0x3F8D] =	sst lr;
	_ =	strace $0xD0000000  }
0x3: {  	_ = 	snop  }
0x4: {  	_ = 	snop  }
0x5: {  	_ = 	snop  }
0x6: {  	_ = 	snop  }
0x7: {  	_ = 	snop  }
__scs_overlays_trampoline_lowered:
0x8: {  	[smem:$0x3F9C] =	sst s0  }
0x9: {  	[smem:$0x3F9D] =	sst s1  }
0xa: {  	[smem:$0x3F9E] =	sst s2  }
0xb: {  	[smem:$0x3F9F] =	sst s3  }
0xc: {  	[smem:$0x3FA0] =	sst s4  }
0xd: {  	[smem:$0x3FA1] =	sst s5  }
0xe: {  	[smem:$0x3FA2] =	sst s6  }
0xf: {  	[smem:$0x3FA3] =	sst s7  }
0x10: {  	[smem:$0x3FA4] =	sst s8  }
0x11: {  	[smem:$0x3FA5] =	sst s9;
	s0 =	simm.s32 @!p0 $0x0  }
0x12: {  	s1 =	sld [smem:$0x3F8B];
	s0 =	simm.s32 @p0 $0x1  }
0x13: {  	[smem:$0x3FA6] =	sst s0;
	s0 =	simm.s32 @!p1 $0x0  }
0x14: {  	s2 =	sld [smem:$0x3F8A];
	s0 =	simm.s32 @p1 $0x1  }
0x15: {  	[smem:$0x3FA7] =	sst s0;
	s0 =	simm.s32 @!p2 $0x0  }
0x16: {  	s3 =	sld [smem:$0x3FDB];
	s0 =	simm.s32 @p2 $0x1  }
0x17: {  	s4 =	simm.s32 $0x1BF5;
	[smem:$0x3FA9] =	sst s0  }
0x18: {  	s0 =	sld [smem:$0x3F8C];
	_ =	swait.ge [sflag:s4], $0x0  }
0x19: {  	s7 =	sld [smem:$0x3F8D]  }
0x1a: {  	s8 =	sadd.s32 $0xFFFFE003, lr  }
0x1b: {  	s9 =	sadd.s32 $0xFFFFFEF7, lr;
	s5 =	simm.s32 $0xFFFFFFFF;
	p2 =	slt.u32 s8, $0xFFFFF086  }
0x1c: {  	p1 =	slt.u32 s9, $0xF7A;
	s5 =	simm.s32 @!p2 $0x0  }
0x1d: {  	s5 =	simm.s32 @p1 $0x1;
	p0 =	seq.s32 s7, s2  }
0x1e: {  	s7 =	smul.u32 @!p0 $0xF7A, s2;
	p2 =	seq.s32 @!p0 s5, $0x0  }
0x1f: {  	s9 =	smul.u32 $0xF7A, s1;
	s8 =	simm.s32 @!p0 $0x1BF5;
	p2 =	por !p2, p0  }
0x20: {  	[sflag:s8] =	ssyncset.s32 @!p0 $0xFFFFF086;
	s6 =	sadd.s32 @!p0 s3, s7;
	s7 =	simm.s32 @!p0 $0x108  }
0x21: {  	s3 =	sadd.s32 s3, s9;
	s6 =	sadd.s32 @!p0 $0x88, s6;
	s7 =	simm.s32 @p2 $0x1082  }
0x22: {  	[simem:s7], [sflag:s8] =	dma.local @!p0 [hbm:s6], $0xF7A  }
0x23: {  	s9 =	sor.u32 $0xD0000000, s2;
	s6 =	simm.s32 $0x108;
	_ =	swait.ge @!p0 [sflag:s8], $0x0  }
0x24: {  	s3 =	sadd.s32 $0x88, s3;
	s6 =	simm.s32 @!p1 $0x1082;
	[sflag:s4] =	ssyncset.s32 $0xFFFFF086  }
0x25: {  	[simem:s6], [sflag:s4] =	dma.local [hbm:s3], $0xF7A  }
0x26: {  	[smem:$0x3F8D] =	sst s1;
	(tag) =	ssettag s2;
	_ =	strace s9  }
0x27: {  	s1 =	sld [smem:$0x3F9D]  }
0x28: {  	s2 =	sld [smem:$0x3F9E]  }
0x29: {  	s4 =	sld [smem:$0x3FA0]  }
0x2a: {  	p0 =	seq.s32 s5, $0x0;
	s5 =	sld [smem:$0x3FA1]  }
0x2b: {  	s6 =	sld [smem:$0x3FA2]  }
0x2c: {  	s7 =	sld [smem:$0x3FA3]  }
0x2d: {  	s3 =	simm.s32 $0x108;
	s8 =	sld [smem:$0x3FA4]  }
0x2e: {  	s3 =	simm.s32 @!p0 $0x1082;
	s9 =	sld [smem:$0x3FA5]  }
0x2f: {  	lr =	sadd.s32 s0, s3;
	s0 =	sld [smem:$0x3F9C]  }
0x30: {  	s3 =	sld [smem:$0x3F9F]  }
0x31: {  	[smem:$0x3FA8] =	sst s10  }
0x32: {  	s10 =	sld [smem:$0x3FA6];
	_ =	sdelay $0x3  }
0x33: {  	p0 =	seq.s32 s10, $0x1;
	s10 =	sld [smem:$0x3FA8];
	_ =	sdelay $0x3  }
0x34: {  	[smem:$0x3FA8] =	sst s10  }
0x35: {  	s10 =	sld [smem:$0x3FA7];
	_ =	sdelay $0x3  }
0x36: {  	p1 =	seq.s32 s10, $0x1;
	s10 =	sld [smem:$0x3FA8];
	_ =	sdelay $0x3  }
0x37: {  	[smem:$0x3FA8] =	sst s10  }
0x38: {  	s10 =	sld [smem:$0x3FA9]  }
0x39: {  	_ = 	snop;
	(pc) =	sbr.ind lr, $3  }
0x3a: {  	_ = 	snop  }
0x3b: {  	_ = 	snop  }
0x3c: {  	p2 =	seq.s32 s10, $0x1;
	s10 =	sld [smem:$0x3FA8]  }
0x3d: {  	_ =	shalt  }
0x3e: {  	_ =	shalt  }
0x3f: {  	_ =	shalt  }
0x40: {  	_ =	shalt  }
0x41: {  	_ =	shalt  }
0x42: {  	_ =	shalt  }
0x43: {  	_ =	shalt  }
0x44: {  	_ =	shalt  }
0x45: {  	_ =	shalt  }
0x46: {  	_ =	shalt  }
0x47: {  	_ =	shalt  }
0x48: {  	_ =	shalt  }
0x49: {  	_ =	shalt  }
0x4a: {  	_ =	shalt  }
0x4b: {  	_ =	shalt  }
0x4c: {  	_ =	shalt  }
0x4d: {  	_ =	shalt  }
0x4e: {  	_ =	shalt  }
0x4f: {  	_ =	shalt  }
0x50: {  	_ =	shalt  }
0x51: {  	_ =	shalt  }
0x52: {  	_ =	shalt  }
0x53: {  	_ =	shalt  }
0x54: {  	_ =	shalt  }
0x55: {  	_ =	shalt  }
0x56: {  	_ =	shalt  }
0x57: {  	_ =	shalt  }
0x58: {  	_ =	shalt  }
0x59: {  	_ =	shalt  }
0x5a: {  	_ =	shalt  }
0x5b: {  	_ =	shalt  }
0x5c: {  	_ =	shalt  }
0x5d: {  	_ =	shalt  }
0x5e: {  	_ =	shalt  }
0x5f: {  	_ =	shalt  }
0x60: {  	_ =	shalt  }
0x61: {  	_ =	shalt  }
0x62: {  	_ =	shalt  }
0x63: {  	_ =	shalt  }
0x64: {  	_ =	shalt  }
0x65: {  	_ =	shalt  }
0x66: {  	_ =	shalt  }
0x67: {  	_ =	shalt  }
0x68: {  	_ =	shalt  }
0x69: {  	_ =	shalt  }
0x6a: {  	_ =	shalt  }
0x6b: {  	_ =	shalt  }
0x6c: {  	_ =	shalt  }
0x6d: {  	_ =	shalt  }
0x6e: {  	_ =	shalt  }
0x6f: {  	_ =	shalt  }
0x70: {  	_ =	shalt  }
0x71: {  	_ =	shalt  }
0x72: {  	_ =	shalt  }
0x73: {  	_ =	shalt  }
0x74: {  	_ =	shalt  }
0x75: {  	_ =	shalt  }
0x76: {  	_ =	shalt  }
0x77: {  	_ =	shalt  }
0x78: {  	_ =	shalt  }
0x79: {  	_ =	shalt  }
0x7a: {  	_ =	shalt  }
0x7b: {  	_ =	shalt  }
0x7c: {  	_ =	shalt  }
0x7d: {  	_ =	shalt  }
0x7e: {  	_ =	shalt  }
0x7f: {  	_ =	shalt  }
0x80: {  	_ =	shalt  }
0x81: {  	_ =	shalt  }
0x82: {  	_ =	shalt  }
0x83: {  	_ =	shalt  }
0x84: {  	_ =	shalt  }
0x85: {  	_ =	shalt  }
0x86: {  	_ =	shalt  }
0x87: {  	_ =	shalt  }
.Lfunc_end0:
.L_simem_size_0:
called_computation.1_lowered:
.L_overlay_start_0:
0x88: {  	s2 =	sld [smem:$0x3FD9]  }
0x89: {  	s3 =	sld [smem:$0x3FFE];
	_ =	sdelay $0x1  }
0x8a: {  	s1 =	srdreg.scid  }
0x8b: {  	s0 =	sand.u32 $0x1, s1  }
0x8c: {  	s14 =	sshll.u32 s0, $0xA;
	s2 =	sadd.s32 s3, s2  }
0x8d: {  	s2 =	sadd.s32 s2, s14  }
0x8e: {  	[smem:$0x3FB4] =	sst s2  }
0x8f: {  	_ = 	snop  }
0x90: {  	s2 =	sld [smem:$0x3FD0];
	_ =	sdelay $0x2  }
0x91: {  	s15 =	simm.s32 $0xA;
	s4 =	simm.s32 $0x10  }
0x92: {  	[smem:s4], [sflag:s15] =	dma.local [hbm:s2], $0x1  }
0x93: {  	_ =	swait.eq [sflag:s15], $0x1  }
0x94: {  	[sflag:s15] =	ssyncset.done $0x0  }
0x95: {  	[sflag:s15] =	ssyncadd.s32 $0xFFFFFFFF  }
0x96: {  	s16 =	sld [smem:$0x10];
	(tm) =	ssettm $0x1  }
0x97: {  	s17 =	sld [smem:$0x3FFB];
	_ =	sdelay $0x3  }
0x98: {  	_ =	strace s17  }
0x99: {  	s3 =	sld [smem:$0x3FFC];
	_ =	sdelay $0x3  }
0x9a: {  	_ =	strace s3  }
0x9b: {  	s3 =	sld [smem:$0x3FFD];
	_ =	sdelay $0x3  }
0x9c: {  	_ =	strace s3  }
0x9d: {  	_ =	strace $0x8FFFFFFF  }
0x9e: {  	s18 =	sld [smem:$0x3FDB];
	_ =	sdelay $0x1  }
0x9f: {  	s19 =	simm.s32 $_scs_section_size  }
0xa0: {  	s5 =	simm.s32 $_size__tile_overlayer_lowered;
	s6 =	simm.s32 $_tile_overlayer_lowered  }
0xa1: {  	s22 =	simm.s32 $0x1BFF;
	s21 =	sshll.u32 s6, $0x1;
	s3 =	sadd.s32 s19, s18  }
0xa2: {  	s7 =	simm.s32 $0x0;
	s20 =	sshll.u32 s5, $0x1;
	s5 =	sadd.s32 s21, s3  }
0xa3: {  	[timem:s7], [sflag:s22] =	dma.local [hbm:s5], s20  }
0xa4: {  	_ =	swait.ge [sflag:s22], s20  }
0xa5: {  	s4 =	ssub.s32 $0x0, s20;
	[sflag:s22] =	ssyncset.done $0x0  }
0xa6: {  	[sflag:s22] =	ssyncadd.s32 s4;
	_ =	sdelay $0x1  }
0xa7: {  	s23 =	simm.s32 $0x1B8B  }
0xa8: {  	_ =	swait.ge [sflag:s23], $0x1  }
0xa9: {  	[sflag:s23] =	ssyncset.done $0x0  }
0xaa: {  	s25 =	simm.s32 $0x1B8E;
	s24 =	sld [smem:$0x3FFE];
	[sflag:s23] =	ssyncadd.s32 $0xFFFFFFFF  }
0xab: {  	s26 =	simm.s32 $execute0_lowered;
	[smem:$0x3FD2] =	sst s25  }
0xac: {  	s5 =	sshll.u32 s26, $0x1;
	_ =	strace $0x80000049;
	[dreg:$0x1] =	wrdreg $0xFFFFFFFF  }
0xad: {  	s28 =	simm.s32 $_size_execute0_lowered;
	s3 =	sadd.s32 s3, s5;
	[dreg:$0x0] =	wrdreg $0x0  }
0xae: {  	s5 =	sshll.u32 s28, $0x1;
	[dreg:$0x2] =	wrdreg s3  }
0xaf: {  	[dreg:$0x3] =	wrdreg s5  }
0xb0: {  	[dreg:$0x4] =	wrdreg $0xC0  }
0xb1: {  	_ =	task [dreg:s7], $0x5FFFF  }
0xb2: {  	[dreg:$0x1] =	wrdreg $0xFFFFFFFF  }
0xb3: {  	[dreg:$0x0] =	wrdreg $0x60  }
0xb4: {  	[dreg:$0x2] =	wrdreg s16  }
0xb5: {  	[dreg:$0x3] =	wrdreg s24  }
0xb6: {  	[dreg:$0x4] =	wrdreg $0x90000  }
0xb7: {  	[dreg:$0x5] =	wrdreg $0x9  }
0xb8: {  	_ =	task.clear_ibuf [dreg:s7], $0x6FFFF;
	_ =	strace $0x90000049  }
0xb9: {  	s29 =	simm.s32 $0x9;
	_ =	strace $0x8000004B  }
0xba: {  	_ =	swait.ge [sflag:s29], $0x1  }
0xbb: {  	[sflag:s29] =	ssyncadd.s32 $0xFFFFFFFF  }
0xbc: {  	_ =	strace $0x9000004B  }
0xbd: {  	_ =	sfence  }
0xbe: {  	s30 =	sld [smem:$0x0];
	_ =	sdelay $0x2  }
0xbf: {  	s31 =	sshll.u32 s1, $0xD;
	s1 =	sshrl.u32 s1, $0x2  }
0xc0: {  	s3 =	sand.u32 $0x4000, s31;
	s1 =	sadd.s32 s1, s30  }
0xc1: {  	s0 =	sor.u32 s3, s0;
	s1 =	sshll.u32 s1, $0x11  }
0xc2: {  	s0 =	sor.u32 s1, s0  }
0xc3: {  	s0 =	sadd.s32 $0x8F2B, s0  }
0xc4: {  	[sflag:s0] =	ssyncadd.remote.s32 $0x1  }
0xc5: {  	_ =	sfence.sel $0xFFFF  }
0xc6: {  	[dreg:$0x0] =	wrdreg $0xFFFFFFFF;
	(pc) =	sbr.abs _section_cstart, $3  }
0xc7: {  	[dreg:$0x1] =	wrdreg $0xFFFFFFFF  }
0xc8: {  	_ =	task.clear_ibuf [dreg:s7], $0x2FFFF;
	_ =	strace $0x9FFFFFFF  }
0xc9: {  	(tm) =	ssettm $0x7FFFFFFF  }
tec
execute0_lowered:
.L_overlay_start_1:
0x0: {  	(tag) =	ssettag $0x1  }
0x1: {  	s1 =	rddreg [dreg:$0x0]  }
0x2: {  	s0 =	rddreg [dreg:$0x1]  }
0x3: {  	s3 =	rddreg [dreg:$0x2];
	s4 =	simm.s32 $0x0;
	s13 =	stileid.u32  }
0x4: {  	s2 =	srdreg.scid;
	s28 =	simm.s32 $0x3;
	s29 =	simm.s32 $0x4  }
0x5: {  	s30 =	simm.s32 $0x0;
	[smem:$0x7FF] =	sst s4;
	s5 =	smul.u32 $0x278, s13  }
0x6: {  	s6 =	smul.u32 $0x2E00, s13;
	s2 =	sand.u32 $0x1, s2;
	s8 =	sadd.s32 $0x7FC00, s0  }
0x7: {  	s9 =	sadd.s32 $0x89C00, s0;
	s11 =	smul.u32 $0x5C000, s13;
	s18 =	sshll.u32 s13, $0x6  }
0x8: {  	_ =	strace $0x8000004A;
	s7 =	smul.u32 $0x138800, s2;
	s10 =	sshll.u32 s2, $0x4  }
0x9: {  	s2 =	ssub.s32 $0x2, s2;
	s5 =	smin.u32 s5, $0x2498;
	s6 =	sadd.s32 s6, s0  }
0xa: {  	s10 =	sor.u32 s13, s10;
	s12 =	sshrl.u32 s2, $0x1;
	s17 =	sshrl.u32 s11, $0x2  }
0xb: {  	s5 =	sshll.u32 s5, $0x7;
	s10 =	smul.u32 $0x2800, s10;
	s6 =	sadd.s32 $0x3800, s6  }
0xc: {  	s2 =	ssub.s32 s2, s12;
	s7 =	sadd.s32 s7, s5;
	[dreg:$0x4] =	wrdreg s6  }
0xd: {  	s6 =	sor.u32 $0x1C05, s18;
	s31 =	sadd.s32 s5, s3;
	s7 =	sshrl.u32 s7, $0x3  }
0xe: {  	s18 =	smax.u32 s2, $0x1;
	s10 =	sshrl.u32 s10, $0x3;
	s0 =	sadd.s32 s7, s0  }
0xf: {  	s7 =	sadd.s32 s17, s3;
	s19 =	sadd.s32 s8, s10;
	s20 =	sadd.s32 s9, s10  }
0x10: {  	s21 =	sadd.s32 $0x100, s10;
	s22 =	sadd.s32 $0x200, s10;
	[dreg:$0x5] =	wrdreg s19  }
0x11: {  	s26 =	sadd.s32 $0x300, s10;
	s10 =	sadd.s32 $0x400, s10;
	[dreg:$0x6] =	wrdreg s20  }
0x12: {  	s23 =	sadd.s32 s8, s21;
	s11 =	sadd.s32 s9, s21;
	s24 =	sadd.s32 s8, s22  }
0x13: {  	s25 =	sadd.s32 s9, s22;
	s13 =	sadd.s32 s8, s26;
	s14 =	sadd.s32 s9, s26  }
0x14: {  	s15 =	sadd.s32 s8, s10;
	s16 =	sadd.s32 s9, s10;
	[dreg:$0x7] =	wrdreg s23  }
0x15: {  	s17 =	sadd.s32 $0x31800, s0;
	s19 =	sshrl.u32 s7, $0x3;
	[dreg:$0x8] =	wrdreg s11  }
0x16: {  	s20 =	simm.s32 $0x5;
	s21 =	simm.s32 $0x800;
	[dreg:$0x9] =	wrdreg s24  }
0x17: {  	s22 =	simm.s32 $0x80;
	s26 =	simm.s32 $0x1;
	[dreg:$0xa] =	wrdreg s25  }
0x18: {  	s23 =	simm.s32 $0x1000;
	s24 =	simm.s32 $0x5000;
	s25 =	sshrl.u32 s31, $0x3  }
.LBB2_1:
0x19: {  	s0 =	rddreg [dreg:$0x4]  }
0x1a: {  	[spmem:s19], [sflag:s6] =	dma.local [hbm:s0], $0x2E00  }
0x1b: {  	_ =	swait.ge [sflag:s20], $0x2E00  }
0x1c: {  	[sflag:s20] =	ssyncset.done $0x0  }
0x1d: {  	[sflag:s20] =	ssyncadd.s32 $0xFFFFD200  }
0x1e: {  	[bflag:$0x0] =	sbarrier.arrive $0xFFFF  }
0x1f: {  	s8 =	rddreg [dreg:$0x5]  }
0x20: {  	[tilespmem:s4], [sflag:$0x5] =	stream.linear.gather [hbm4b:s8+s4], $0x800, $0x38;
	v63 =	vld [tilespmem:$0x0]  }
0x21: {  	_ =	swait.ge [sflag:s20], $0x800  }
0x22: {  	[sflag:s20] =	ssyncset.done $0x0  }
0x23: {  	s9 =	rddreg [dreg:$0x6];
	[sflag:s20] =	ssyncadd.s32 $0xFFFFF800  }
0x24: {  	[tilespmem:s21], [sflag:$0x5] =	stream.linear.gather [hbm4b:s9+s4], $0x800, $0x38;
	v63 =	vld [tilespmem:$0x0]  }
0x25: {  	_ =	swait.ge [sflag:s20], $0x800  }
0x26: {  	[sflag:s20] =	ssyncset.done $0x0  }
0x27: {  	[sflag:s20] =	ssyncadd.s32 $0xFFFFF800  }
0x28: {  	[tilespmem:s23], [sflag:$0x1] =	stream.indirect.gather [hbm4b:s1+s22], $0x80, s4, s22, $0xb8;
	v63 =	vld [tilespmem:$0x0]  }
0x29: {  	s10 =	simm.s32 $0x2;
	s31 =	simm.s32 $0x100  }
0x2a: {  	[tilespmem:s24], [sflag:$0x2] =	stream.indirect.gather [hbm4b:s1+s22], $0x80, s22, s22, $0xb8;
	v63 =	vld [tilespmem:$0x0]  }
0x2b: {  	s7 =	simm.s32 $0x1;
	s0 =	sand.u32 $0x1, s10;
	_ =	swait.ge [sflag:s26], $0x4000  }
0x2c: {  	s12 =	sand.u32 $0x1, s7;
	s2 =	sadd.s32 $0x3, s0;
	[sflag:s26] =	ssyncset.done $0x0  }
0x2d: {  	s5 =	sshll.u32 s0, $0xE;
	s0 =	sadd.s32 $0x1, s0;
	[sflag:s26] =	ssyncadd.s32 $0xFFFFC000  }
0x2e: {  	[spmem:s3] =	stream.indirect.scatter.add.f32 [tilespmem:s23], [sflag:$0x3], $0x80, s21, s22, $0xb8;
	v63 =	vld [tilespmem:$0x0]  }
0x2f: {  	s7 =	sshll.u32 s12, $0xE;
	s10 =	sadd.s32 $0x1, s12;
	_ =	swait.ge [sflag:s2], $0x4000  }
0x30: {  	s11 =	sor.u32 $0x1000, s5;
	s5 =	simm.s32 $0x880;
	[sflag:s2] =	ssyncset.done $0x0  }
0x31: {  	s8 =	sadd.s32 $0x3, s12;
	s12 =	sor.u32 $0x1000, s7;
	[sflag:s2] =	ssyncadd.s32 $0xFFFFC000  }
0x32: {  	[tilespmem:s11], [sflag:s0] =	stream.indirect.gather [hbm4b:s1+s22], $0x80, s31, s22, $0xb8;
	v63 =	vld [tilespmem:$0x0]  }
0x33: {  	s2 =	simm.s32 $0x3;
	s0 =	simm.s32 $0x880;
	_ =	swait.ge [sflag:s10], $0x4000  }
.LBB2_2:
0x34: {  	[sflag:s10] =	ssyncset.done $0x0  }
0x35: {  	s0 =	sadd.s32 $0x80, s0;
	s31 =	sadd.s32 $0x80, s31;
	s9 =	smov.u32 s2  }
0x36: {  	s11 =	sand.u32 $0x1, s2;
	p0 =	sne.s32 s2, $0xF;
	[sflag:s10] =	ssyncadd.s32 $0xFFFFC000  }
0x37: {  	[spmem:s3] =	stream.indirect.scatter.add.f32 [tilespmem:s12], [sflag:s8], $0x80, s5, s22, $0xb8;
	v63 =	vld [tilespmem:$0x0]  }
0x38: {  	s2 =	sadd.s32 $0x1, s2;
	s7 =	sadd.s32 $0x3, s11;
	s8 =	sshll.u32 s11, $0xE  }
0x39: {  	s5 =	smov.u32 s0;
	_ =	swait.ge [sflag:s7], $0x4000  }
0x3a: {  	s10 =	sadd.s32 $0xFFFFFFFF, s9;
	s11 =	sadd.s32 $0x1, s11;
	[sflag:s7] =	ssyncset.done $0x0  }
.Ltmp0:
0x3b: {  	s9 =	sor.u32 $0x1000, s8;
	[sflag:s7] =	ssyncadd.s32 $0xFFFFC000;
	(pc) =	sbr.rel @p0 .LBB2_2-.Ltmp0, $4  }
0x3c: {  	[tilespmem:s9], [sflag:s11] =	stream.indirect.gather [hbm4b:s1+s22], $0x80, s31, s22, $0xb8;
	v63 =	vld [tilespmem:$0x0]  }
0x3d: {  	s8 =	sand.u32 $0x1, s10  }
0x3e: {  	s12 =	sshll.u32 s8, $0xE;
	s10 =	sadd.s32 $0x1, s8;
	s8 =	sadd.s32 $0x3, s8  }
0x3f: {  	s12 =	sor.u32 $0x1000, s12;
	_ =	swait.ge [sflag:s10], $0x4000  }
0x40: {  	[sflag:s10] =	ssyncset.done $0x0  }
0x41: {  	[sflag:s10] =	ssyncadd.s32 $0xFFFFC000  }
0x42: {  	[spmem:s3] =	stream.indirect.scatter.add.f32 [tilespmem:s12], [sflag:s8], $0x80, s5, s22, $0xb8;
	v63 =	vld [tilespmem:$0x0]  }
0x43: {  	_ =	swait.ge [sflag:s11], $0x4000  }
0x44: {  	[sflag:s11] =	ssyncset.done $0x0  }
0x45: {  	s0 =	sadd.s32 $0x80, s0;
	[sflag:s11] =	ssyncadd.s32 $0xFFFFC000  }
0x46: {  	[spmem:s3] =	stream.indirect.scatter.add.f32 [tilespmem:s9], [sflag:s7], $0x80, s0, s22, $0xb8;
	v63 =	vld [tilespmem:$0x0]  }
0x47: {  	_ =	swait.ge [sflag:s28], $0x4000  }
0x48: {  	[sflag:s28] =	ssyncset.done $0x0  }
0x49: {  	[sflag:s28] =	ssyncadd.s32 $0xFFFFC000  }
0x4a: {  	_ =	swait.ge [sflag:s29], $0x4000  }
0x4b: {  	[sflag:s29] =	ssyncset.done $0x0  }
0x4c: {  	s5 =	rddreg [dreg:$0x7];
	[sflag:s29] =	ssyncadd.s32 $0xFFFFC000  }
0x4d: {  	[tilespmem:s4], [sflag:$0x5] =	stream.linear.gather [hbm4b:s5+s4], $0x800, $0x38;
	v63 =	vld [tilespmem:$0x0]  }
0x4e: {  	_ =	swait.ge [sflag:s20], $0x800  }
0x4f: {  	[sflag:s20] =	ssyncset.done $0x0  }
0x50: {  	s7 =	rddreg [dreg:$0x8];
	[sflag:s20] =	ssyncadd.s32 $0xFFFFF800  }
0x51: {  	[tilespmem:s21], [sflag:$0x5] =	stream.linear.gather [hbm4b:s7+s4], $0x800, $0x38;
	v63 =	vld [tilespmem:$0x0]  }
0x52: {  	_ =	swait.ge [sflag:s20], $0x800  }
0x53: {  	[sflag:s20] =	ssyncset.done $0x0  }
0x54: {  	[sflag:s20] =	ssyncadd.s32 $0xFFFFF800  }
0x55: {  	[tilespmem:s23], [sflag:$0x1] =	stream.indirect.gather [hbm4b:s1+s22], $0x80, s4, s22, $0xb8;
	v63 =	vld [tilespmem:$0x0]  }
0x56: {  	s31 =	simm.s32 $0x100;
	s10 =	simm.s32 $0x1  }
0x57: {  	[tilespmem:s24], [sflag:$0x2] =	stream.indirect.gather [hbm4b:s1+s22], $0x80, s22, s22, $0xb8;
	v63 =	vld [tilespmem:$0x0]  }
0x58: {  	s8 =	simm.s32 $0x2;
	s12 =	sand.u32 $0x1, s10;
	_ =	swait.ge [sflag:s26], $0x4000  }
0x59: {  	s10 =	sadd.s32 $0x1, s12;
	s0 =	sand.u32 $0x1, s8;
	[sflag:s26] =	ssyncset.done $0x0  }
0x5a: {  	s8 =	sadd.s32 $0x3, s12;
	s2 =	sadd.s32 $0x3, s0;
	[sflag:s26] =	ssyncadd.s32 $0xFFFFC000  }
0x5b: {  	[spmem:s3] =	stream.indirect.scatter.add.f32 [tilespmem:s23], [sflag:$0x3], $0x80, s21, s22, $0xb8;
	v63 =	vld [tilespmem:$0x0]  }
0x5c: {  	s9 =	sshll.u32 s0, $0xE;
	s0 =	sadd.s32 $0x1, s0;
	_ =	swait.ge [sflag:s2], $0x4000  }
0x5d: {  	s11 =	sor.u32 $0x1000, s9;
	s7 =	sshll.u32 s12, $0xE;
	[sflag:s2] =	ssyncset.done $0x0  }
0x5e: {  	s5 =	simm.s32 $0x880;
	s12 =	sor.u32 $0x1000, s7;
	[sflag:s2] =	ssyncadd.s32 $0xFFFFC000  }
0x5f: {  	[tilespmem:s11], [sflag:s0] =	stream.indirect.gather [hbm4b:s1+s22], $0x80, s31, s22, $0xb8;
	v63 =	vld [tilespmem:$0x0]  }
0x60: {  	s2 =	simm.s32 $0x3;
	s0 =	simm.s32 $0x880;
	_ =	swait.ge [sflag:s10], $0x4000  }
.LBB2_4:
0x61: {  	[sflag:s10] =	ssyncset.done $0x0  }
0x62: {  	s0 =	sadd.s32 $0x80, s0;
	s31 =	sadd.s32 $0x80, s31;
	s9 =	smov.u32 s2  }
0x63: {  	s11 =	sand.u32 $0x1, s2;
	p0 =	sne.s32 s2, $0xF;
	[sflag:s10] =	ssyncadd.s32 $0xFFFFC000  }
0x64: {  	[spmem:s3] =	stream.indirect.scatter.add.f32 [tilespmem:s12], [sflag:s8], $0x80, s5, s22, $0xb8;
	v63 =	vld [tilespmem:$0x0]  }
0x65: {  	s2 =	sadd.s32 $0x1, s2;
	s7 =	sadd.s32 $0x3, s11;
	s8 =	sshll.u32 s11, $0xE  }
0x66: {  	s5 =	smov.u32 s0;
	_ =	swait.ge [sflag:s7], $0x4000  }
0x67: {  	s10 =	sadd.s32 $0xFFFFFFFF, s9;
	s11 =	sadd.s32 $0x1, s11;
	[sflag:s7] =	ssyncset.done $0x0  }
.Ltmp1:
0x68: {  	s9 =	sor.u32 $0x1000, s8;
	[sflag:s7] =	ssyncadd.s32 $0xFFFFC000;
	(pc) =	sbr.rel @p0 .LBB2_4-.Ltmp1, $4  }
0x69: {  	[tilespmem:s9], [sflag:s11] =	stream.indirect.gather [hbm4b:s1+s22], $0x80, s31, s22, $0xb8;
	v63 =	vld [tilespmem:$0x0]  }
0x6a: {  	s8 =	sand.u32 $0x1, s10  }
0x6b: {  	s12 =	sshll.u32 s8, $0xE;
	s10 =	sadd.s32 $0x1, s8;
	s8 =	sadd.s32 $0x3, s8  }
0x6c: {  	s12 =	sor.u32 $0x1000, s12;
	_ =	swait.ge [sflag:s10], $0x4000  }
0x6d: {  	[sflag:s10] =	ssyncset.done $0x0  }
0x6e: {  	[sflag:s10] =	ssyncadd.s32 $0xFFFFC000  }
0x6f: {  	[spmem:s3] =	stream.indirect.scatter.add.f32 [tilespmem:s12], [sflag:s8], $0x80, s5, s22, $0xb8;
	v63 =	vld [tilespmem:$0x0]  }
0x70: {  	_ =	swait.ge [sflag:s11], $0x4000  }
0x71: {  	[sflag:s11] =	ssyncset.done $0x0  }
0x72: {  	s0 =	sadd.s32 $0x80, s0;
	[sflag:s11] =	ssyncadd.s32 $0xFFFFC000  }
0x73: {  	[spmem:s3] =	stream.indirect.scatter.add.f32 [tilespmem:s9], [sflag:s7], $0x80, s0, s22, $0xb8;
	v63 =	vld [tilespmem:$0x0]  }
0x74: {  	_ =	swait.ge [sflag:s28], $0x4000  }
0x75: {  	[sflag:s28] =	ssyncset.done $0x0  }
0x76: {  	[sflag:s28] =	ssyncadd.s32 $0xFFFFC000  }
0x77: {  	_ =	swait.ge [sflag:s29], $0x4000  }
0x78: {  	[sflag:s29] =	ssyncset.done $0x0  }
0x79: {  	s5 =	rddreg [dreg:$0x9];
	[sflag:s29] =	ssyncadd.s32 $0xFFFFC000  }
0x7a: {  	[tilespmem:s4], [sflag:$0x5] =	stream.linear.gather [hbm4b:s5+s4], $0x800, $0x38;
	v63 =	vld [tilespmem:$0x0]  }
0x7b: {  	_ =	swait.ge [sflag:s20], $0x800  }
0x7c: {  	[sflag:s20] =	ssyncset.done $0x0  }
0x7d: {  	s7 =	rddreg [dreg:$0xa];
	[sflag:s20] =	ssyncadd.s32 $0xFFFFF800  }
0x7e: {  	[tilespmem:s21], [sflag:$0x5] =	stream.linear.gather [hbm4b:s7+s4], $0x800, $0x38;
	v63 =	vld [tilespmem:$0x0]  }
0x7f: {  	_ =	swait.ge [sflag:s20], $0x800  }
0x80: {  	[sflag:s20] =	ssyncset.done $0x0  }
0x81: {  	[sflag:s20] =	ssyncadd.s32 $0xFFFFF800  }
0x82: {  	[tilespmem:s23], [sflag:$0x1] =	stream.indirect.gather [hbm4b:s1+s22], $0x80, s4, s22, $0xb8;
	v63 =	vld [tilespmem:$0x0]  }
0x83: {  	s31 =	simm.s32 $0x100;
	s10 =	simm.s32 $0x1  }
0x84: {  	[tilespmem:s24], [sflag:$0x2] =	stream.indirect.gather [hbm4b:s1+s22], $0x80, s22, s22, $0xb8;
	v63 =	vld [tilespmem:$0x0]  }
0x85: {  	s8 =	simm.s32 $0x2;
	s12 =	sand.u32 $0x1, s10;
	_ =	swait.ge [sflag:s26], $0x4000  }
0x86: {  	s10 =	sadd.s32 $0x1, s12;
	s0 =	sand.u32 $0x1, s8;
	[sflag:s26] =	ssyncset.done $0x0  }
0x87: {  	s8 =	sadd.s32 $0x3, s12;
	s2 =	sadd.s32 $0x3, s0;
	[sflag:s26] =	ssyncadd.s32 $0xFFFFC000  }
0x88: {  	[spmem:s3] =	stream.indirect.scatter.add.f32 [tilespmem:s23], [sflag:$0x3], $0x80, s21, s22, $0xb8;
	v63 =	vld [tilespmem:$0x0]  }
0x89: {  	s9 =	sshll.u32 s0, $0xE;
	s0 =	sadd.s32 $0x1, s0;
	_ =	swait.ge [sflag:s2], $0x4000  }
0x8a: {  	s11 =	sor.u32 $0x1000, s9;
	s7 =	sshll.u32 s12, $0xE;
	[sflag:s2] =	ssyncset.done $0x0  }
0x8b: {  	s5 =	simm.s32 $0x880;
	s12 =	sor.u32 $0x1000, s7;
	[sflag:s2] =	ssyncadd.s32 $0xFFFFC000  }
0x8c: {  	[tilespmem:s11], [sflag:s0] =	stream.indirect.gather [hbm4b:s1+s22], $0x80, s31, s22, $0xb8;
	v63 =	vld [tilespmem:$0x0]  }
0x8d: {  	s2 =	simm.s32 $0x3;
	s0 =	simm.s32 $0x880;
	_ =	swait.ge [sflag:s10], $0x4000  }
.LBB2_6:
0x8e: {  	[sflag:s10] =	ssyncset.done $0x0  }
0x8f: {  	s0 =	sadd.s32 $0x80, s0;
	s31 =	sadd.s32 $0x80, s31;
	s9 =	smov.u32 s2  }
0x90: {  	s11 =	sand.u32 $0x1, s2;
	p0 =	sne.s32 s2, $0xF;
	[sflag:s10] =	ssyncadd.s32 $0xFFFFC000  }
0x91: {  	[spmem:s3] =	stream.indirect.scatter.add.f32 [tilespmem:s12], [sflag:s8], $0x80, s5, s22, $0xb8;
	v63 =	vld [tilespmem:$0x0]  }
0x92: {  	s2 =	sadd.s32 $0x1, s2;
	s7 =	sadd.s32 $0x3, s11;
	s8 =	sshll.u32 s11, $0xE  }
0x93: {  	s5 =	smov.u32 s0;
	_ =	swait.ge [sflag:s7], $0x4000  }
0x94: {  	s10 =	sadd.s32 $0xFFFFFFFF, s9;
	s11 =	sadd.s32 $0x1, s11;
	[sflag:s7] =	ssyncset.done $0x0  }
.Ltmp2:
0x95: {  	s9 =	sor.u32 $0x1000, s8;
	[sflag:s7] =	ssyncadd.s32 $0xFFFFC000;
	(pc) =	sbr.rel @p0 .LBB2_6-.Ltmp2, $4  }
0x96: {  	[tilespmem:s9], [sflag:s11] =	stream.indirect.gather [hbm4b:s1+s22], $0x80, s31, s22, $0xb8;
	v63 =	vld [tilespmem:$0x0]  }
0x97: {  	s8 =	sand.u32 $0x1, s10  }
0x98: {  	s12 =	sshll.u32 s8, $0xE;
	s10 =	sadd.s32 $0x1, s8;
	s8 =	sadd.s32 $0x3, s8  }
0x99: {  	s12 =	sor.u32 $0x1000, s12;
	_ =	swait.ge [sflag:s10], $0x4000  }
0x9a: {  	[sflag:s10] =	ssyncset.done $0x0  }
0x9b: {  	[sflag:s10] =	ssyncadd.s32 $0xFFFFC000  }
0x9c: {  	[spmem:s3] =	stream.indirect.scatter.add.f32 [tilespmem:s12], [sflag:s8], $0x80, s5, s22, $0xb8;
	v63 =	vld [tilespmem:$0x0]  }
0x9d: {  	_ =	swait.ge [sflag:s11], $0x4000  }
0x9e: {  	[sflag:s11] =	ssyncset.done $0x0  }
0x9f: {  	s0 =	sadd.s32 $0x80, s0;
	[sflag:s11] =	ssyncadd.s32 $0xFFFFC000  }
0xa0: {  	[spmem:s3] =	stream.indirect.scatter.add.f32 [tilespmem:s9], [sflag:s7], $0x80, s0, s22, $0xb8;
	v63 =	vld [tilespmem:$0x0]  }
0xa1: {  	_ =	swait.ge [sflag:s28], $0x4000  }
0xa2: {  	[sflag:s28] =	ssyncset.done $0x0  }
0xa3: {  	[sflag:s28] =	ssyncadd.s32 $0xFFFFC000  }
0xa4: {  	_ =	swait.ge [sflag:s29], $0x4000  }
0xa5: {  	[sflag:s29] =	ssyncset.done $0x0  }
0xa6: {  	[sflag:s29] =	ssyncadd.s32 $0xFFFFC000  }
0xa7: {  	[tilespmem:s4], [sflag:$0x5] =	stream.linear.gather [hbm4b:s13+s4], $0x800, $0x38;
	v63 =	vld [tilespmem:$0x0]  }
0xa8: {  	_ =	swait.ge [sflag:s20], $0x800  }
0xa9: {  	[sflag:s20] =	ssyncset.done $0x0  }
0xaa: {  	[sflag:s20] =	ssyncadd.s32 $0xFFFFF800  }
0xab: {  	[tilespmem:s21], [sflag:$0x5] =	stream.linear.gather [hbm4b:s14+s4], $0x800, $0x38;
	v63 =	vld [tilespmem:$0x0]  }
0xac: {  	_ =	swait.ge [sflag:s20], $0x800  }
0xad: {  	[sflag:s20] =	ssyncset.done $0x0  }
0xae: {  	[sflag:s20] =	ssyncadd.s32 $0xFFFFF800  }
0xaf: {  	[tilespmem:s23], [sflag:$0x1] =	stream.indirect.gather [hbm4b:s1+s22], $0x80, s4, s22, $0xb8;
	v63 =	vld [tilespmem:$0x0]  }
0xb0: {  	s31 =	simm.s32 $0x100;
	s10 =	simm.s32 $0x1  }
0xb1: {  	[tilespmem:s24], [sflag:$0x2] =	stream.indirect.gather [hbm4b:s1+s22], $0x80, s22, s22, $0xb8;
	v63 =	vld [tilespmem:$0x0]  }
0xb2: {  	s8 =	simm.s32 $0x2;
	s12 =	sand.u32 $0x1, s10;
	_ =	swait.ge [sflag:s26], $0x4000  }
0xb3: {  	s5 =	simm.s32 $0x880;
	s0 =	sand.u32 $0x1, s8;
	[sflag:s26] =	ssyncset.done $0x0  }
0xb4: {  	s10 =	sadd.s32 $0x1, s12;
	s2 =	sadd.s32 $0x3, s0;
	[sflag:s26] =	ssyncadd.s32 $0xFFFFC000  }
0xb5: {  	[spmem:s3] =	stream.indirect.scatter.add.f32 [tilespmem:s23], [sflag:$0x3], $0x80, s21, s22, $0xb8;
	v63 =	vld [tilespmem:$0x0]  }
0xb6: {  	s7 =	sshll.u32 s12, $0xE;
	s8 =	sadd.s32 $0x3, s12;
	_ =	swait.ge [sflag:s2], $0x4000  }
0xb7: {  	s9 =	sshll.u32 s0, $0xE;
	s0 =	sadd.s32 $0x1, s0;
	[sflag:s2] =	ssyncset.done $0x0  }
0xb8: {  	s12 =	sor.u32 $0x1000, s7;
	s11 =	sor.u32 $0x1000, s9;
	[sflag:s2] =	ssyncadd.s32 $0xFFFFC000  }
0xb9: {  	[tilespmem:s11], [sflag:s0] =	stream.indirect.gather [hbm4b:s1+s22], $0x80, s31, s22, $0xb8;
	v63 =	vld [tilespmem:$0x0]  }
0xba: {  	s2 =	simm.s32 $0x3;
	s0 =	simm.s32 $0x880;
	_ =	swait.ge [sflag:s10], $0x4000  }
.LBB2_8:
0xbb: {  	[sflag:s10] =	ssyncset.done $0x0  }
0xbc: {  	s0 =	sadd.s32 $0x80, s0;
	s31 =	sadd.s32 $0x80, s31;
	s9 =	smov.u32 s2  }
0xbd: {  	s11 =	sand.u32 $0x1, s2;
	p0 =	sne.s32 s2, $0xF;
	[sflag:s10] =	ssyncadd.s32 $0xFFFFC000  }
0xbe: {  	[spmem:s3] =	stream.indirect.scatter.add.f32 [tilespmem:s12], [sflag:s8], $0x80, s5, s22, $0xb8;
	v63 =	vld [tilespmem:$0x0]  }
0xbf: {  	s2 =	sadd.s32 $0x1, s2;
	s7 =	sadd.s32 $0x3, s11;
	s8 =	sshll.u32 s11, $0xE  }
0xc0: {  	s5 =	smov.u32 s0;
	_ =	swait.ge [sflag:s7], $0x4000  }
0xc1: {  	s10 =	sadd.s32 $0xFFFFFFFF, s9;
	s11 =	sadd.s32 $0x1, s11;
	[sflag:s7] =	ssyncset.done $0x0  }
.Ltmp3:
0xc2: {  	s9 =	sor.u32 $0x1000, s8;
	[sflag:s7] =	ssyncadd.s32 $0xFFFFC000;
	(pc) =	sbr.rel @p0 .LBB2_8-.Ltmp3, $4  }
0xc3: {  	[tilespmem:s9], [sflag:s11] =	stream.indirect.gather [hbm4b:s1+s22], $0x80, s31, s22, $0xb8;
	v63 =	vld [tilespmem:$0x0]  }
0xc4: {  	s8 =	sand.u32 $0x1, s10  }
0xc5: {  	s12 =	sshll.u32 s8, $0xE;
	s10 =	sadd.s32 $0x1, s8;
	s8 =	sadd.s32 $0x3, s8  }
0xc6: {  	s12 =	sor.u32 $0x1000, s12;
	_ =	swait.ge [sflag:s10], $0x4000  }
0xc7: {  	[sflag:s10] =	ssyncset.done $0x0  }
0xc8: {  	[sflag:s10] =	ssyncadd.s32 $0xFFFFC000  }
0xc9: {  	[spmem:s3] =	stream.indirect.scatter.add.f32 [tilespmem:s12], [sflag:s8], $0x80, s5, s22, $0xb8;
	v63 =	vld [tilespmem:$0x0]  }
0xca: {  	_ =	swait.ge [sflag:s11], $0x4000  }
0xcb: {  	[sflag:s11] =	ssyncset.done $0x0  }
0xcc: {  	s0 =	sadd.s32 $0x80, s0;
	[sflag:s11] =	ssyncadd.s32 $0xFFFFC000  }
0xcd: {  	[spmem:s3] =	stream.indirect.scatter.add.f32 [tilespmem:s9], [sflag:s7], $0x80, s0, s22, $0xb8;
	v63 =	vld [tilespmem:$0x0]  }
0xce: {  	_ =	swait.ge [sflag:s28], $0x4000  }
0xcf: {  	[sflag:s28] =	ssyncset.done $0x0  }
0xd0: {  	[sflag:s28] =	ssyncadd.s32 $0xFFFFC000  }
0xd1: {  	_ =	swait.ge [sflag:s29], $0x4000  }
0xd2: {  	[sflag:s29] =	ssyncset.done $0x0  }
0xd3: {  	[sflag:s29] =	ssyncadd.s32 $0xFFFFC000  }
0xd4: {  	[tilespmem:s4], [sflag:$0x5] =	stream.linear.gather [hbm4b:s15+s4], $0x800, $0x38;
	v63 =	vld [tilespmem:$0x0]  }
0xd5: {  	_ =	swait.ge [sflag:s20], $0x800  }
0xd6: {  	[sflag:s20] =	ssyncset.done $0x0  }
0xd7: {  	[sflag:s20] =	ssyncadd.s32 $0xFFFFF800  }
0xd8: {  	[tilespmem:s21], [sflag:$0x5] =	stream.linear.gather [hbm4b:s16+s4], $0x800, $0x38;
	v63 =	vld [tilespmem:$0x0]  }
0xd9: {  	_ =	swait.ge [sflag:s20], $0x800  }
0xda: {  	[sflag:s20] =	ssyncset.done $0x0  }
0xdb: {  	[sflag:s20] =	ssyncadd.s32 $0xFFFFF800  }
0xdc: {  	[tilespmem:s23], [sflag:$0x1] =	stream.indirect.gather [hbm4b:s1+s22], $0x80, s4, s22, $0xb8;
	v63 =	vld [tilespmem:$0x0]  }
0xdd: {  	s31 =	simm.s32 $0x100;
	s10 =	simm.s32 $0x1  }
0xde: {  	[tilespmem:s24], [sflag:$0x2] =	stream.indirect.gather [hbm4b:s1+s22], $0x80, s22, s22, $0xb8;
	v63 =	vld [tilespmem:$0x0]  }
0xdf: {  	s8 =	simm.s32 $0x2;
	s12 =	sand.u32 $0x1, s10;
	_ =	swait.ge [sflag:s26], $0x4000  }
0xe0: {  	s5 =	simm.s32 $0x880;
	s0 =	sand.u32 $0x1, s8;
	[sflag:s26] =	ssyncset.done $0x0  }
0xe1: {  	s10 =	sadd.s32 $0x1, s12;
	s2 =	sadd.s32 $0x3, s0;
	[sflag:s26] =	ssyncadd.s32 $0xFFFFC000  }
0xe2: {  	[spmem:s3] =	stream.indirect.scatter.add.f32 [tilespmem:s23], [sflag:$0x3], $0x80, s21, s22, $0xb8;
	v63 =	vld [tilespmem:$0x0]  }
0xe3: {  	s7 =	sshll.u32 s12, $0xE;
	s8 =	sadd.s32 $0x3, s12;
	_ =	swait.ge [sflag:s2], $0x4000  }
0xe4: {  	s9 =	sshll.u32 s0, $0xE;
	s0 =	sadd.s32 $0x1, s0;
	[sflag:s2] =	ssyncset.done $0x0  }
0xe5: {  	s12 =	sor.u32 $0x1000, s7;
	s11 =	sor.u32 $0x1000, s9;
	[sflag:s2] =	ssyncadd.s32 $0xFFFFC000  }
0xe6: {  	[tilespmem:s11], [sflag:s0] =	stream.indirect.gather [hbm4b:s1+s22], $0x80, s31, s22, $0xb8;
	v63 =	vld [tilespmem:$0x0]  }
0xe7: {  	s2 =	simm.s32 $0x3;
	s0 =	simm.s32 $0x880;
	_ =	swait.ge [sflag:s10], $0x4000  }
.LBB2_10:
0xe8: {  	[sflag:s10] =	ssyncset.done $0x0  }
0xe9: {  	s0 =	sadd.s32 $0x80, s0;
	s31 =	sadd.s32 $0x80, s31;
	s9 =	smov.u32 s2  }
0xea: {  	s11 =	sand.u32 $0x1, s2;
	p0 =	sne.s32 s2, $0xF;
	[sflag:s10] =	ssyncadd.s32 $0xFFFFC000  }
0xeb: {  	[spmem:s3] =	stream.indirect.scatter.add.f32 [tilespmem:s12], [sflag:s8], $0x80, s5, s22, $0xb8;
	v63 =	vld [tilespmem:$0x0]  }
0xec: {  	s2 =	sadd.s32 $0x1, s2;
	s7 =	sadd.s32 $0x3, s11;
	s8 =	sshll.u32 s11, $0xE  }
0xed: {  	s5 =	smov.u32 s0;
	_ =	swait.ge [sflag:s7], $0x4000  }
0xee: {  	s10 =	sadd.s32 $0xFFFFFFFF, s9;
	s11 =	sadd.s32 $0x1, s11;
	[sflag:s7] =	ssyncset.done $0x0  }
.Ltmp4:
0xef: {  	s9 =	sor.u32 $0x1000, s8;
	[sflag:s7] =	ssyncadd.s32 $0xFFFFC000;
	(pc) =	sbr.rel @p0 .LBB2_10-.Ltmp4, $4  }
0xf0: {  	[tilespmem:s9], [sflag:s11] =	stream.indirect.gather [hbm4b:s1+s22], $0x80, s31, s22, $0xb8;
	v63 =	vld [tilespmem:$0x0]  }
0xf1: {  	s8 =	sand.u32 $0x1, s10  }
0xf2: {  	s12 =	sshll.u32 s8, $0xE;
	s10 =	sadd.s32 $0x1, s8;
	s8 =	sadd.s32 $0x3, s8  }
0xf3: {  	s12 =	sor.u32 $0x1000, s12;
	_ =	swait.ge [sflag:s10], $0x4000  }
0xf4: {  	[sflag:s10] =	ssyncset.done $0x0  }
0xf5: {  	[sflag:s10] =	ssyncadd.s32 $0xFFFFC000  }
0xf6: {  	[spmem:s3] =	stream.indirect.scatter.add.f32 [tilespmem:s12], [sflag:s8], $0x80, s5, s22, $0xb8;
	v63 =	vld [tilespmem:$0x0]  }
0xf7: {  	_ =	swait.ge [sflag:s11], $0x4000  }
0xf8: {  	[sflag:s11] =	ssyncset.done $0x0  }
0xf9: {  	s0 =	sadd.s32 $0x80, s0;
	[sflag:s11] =	ssyncadd.s32 $0xFFFFC000  }
0xfa: {  	[spmem:s3] =	stream.indirect.scatter.add.f32 [tilespmem:s9], [sflag:s7], $0x80, s0, s22, $0xb8;
	v63 =	vld [tilespmem:$0x0]  }
0xfb: {  	_ =	swait.ge [sflag:s28], $0x4000  }
0xfc: {  	[sflag:s28] =	ssyncset.done $0x0  }
0xfd: {  	[sflag:s28] =	ssyncadd.s32 $0xFFFFC000  }
0xfe: {  	_ =	swait.ge [sflag:s29], $0x4000  }
0xff: {  	s30 =	sadd.s32 $0x1, s30;
	[sflag:s29] =	ssyncset.done $0x0  }
0x100: {  	p0 =	sne.s32 s30, s18;
	[sflag:s29] =	ssyncadd.s32 $0xFFFFC000  }
.Ltmp5:
0x101: {  	[bflag:$0x0] =	sbarrier.arrive $0xFFFF;
	(pc) =	sbr.rel @p0 .LBB2_1-.Ltmp5, $4  }
0x102: {  	[hbm:s17], [sflag:s6] =	dma.local [spmem:s25], $0x2780  }
0x103: {  	_ =	swait.ge [sflag:s20], $0x2780  }
0x104: {  	[sflag:s20] =	ssyncset.done $0x0  }
0x105: {  	[sflag:s20] =	ssyncadd.s32 $0xFFFFD880  }
0x106: {  	_ =	sfence.sel $0x180000  }
0x107: {  	[bflag:$0x0] =	sbarrier.arrive $0xFFFF  }
0x108: {  	_ =	strace $0x9000004A  }
0x109: {  	s0 =	stileid.u32;
	[bflag:$0x2] =	sbarrier.arrive $0xFFFF  }
0x10a: {  	p0 =	sne.s32 s0, $0x0;
	s0 =	rddreg [dreg:$0x3]  }
0x10b: {  	s0 =	sadd.s32 @!p0 $0x100000, s0  }
0x10c: {  	[sflag:s0] =	ssyncadd.tile.s32 @!p0 $0x1;
	_ =	shalt  }
.Lfunc_end2:
_tile_overlayer_lowered:
.L_overlay_start_2:
0x10d: {  	(tag) =	ssettag $0x2  }
0x10e: {  	s0 =	rddreg [dreg:$0x0];
	s2 =	stileid.u32  }
0x10f: {  	s1 =	rddreg [dreg:$0x1];
	p0 =	sne.s32 s2, $0x0  }
0x110: {  	s3 =	rddreg [dreg:$0x2];
	[bflag:$0x3] =	sbarrier.arrive $0xFFFF;
	s2 =	simm.s32 @!p0 $0x1C05  }
0x111: {  	[timem:s3], [sflag:s2] =	dma.local @!p0 [hbm:s0], s1  }
0x112: {  	s0 =	simm.s32 @!p0 $0x5  }
0x113: {  	_ =	swait.ge @!p0 [sflag:s0], s1  }
0x114: {  	s1 =	ssub.s32 @!p0 $0x0, s1;
	[sflag:s0] =	ssyncset.done @!p0 $0x0  }
0x115: {  	[sflag:s0] =	ssyncadd.s32 @!p0 s1  }
0x116: {  	[bflag:$0x3] =	sbarrier.arrive $0xFFFF  }
0x117: {  	_ =	shalt  }

</sc_bundles>
